<compile_context>
chip_gen: v7x
topology: tpu7x:2x2x1
jax: 0.10.2.dev20260603
libtpu: 0.0.44.dev20260713+nightly
codegen_flags: <defaults>
</compile_context>

<pallas_src>
import functools

import jax
import jax.numpy as jnp
from jax import lax
from jax.experimental import pallas as pl
from jax.experimental.pallas import tpu as pltpu
from jax.experimental.pallas import tpu_sc as plsc

D = 51
TPAD = 512
CH = 576


def _make_gather(B: int):
    info = plsc.get_sparse_core_info()
    NC, NS, L = info.num_cores, info.num_subcores, info.num_lanes
    NW = NC * NS
    assert B % (NW * CH * 2) == 0 and CH % L == 0
    per_w = B // NW
    n_chunks = per_w // CH
    n_groups = CH // L
    mesh = plsc.VectorSubcoreMesh(core_axis_name="c", subcore_axis_name="s")

    @functools.partial(
        pl.kernel,
        mesh=mesh,
        compiler_params=pltpu.CompilerParams(
            use_tc_tiling_on_sc=False, needs_layout_passes=False),
        out_type=jax.ShapeDtypeStruct((B * D,), jnp.float32),
        scratch_types=[
            pltpu.VMEM((TPAD,), jnp.float32),
            pltpu.VMEM((CH,), jnp.int32),
            pltpu.VMEM((CH,), jnp.int32),
            pltpu.VMEM((CH * D,), jnp.float32),
            pltpu.VMEM((CH * D,), jnp.float32),
            pltpu.SemaphoreType.DMA,
            pltpu.SemaphoreType.DMA,
            pltpu.SemaphoreType.DMA,
            pltpu.SemaphoreType.DMA,
        ],
    )
    def gather_kernel(table_hbm, idx_hbm, out_hbm, table_v,
                      idx_v0, idx_v1, out_v0, out_v1,
                      sem_i0, sem_i1, sem_o0, sem_o1):
        wid = lax.axis_index("s") * NC + lax.axis_index("c")
        base = wid * per_w
        pltpu.sync_copy(table_hbm, table_v)
        lane_rows = lax.iota(jnp.int32, L) * D

        idx_bufs = (idx_v0, idx_v1)
        out_bufs = (out_v0, out_v1)
        sem_i = (sem_i0, sem_i1)
        sem_o = (sem_o0, sem_o1)

        def idx_copy(c, p):
            start = base + c * CH
            return pltpu.make_async_copy(
                idx_hbm.at[pl.ds(start, CH)], idx_bufs[p], sem_i[p])

        def out_copy(c, p):
            start = base + c * CH
            return pltpu.make_async_copy(
                out_bufs[p], out_hbm.at[pl.ds(start * D, CH * D)], sem_o[p])

        idx_copy(0, 0).start()

        def super_body(s, carry):
            for p in range(2):
                c = 2 * s + p
                idx_copy(c, p).wait()

                @pl.when(c + 1 < n_chunks)
                def _():
                    idx_copy(c + 1, 1 - p).start()

                @pl.when(c >= 2)
                def _():
                    out_copy(c - 2, p).wait()

                idx_v = idx_bufs[p]
                out_v = out_bufs[p]

                @plsc.parallel_loop(0, n_groups, unroll=4)
                def group_body(g):
                    colors_v = idx_v[pl.ds(g * L, L)]
                    src0 = colors_v * D
                    dst0 = lane_rows + g * (L * D)
                    for j in range(D):
                        v = plsc.load_gather(table_v, [src0 + j])
                        plsc.store_scatter(out_v, [dst0 + j], v)

                out_copy(c, p).start()
            return carry

        lax.fori_loop(0, n_chunks // 2, super_body, 0)
        out_copy(n_chunks - 2, 0).wait()
        out_copy(n_chunks - 1, 1).wait()

    return gather_kernel


def kernel(colors, table, onehot_matrix, prop_matrix):
    fused = jnp.concatenate([table, onehot_matrix, prop_matrix], axis=1)
    flat = jnp.concatenate(
        [fused.reshape(-1), jnp.zeros((TPAD - fused.size,), jnp.float32)])
    B = colors.size
    idx = colors.reshape(B).astype(jnp.int32)
    out = _make_gather(B)(flat, idx)
    return out.reshape(colors.shape + (D,))

# --- scband reference (transcript-rebuilt; emitter-appended) ---
"""Pipeline reference for scband-color-encoder-14791867367810 (READ-ONLY COPY).

The authoritative reference and input builder live on the scoring server;
editing this copy changes nothing except your own understanding.
"""

import jax, jax.numpy as jnp
import numpy as np


def _color_tables():
    rgb = np.array([
        [0, 0, 0], [0, 116, 217], [255, 65, 54], [46, 204, 64], [255, 220, 0],
        [170, 170, 170], [240, 18, 190], [255, 133, 27], [127, 219, 255], [135, 12, 37]
    ], dtype=np.float64)
    r, g, b = rgb[:, 0], rgb[:, 1], rgb[:, 2]
    brightness = (0.299 * r + 0.587 * g + 0.114 * b) / 255.0
    is_neutral = (np.abs(r - g) < 30) & (np.abs(g - b) < 30) & (np.abs(r - b) < 30)
    is_warm = ((r > b) & ((r > 100) | (g > 150))) & (~is_neutral)
    is_cool = ((b > r) | ((g > r) & (g > 100))) & (~is_neutral)
    is_dark = brightness < 0.5
    is_bg = (np.arange(10) == 0)
    prop = np.stack([
        r / 255.0, g / 255.0, b / 255.0, brightness,
        is_dark.astype(np.float64), is_warm.astype(np.float64),
        is_cool.astype(np.float64), is_neutral.astype(np.float64),
        is_bg.astype(np.float64)
    ], axis=1).astype(np.float32)
    return rgb.astype(np.float32), brightness.astype(np.float32), prop


def setup_inputs(seed: int = 0) -> dict:
    key = jax.random.key(seed)
    k1, k2 = jax.random.split(key)
    colors = jax.random.randint(k1, (2048, 30, 30), 0, 10)
    rgb, brightness, prop = _color_tables()
    table = 0.1 * jax.random.normal(k2, (10, 32), dtype=jnp.float32)
    table = table.at[:, 0].set(jnp.asarray(brightness))
    table = table.at[:, 1:4].set(jnp.asarray(rgb / 255.0))
    onehot_matrix = jnp.eye(10, dtype=jnp.float32)
    prop_matrix = jnp.asarray(prop)
    return {"colors": colors, "table": table, "onehot_matrix": onehot_matrix, "prop_matrix": prop_matrix}


def reference(colors, table, onehot_matrix, prop_matrix):
    # encode_embedding: learned embedding lookup
    emb = jnp.take(table, colors, axis=0)
    # encode_onehot: gather rows of identity matrix
    oh = jnp.take(onehot_matrix, colors, axis=0)
    # encode_properties: gather rows of deterministic property matrix
    pr = jnp.take(prop_matrix, colors, axis=0)
    return jnp.concatenate([emb, oh, pr], axis=-1)

if __name__ == "__main__":
    import jax
    _d = setup_inputs()
    print(jax.jit(kernel)(*tuple(_d.values())))

</pallas_src>

<mosaic_0001>
#map = affine_map<(d0, d1) -> (0)>
module attributes {stable_mosaic.version = 14 : i64} {
  func.func @gather_kernel(%arg0: i32, %arg1: i32, %arg2: memref<512xf32, #tpu.memory_space<hbm>>, %arg3: memref<1843200xi32, #tpu.memory_space<hbm>>, %arg4: memref<94003200xf32, #tpu.memory_space<hbm>>, %arg5: memref<512xf32, #tpu.memory_space<vmem>>, %arg6: memref<576xi32, #tpu.memory_space<vmem>>, %arg7: memref<576xi32, #tpu.memory_space<vmem>>, %arg8: memref<29376xf32, #tpu.memory_space<vmem>>, %arg9: memref<29376xf32, #tpu.memory_space<vmem>>, %arg10: memref<!tpu.dma_semaphore, #tpu.memory_space<semaphore_mem>>, %arg11: memref<!tpu.dma_semaphore, #tpu.memory_space<semaphore_mem>>, %arg12: memref<!tpu.dma_semaphore, #tpu.memory_space<semaphore_mem>>, %arg13: memref<!tpu.dma_semaphore, #tpu.memory_space<semaphore_mem>>) attributes {dimension_semantics = [#tpu.dimension_semantics<core_parallel>, #tpu.dimension_semantics<subcore_parallel>], iteration_bounds = array<i64: 2, 16>, scalar_prefetch = 0 : i64, scratch_operands = 9 : i64, tpu.core_type = #tpu.core_type<sc_vector_subcore>, window_params = [{transform_indices = #map}, {transform_indices = #map}, {transform_indices = #map}]} {
    %mul3A = arith.constant 2 : i32
    %mul3A_0 = arith.muli %arg1, %mul3A : i32
    %add3A = arith.addi %mul3A_0, %arg0 : i32
    %mul3A_1 = arith.constant 57600 : i32
    %mul3A_2 = arith.muli %add3A, %mul3A_1 : i32
    "tpu.region"() ({
      %run_scoped3A = tpu.sem_alloc : memref<!tpu.dma_semaphore, #tpu.memory_space<semaphore_mem>>
      tpu.enqueue_dma source(%arg2 : memref<512xf32, #tpu.memory_space<hbm>>) target(%arg5 : memref<512xf32, #tpu.memory_space<vmem>>) target_semaphore(%run_scoped3A : memref<!tpu.dma_semaphore, #tpu.memory_space<semaphore_mem>>)
      tpu.wait_dma2 semaphore(%run_scoped3A : memref<!tpu.dma_semaphore, #tpu.memory_space<semaphore_mem>>) src(%arg2 : memref<512xf32, #tpu.memory_space<hbm>>) dst(%arg5 : memref<512xf32, #tpu.memory_space<vmem>>)
      tpu.yield
    }) : () -> ()
    %iota3A = tpu.iota {dimensions = array<i32: 0>} : vector<16xi32>
    %mul3A_3 = arith.constant 51 : i32
    %mul3A_4 = vector.broadcast %mul3A_3 : i32 to vector<16xi32>
    %mul3A_5 = arith.muli %iota3A, %mul3A_4 : vector<16xi32>
    %add3A_6 = arith.constant 0 : i32
    %add3A_7 = arith.addi %mul3A_2, %add3A_6 : i32
    %dma_start3A = tpu.memref_slice %arg3[%add3A_7] : memref<1843200xi32, #tpu.memory_space<hbm>> -> memref<576xi32, #tpu.memory_space<hbm>>
    %dma_start3A_8 = tpu.memref_slice %arg3[%add3A_7] : memref<1843200xi32, #tpu.memory_space<hbm>> -> memref<576xi32, #tpu.memory_space<hbm>>
    tpu.enqueue_dma source(%dma_start3A_8 : memref<576xi32, #tpu.memory_space<hbm>>) target(%arg6 : memref<576xi32, #tpu.memory_space<vmem>>) target_semaphore(%arg10 : memref<!tpu.dma_semaphore, #tpu.memory_space<semaphore_mem>>)
    %scan3A = arith.constant 0 : i32
    %scan3A_9 = arith.constant 0 : i32
    %scan3A_10 = arith.constant 50 : i32
    %scan3A_11 = arith.addi %scan3A_9, %scan3A_10 : i32
    %scan3A_12 = arith.constant 1 : i32
    scf.for %scan3A_25 = %scan3A_9 to %scan3A_11 step %scan3A_12  : i32 {
      %mul3A_26 = arith.constant 2 : i32
      %mul3A_27 = arith.muli %mul3A_26, %scan3A_25 : i32
      %add3A_28 = arith.constant 0 : i32
      %add3A_29 = arith.addi %mul3A_27, %add3A_28 : i32
      %mul3A_30 = arith.constant 576 : i32
      %mul3A_31 = arith.muli %add3A_29, %mul3A_30 : i32
      %add3A_32 = arith.addi %mul3A_2, %mul3A_31 : i32
      %dma_wait3A_33 = tpu.memref_slice %arg3[%add3A_32] : memref<1843200xi32, #tpu.memory_space<hbm>> -> memref<576xi32, #tpu.memory_space<hbm>>
      %dma_wait3A_34 = tpu.memref_slice %arg3[%add3A_32] : memref<1843200xi32, #tpu.memory_space<hbm>> -> memref<576xi32, #tpu.memory_space<hbm>>
      tpu.wait_dma2 semaphore(%arg10 : memref<!tpu.dma_semaphore, #tpu.memory_space<semaphore_mem>>) src(%dma_wait3A_34 : memref<576xi32, #tpu.memory_space<hbm>>) dst(%arg6 : memref<576xi32, #tpu.memory_space<vmem>>)
      %add3A_35 = arith.constant 1 : i32
      %add3A_36 = arith.addi %add3A_29, %add3A_35 : i32
      %lt3A = arith.constant 100 : i32
      %lt3A_37 = arith.cmpi slt, %add3A_36, %lt3A : i32
      %convert_element_type3A = arith.extui %lt3A_37 : i1 to i32
      %cond3A = arith.constant 0 : i32
      %cond3A_38 = arith.cmpi ne, %convert_element_type3A, %cond3A : i32
      scf.if %cond3A_38 {
        %add3A_83 = arith.constant 1 : i32
        %add3A_84 = arith.addi %add3A_29, %add3A_83 : i32
        %mul3A_85 = arith.constant 576 : i32
        %mul3A_86 = arith.muli %add3A_84, %mul3A_85 : i32
        %add3A_87 = arith.addi %mul3A_2, %mul3A_86 : i32
        %dma_start3A_88 = tpu.memref_slice %arg3[%add3A_87] : memref<1843200xi32, #tpu.memory_space<hbm>> -> memref<576xi32, #tpu.memory_space<hbm>>
        %dma_start3A_89 = tpu.memref_slice %arg3[%add3A_87] : memref<1843200xi32, #tpu.memory_space<hbm>> -> memref<576xi32, #tpu.memory_space<hbm>>
        tpu.enqueue_dma source(%dma_start3A_89 : memref<576xi32, #tpu.memory_space<hbm>>) target(%arg7 : memref<576xi32, #tpu.memory_space<vmem>>) target_semaphore(%arg11 : memref<!tpu.dma_semaphore, #tpu.memory_space<semaphore_mem>>)
      } else {
      }
      %ge3A = arith.constant 2 : i32
      %ge3A_39 = arith.cmpi sge, %add3A_29, %ge3A : i32
      %convert_element_type3A_40 = arith.extui %ge3A_39 : i1 to i32
      %cond3A_41 = arith.constant 0 : i32
      %cond3A_42 = arith.cmpi ne, %convert_element_type3A_40, %cond3A_41 : i32
      scf.if %cond3A_42 {
        %sub3A = arith.constant 2 : i32
        %sub3A_83 = arith.subi %add3A_29, %sub3A : i32
        %mul3A_84 = arith.constant 576 : i32
        %mul3A_85 = arith.muli %sub3A_83, %mul3A_84 : i32
        %add3A_86 = arith.addi %mul3A_2, %mul3A_85 : i32
        %mul3A_87 = arith.constant 51 : i32
        %mul3A_88 = arith.muli %add3A_86, %mul3A_87 : i32
        %dma_wait3A_89 = tpu.memref_slice %arg4[%mul3A_88] : memref<94003200xf32, #tpu.memory_space<hbm>> -> memref<29376xf32, #tpu.memory_space<hbm>>
        %dma_wait3A_90 = tpu.memref_slice %arg4[%mul3A_88] : memref<94003200xf32, #tpu.memory_space<hbm>> -> memref<29376xf32, #tpu.memory_space<hbm>>
        tpu.wait_dma2 semaphore(%arg12 : memref<!tpu.dma_semaphore, #tpu.memory_space<semaphore_mem>>) src(%arg8 : memref<29376xf32, #tpu.memory_space<vmem>>) dst(%dma_wait3A_90 : memref<29376xf32, #tpu.memory_space<hbm>>)
      } else {
      }
      %parallel_loop3A = arith.constant 0 : i32
      %parallel_loop3A_43 = arith.constant 36 : i32
      %parallel_loop3A_44 = arith.constant 1 : i32
      scf.for %parallel_loop3A_83 = %parallel_loop3A to %parallel_loop3A_43 step %parallel_loop3A_44  : i32 {
        %parallel_loop3A_84 = arith.constant 16 : i32
        %parallel_loop3A_85 = arith.muli %parallel_loop3A_83, %parallel_loop3A_84 : i32
        %parallel_loop3A_86 = arith.index_cast %parallel_loop3A_85 : i32 to index
        %parallel_loop3A_87 = tpu.vector_load %arg6[%parallel_loop3A_86] {strides = array<i32>} : memref<576xi32, #tpu.memory_space<vmem>>, vector<16xi32>,
        %parallel_loop3A_88 = arith.constant 51 : i32
        %parallel_loop3A_89 = vector.broadcast %parallel_loop3A_88 : i32 to vector<16xi32>
        %parallel_loop3A_90 = arith.muli %parallel_loop3A_87, %parallel_loop3A_89 : vector<16xi32>
        %parallel_loop3A_91 = arith.constant 816 : i32
        %parallel_loop3A_92 = arith.muli %parallel_loop3A_83, %parallel_loop3A_91 : i32
        %parallel_loop3A_93 = vector.broadcast %parallel_loop3A_92 : i32 to vector<16xi32>
        %parallel_loop3A_94 = arith.addi %mul3A_5, %parallel_loop3A_93 : vector<16xi32>
        %parallel_loop3A_95 = arith.constant 0 : i32
        %parallel_loop3A_96 = vector.broadcast %parallel_loop3A_95 : i32 to vector<16xi32>
        %parallel_loop3A_97 = arith.addi %parallel_loop3A_90, %parallel_loop3A_96 : vector<16xi32>
        %parallel_loop3A_98 = tpu.vector_load_idx %arg5[%parallel_loop3A_97] : memref<512xf32, #tpu.memory_space<vmem>>[vector<16xi32>], vector<16xf32>,
        %parallel_loop3A_99 = arith.constant 0 : i32
        %parallel_loop3A_100 = vector.broadcast %parallel_loop3A_99 : i32 to vector<16xi32>
        %parallel_loop3A_101 = arith.addi %parallel_loop3A_94, %parallel_loop3A_100 : vector<16xi32>
        tpu.vector_store_idx %arg8[%parallel_loop3A_101], %parallel_loop3A_98 : memref<29376xf32, #tpu.memory_space<vmem>>[vector<16xi32>], vector<16xf32>,
        %parallel_loop3A_102 = arith.constant 1 : i32
        %parallel_loop3A_103 = vector.broadcast %parallel_loop3A_102 : i32 to vector<16xi32>
        %parallel_loop3A_104 = arith.addi %parallel_loop3A_90, %parallel_loop3A_103 : vector<16xi32>
        %parallel_loop3A_105 = tpu.vector_load_idx %arg5[%parallel_loop3A_104] : memref<512xf32, #tpu.memory_space<vmem>>[vector<16xi32>], vector<16xf32>,
        %parallel_loop3A_106 = arith.constant 1 : i32
        %parallel_loop3A_107 = vector.broadcast %parallel_loop3A_106 : i32 to vector<16xi32>
        %parallel_loop3A_108 = arith.addi %parallel_loop3A_94, %parallel_loop3A_107 : vector<16xi32>
        tpu.vector_store_idx %arg8[%parallel_loop3A_108], %parallel_loop3A_105 : memref<29376xf32, #tpu.memory_space<vmem>>[vector<16xi32>], vector<16xf32>,
        %parallel_loop3A_109 = arith.constant 2 : i32
        %parallel_loop3A_110 = vector.broadcast %parallel_loop3A_109 : i32 to vector<16xi32>
        %parallel_loop3A_111 = arith.addi %parallel_loop3A_90, %parallel_loop3A_110 : vector<16xi32>
        %parallel_loop3A_112 = tpu.vector_load_idx %arg5[%parallel_loop3A_111] : memref<512xf32, #tpu.memory_space<vmem>>[vector<16xi32>], vector<16xf32>,
        %parallel_loop3A_113 = arith.constant 2 : i32
        %parallel_loop3A_114 = vector.broadcast %parallel_loop3A_113 : i32 to vector<16xi32>
        %parallel_loop3A_115 = arith.addi %parallel_loop3A_94, %parallel_loop3A_114 : vector<16xi32>
        tpu.vector_store_idx %arg8[%parallel_loop3A_115], %parallel_loop3A_112 : memref<29376xf32, #tpu.memory_space<vmem>>[vector<16xi32>], vector<16xf32>,
        %parallel_loop3A_116 = arith.constant 3 : i32
        %parallel_loop3A_117 = vector.broadcast %parallel_loop3A_116 : i32 to vector<16xi32>
        %parallel_loop3A_118 = arith.addi %parallel_loop3A_90, %parallel_loop3A_117 : vector<16xi32>
        %parallel_loop3A_119 = tpu.vector_load_idx %arg5[%parallel_loop3A_118] : memref<512xf32, #tpu.memory_space<vmem>>[vector<16xi32>], vector<16xf32>,
        %parallel_loop3A_120 = arith.constant 3 : i32
        %parallel_loop3A_121 = vector.broadcast %parallel_loop3A_120 : i32 to vector<16xi32>
        %parallel_loop3A_122 = arith.addi %parallel_loop3A_94, %parallel_loop3A_121 : vector<16xi32>
        tpu.vector_store_idx %arg8[%parallel_loop3A_122], %parallel_loop3A_119 : memref<29376xf32, #tpu.memory_space<vmem>>[vector<16xi32>], vector<16xf32>,
        %parallel_loop3A_123 = arith.constant 4 : i32
        %parallel_loop3A_124 = vector.broadcast %parallel_loop3A_123 : i32 to vector<16xi32>
        %parallel_loop3A_125 = arith.addi %parallel_loop3A_90, %parallel_loop3A_124 : vector<16xi32>
        %parallel_loop3A_126 = tpu.vector_load_idx %arg5[%parallel_loop3A_125] : memref<512xf32, #tpu.memory_space<vmem>>[vector<16xi32>], vector<16xf32>,
        %parallel_loop3A_127 = arith.constant 4 : i32
        %parallel_loop3A_128 = vector.broadcast %parallel_loop3A_127 : i32 to vector<16xi32>
        %parallel_loop3A_129 = arith.addi %parallel_loop3A_94, %parallel_loop3A_128 : vector<16xi32>
        tpu.vector_store_idx %arg8[%parallel_loop3A_129], %parallel_loop3A_126 : memref<29376xf32, #tpu.memory_space<vmem>>[vector<16xi32>], vector<16xf32>,
        %parallel_loop3A_130 = arith.constant 5 : i32
        %parallel_loop3A_131 = vector.broadcast %parallel_loop3A_130 : i32 to vector<16xi32>
        %parallel_loop3A_132 = arith.addi %parallel_loop3A_90, %parallel_loop3A_131 : vector<16xi32>
        %parallel_loop3A_133 = tpu.vector_load_idx %arg5[%parallel_loop3A_132] : memref<512xf32, #tpu.memory_space<vmem>>[vector<16xi32>], vector<16xf32>,
        %parallel_loop3A_134 = arith.constant 5 : i32
        %parallel_loop3A_135 = vector.broadcast %parallel_loop3A_134 : i32 to vector<16xi32>
        %parallel_loop3A_136 = arith.addi %parallel_loop3A_94, %parallel_loop3A_135 : vector<16xi32>
        tpu.vector_store_idx %arg8[%parallel_loop3A_136], %parallel_loop3A_133 : memref<29376xf32, #tpu.memory_space<vmem>>[vector<16xi32>], vector<16xf32>,
        %parallel_loop3A_137 = arith.constant 6 : i32
        %parallel_loop3A_138 = vector.broadcast %parallel_loop3A_137 : i32 to vector<16xi32>
        %parallel_loop3A_139 = arith.addi %parallel_loop3A_90, %parallel_loop3A_138 : vector<16xi32>
        %parallel_loop3A_140 = tpu.vector_load_idx %arg5[%parallel_loop3A_139] : memref<512xf32, #tpu.memory_space<vmem>>[vector<16xi32>], vector<16xf32>,
        %parallel_loop3A_141 = arith.constant 6 : i32
        %parallel_loop3A_142 = vector.broadcast %parallel_loop3A_141 : i32 to vector<16xi32>
        %parallel_loop3A_143 = arith.addi %parallel_loop3A_94, %parallel_loop3A_142 : vector<16xi32>
        tpu.vector_store_idx %arg8[%parallel_loop3A_143], %parallel_loop3A_140 : memref<29376xf32, #tpu.memory_space<vmem>>[vector<16xi32>], vector<16xf32>,
        %parallel_loop3A_144 = arith.constant 7 : i32
        %parallel_loop3A_145 = vector.broadcast %parallel_loop3A_144 : i32 to vector<16xi32>
        %parallel_loop3A_146 = arith.addi %parallel_loop3A_90, %parallel_loop3A_145 : vector<16xi32>
        %parallel_loop3A_147 = tpu.vector_load_idx %arg5[%parallel_loop3A_146] : memref<512xf32, #tpu.memory_space<vmem>>[vector<16xi32>], vector<16xf32>,
        %parallel_loop3A_148 = arith.constant 7 : i32
        %parallel_loop3A_149 = vector.broadcast %parallel_loop3A_148 : i32 to vector<16xi32>
        %parallel_loop3A_150 = arith.addi %parallel_loop3A_94, %parallel_loop3A_149 : vector<16xi32>
        tpu.vector_store_idx %arg8[%parallel_loop3A_150], %parallel_loop3A_147 : memref<29376xf32, #tpu.memory_space<vmem>>[vector<16xi32>], vector<16xf32>,
        %parallel_loop3A_151 = arith.constant 8 : i32
        %parallel_loop3A_152 = vector.broadcast %parallel_loop3A_151 : i32 to vector<16xi32>
        %parallel_loop3A_153 = arith.addi %parallel_loop3A_90, %parallel_loop3A_152 : vector<16xi32>
        %parallel_loop3A_154 = tpu.vector_load_idx %arg5[%parallel_loop3A_153] : memref<512xf32, #tpu.memory_space<vmem>>[vector<16xi32>], vector<16xf32>,
        %parallel_loop3A_155 = arith.constant 8 : i32
        %parallel_loop3A_156 = vector.broadcast %parallel_loop3A_155 : i32 to vector<16xi32>
        %parallel_loop3A_157 = arith.addi %parallel_loop3A_94, %parallel_loop3A_156 : vector<16xi32>
        tpu.vector_store_idx %arg8[%parallel_loop3A_157], %parallel_loop3A_154 : memref<29376xf32, #tpu.memory_space<vmem>>[vector<16xi32>], vector<16xf32>,
        %parallel_loop3A_158 = arith.constant 9 : i32
        %parallel_loop3A_159 = vector.broadcast %parallel_loop3A_158 : i32 to vector<16xi32>
        %parallel_loop3A_160 = arith.addi %parallel_loop3A_90, %parallel_loop3A_159 : vector<16xi32>
        %parallel_loop3A_161 = tpu.vector_load_idx %arg5[%parallel_loop3A_160] : memref<512xf32, #tpu.memory_space<vmem>>[vector<16xi32>], vector<16xf32>,
        %parallel_loop3A_162 = arith.constant 9 : i32
        %parallel_loop3A_163 = vector.broadcast %parallel_loop3A_162 : i32 to vector<16xi32>
        %parallel_loop3A_164 = arith.addi %parallel_loop3A_94, %parallel_loop3A_163 : vector<16xi32>
        tpu.vector_store_idx %arg8[%parallel_loop3A_164], %parallel_loop3A_161 : memref<29376xf32, #tpu.memory_space<vmem>>[vector<16xi32>], vector<16xf32>,
        %parallel_loop3A_165 = arith.constant 10 : i32
        %parallel_loop3A_166 = vector.broadcast %parallel_loop3A_165 : i32 to vector<16xi32>
        %parallel_loop3A_167 = arith.addi %parallel_loop3A_90, %parallel_loop3A_166 : vector<16xi32>
        %parallel_loop3A_168 = tpu.vector_load_idx %arg5[%parallel_loop3A_167] : memref<512xf32, #tpu.memory_space<vmem>>[vector<16xi32>], vector<16xf32>,
        %parallel_loop3A_169 = arith.constant 10 : i32
        %parallel_loop3A_170 = vector.broadcast %parallel_loop3A_169 : i32 to vector<16xi32>
        %parallel_loop3A_171 = arith.addi %parallel_loop3A_94, %parallel_loop3A_170 : vector<16xi32>
        tpu.vector_store_idx %arg8[%parallel_loop3A_171], %parallel_loop3A_168 : memref<29376xf32, #tpu.memory_space<vmem>>[vector<16xi32>], vector<16xf32>,
        %parallel_loop3A_172 = arith.constant 11 : i32
        %parallel_loop3A_173 = vector.broadcast %parallel_loop3A_172 : i32 to vector<16xi32>
        %parallel_loop3A_174 = arith.addi %parallel_loop3A_90, %parallel_loop3A_173 : vector<16xi32>
        %parallel_loop3A_175 = tpu.vector_load_idx %arg5[%parallel_loop3A_174] : memref<512xf32, #tpu.memory_space<vmem>>[vector<16xi32>], vector<16xf32>,
        %parallel_loop3A_176 = arith.constant 11 : i32
        %parallel_loop3A_177 = vector.broadcast %parallel_loop3A_176 : i32 to vector<16xi32>
        %parallel_loop3A_178 = arith.addi %parallel_loop3A_94, %parallel_loop3A_177 : vector<16xi32>
        tpu.vector_store_idx %arg8[%parallel_loop3A_178], %parallel_loop3A_175 : memref<29376xf32, #tpu.memory_space<vmem>>[vector<16xi32>], vector<16xf32>,
        %parallel_loop3A_179 = arith.constant 12 : i32
        %parallel_loop3A_180 = vector.broadcast %parallel_loop3A_179 : i32 to vector<16xi32>
        %parallel_loop3A_181 = arith.addi %parallel_loop3A_90, %parallel_loop3A_180 : vector<16xi32>
        %parallel_loop3A_182 = tpu.vector_load_idx %arg5[%parallel_loop3A_181] : memref<512xf32, #tpu.memory_space<vmem>>[vector<16xi32>], vector<16xf32>,
        %parallel_loop3A_183 = arith.constant 12 : i32
        %parallel_loop3A_184 = vector.broadcast %parallel_loop3A_183 : i32 to vector<16xi32>
        %parallel_loop3A_185 = arith.addi %parallel_loop3A_94, %parallel_loop3A_184 : vector<16xi32>
        tpu.vector_store_idx %arg8[%parallel_loop3A_185], %parallel_loop3A_182 : memref<29376xf32, #tpu.memory_space<vmem>>[vector<16xi32>], vector<16xf32>,
        %parallel_loop3A_186 = arith.constant 13 : i32
        %parallel_loop3A_187 = vector.broadcast %parallel_loop3A_186 : i32 to vector<16xi32>
        %parallel_loop3A_188 = arith.addi %parallel_loop3A_90, %parallel_loop3A_187 : vector<16xi32>
        %parallel_loop3A_189 = tpu.vector_load_idx %arg5[%parallel_loop3A_188] : memref<512xf32, #tpu.memory_space<vmem>>[vector<16xi32>], vector<16xf32>,
        %parallel_loop3A_190 = arith.constant 13 : i32
        %parallel_loop3A_191 = vector.broadcast %parallel_loop3A_190 : i32 to vector<16xi32>
        %parallel_loop3A_192 = arith.addi %parallel_loop3A_94, %parallel_loop3A_191 : vector<16xi32>
        tpu.vector_store_idx %arg8[%parallel_loop3A_192], %parallel_loop3A_189 : memref<29376xf32, #tpu.memory_space<vmem>>[vector<16xi32>], vector<16xf32>,
        %parallel_loop3A_193 = arith.constant 14 : i32
        %parallel_loop3A_194 = vector.broadcast %parallel_loop3A_193 : i32 to vector<16xi32>
        %parallel_loop3A_195 = arith.addi %parallel_loop3A_90, %parallel_loop3A_194 : vector<16xi32>
        %parallel_loop3A_196 = tpu.vector_load_idx %arg5[%parallel_loop3A_195] : memref<512xf32, #tpu.memory_space<vmem>>[vector<16xi32>], vector<16xf32>,
        %parallel_loop3A_197 = arith.constant 14 : i32
        %parallel_loop3A_198 = vector.broadcast %parallel_loop3A_197 : i32 to vector<16xi32>
        %parallel_loop3A_199 = arith.addi %parallel_loop3A_94, %parallel_loop3A_198 : vector<16xi32>
        tpu.vector_store_idx %arg8[%parallel_loop3A_199], %parallel_loop3A_196 : memref<29376xf32, #tpu.memory_space<vmem>>[vector<16xi32>], vector<16xf32>,
        %parallel_loop3A_200 = arith.constant 15 : i32
        %parallel_loop3A_201 = vector.broadcast %parallel_loop3A_200 : i32 to vector<16xi32>
        %parallel_loop3A_202 = arith.addi %parallel_loop3A_90, %parallel_loop3A_201 : vector<16xi32>
        %parallel_loop3A_203 = tpu.vector_load_idx %arg5[%parallel_loop3A_202] : memref<512xf32, #tpu.memory_space<vmem>>[vector<16xi32>], vector<16xf32>,
        %parallel_loop3A_204 = arith.constant 15 : i32
        %parallel_loop3A_205 = vector.broadcast %parallel_loop3A_204 : i32 to vector<16xi32>
        %parallel_loop3A_206 = arith.addi %parallel_loop3A_94, %parallel_loop3A_205 : vector<16xi32>
        tpu.vector_store_idx %arg8[%parallel_loop3A_206], %parallel_loop3A_203 : memref<29376xf32, #tpu.memory_space<vmem>>[vector<16xi32>], vector<16xf32>,
        %parallel_loop3A_207 = arith.constant 16 : i32
        %parallel_loop3A_208 = vector.broadcast %parallel_loop3A_207 : i32 to vector<16xi32>
        %parallel_loop3A_209 = arith.addi %parallel_loop3A_90, %parallel_loop3A_208 : vector<16xi32>
        %parallel_loop3A_210 = tpu.vector_load_idx %arg5[%parallel_loop3A_209] : memref<512xf32, #tpu.memory_space<vmem>>[vector<16xi32>], vector<16xf32>,
        %parallel_loop3A_211 = arith.constant 16 : i32
        %parallel_loop3A_212 = vector.broadcast %parallel_loop3A_211 : i32 to vector<16xi32>
        %parallel_loop3A_213 = arith.addi %parallel_loop3A_94, %parallel_loop3A_212 : vector<16xi32>
        tpu.vector_store_idx %arg8[%parallel_loop3A_213], %parallel_loop3A_210 : memref<29376xf32, #tpu.memory_space<vmem>>[vector<16xi32>], vector<16xf32>,
        %parallel_loop3A_214 = arith.constant 17 : i32
        %parallel_loop3A_215 = vector.broadcast %parallel_loop3A_214 : i32 to vector<16xi32>
        %parallel_loop3A_216 = arith.addi %parallel_loop3A_90, %parallel_loop3A_215 : vector<16xi32>
        %parallel_loop3A_217 = tpu.vector_load_idx %arg5[%parallel_loop3A_216] : memref<512xf32, #tpu.memory_space<vmem>>[vector<16xi32>], vector<16xf32>,
        %parallel_loop3A_218 = arith.constant 17 : i32
        %parallel_loop3A_219 = vector.broadcast %parallel_loop3A_218 : i32 to vector<16xi32>
        %parallel_loop3A_220 = arith.addi %parallel_loop3A_94, %parallel_loop3A_219 : vector<16xi32>
        tpu.vector_store_idx %arg8[%parallel_loop3A_220], %parallel_loop3A_217 : memref<29376xf32, #tpu.memory_space<vmem>>[vector<16xi32>], vector<16xf32>,
        %parallel_loop3A_221 = arith.constant 18 : i32
        %parallel_loop3A_222 = vector.broadcast %parallel_loop3A_221 : i32 to vector<16xi32>
        %parallel_loop3A_223 = arith.addi %parallel_loop3A_90, %parallel_loop3A_222 : vector<16xi32>
        %parallel_loop3A_224 = tpu.vector_load_idx %arg5[%parallel_loop3A_223] : memref<512xf32, #tpu.memory_space<vmem>>[vector<16xi32>], vector<16xf32>,
        %parallel_loop3A_225 = arith.constant 18 : i32
        %parallel_loop3A_226 = vector.broadcast %parallel_loop3A_225 : i32 to vector<16xi32>
        %parallel_loop3A_227 = arith.addi %parallel_loop3A_94, %parallel_loop3A_226 : vector<16xi32>
        tpu.vector_store_idx %arg8[%parallel_loop3A_227], %parallel_loop3A_224 : memref<29376xf32, #tpu.memory_space<vmem>>[vector<16xi32>], vector<16xf32>,
        %parallel_loop3A_228 = arith.constant 19 : i32
        %parallel_loop3A_229 = vector.broadcast %parallel_loop3A_228 : i32 to vector<16xi32>
        %parallel_loop3A_230 = arith.addi %parallel_loop3A_90, %parallel_loop3A_229 : vector<16xi32>
        %parallel_loop3A_231 = tpu.vector_load_idx %arg5[%parallel_loop3A_230] : memref<512xf32, #tpu.memory_space<vmem>>[vector<16xi32>], vector<16xf32>,
        %parallel_loop3A_232 = arith.constant 19 : i32
        %parallel_loop3A_233 = vector.broadcast %parallel_loop3A_232 : i32 to vector<16xi32>
        %parallel_loop3A_234 = arith.addi %parallel_loop3A_94, %parallel_loop3A_233 : vector<16xi32>
        tpu.vector_store_idx %arg8[%parallel_loop3A_234], %parallel_loop3A_231 : memref<29376xf32, #tpu.memory_space<vmem>>[vector<16xi32>], vector<16xf32>,
        %parallel_loop3A_235 = arith.constant 20 : i32
        %parallel_loop3A_236 = vector.broadcast %parallel_loop3A_235 : i32 to vector<16xi32>
        %parallel_loop3A_237 = arith.addi %parallel_loop3A_90, %parallel_loop3A_236 : vector<16xi32>
        %parallel_loop3A_238 = tpu.vector_load_idx %arg5[%parallel_loop3A_237] : memref<512xf32, #tpu.memory_space<vmem>>[vector<16xi32>], vector<16xf32>,
        %parallel_loop3A_239 = arith.constant 20 : i32
        %parallel_loop3A_240 = vector.broadcast %parallel_loop3A_239 : i32 to vector<16xi32>
        %parallel_loop3A_241 = arith.addi %parallel_loop3A_94, %parallel_loop3A_240 : vector<16xi32>
        tpu.vector_store_idx %arg8[%parallel_loop3A_241], %parallel_loop3A_238 : memref<29376xf32, #tpu.memory_space<vmem>>[vector<16xi32>], vector<16xf32>,
        %parallel_loop3A_242 = arith.constant 21 : i32
        %parallel_loop3A_243 = vector.broadcast %parallel_loop3A_242 : i32 to vector<16xi32>
        %parallel_loop3A_244 = arith.addi %parallel_loop3A_90, %parallel_loop3A_243 : vector<16xi32>
        %parallel_loop3A_245 = tpu.vector_load_idx %arg5[%parallel_loop3A_244] : memref<512xf32, #tpu.memory_space<vmem>>[vector<16xi32>], vector<16xf32>,
        %parallel_loop3A_246 = arith.constant 21 : i32
        %parallel_loop3A_247 = vector.broadcast %parallel_loop3A_246 : i32 to vector<16xi32>
        %parallel_loop3A_248 = arith.addi %parallel_loop3A_94, %parallel_loop3A_247 : vector<16xi32>
        tpu.vector_store_idx %arg8[%parallel_loop3A_248], %parallel_loop3A_245 : memref<29376xf32, #tpu.memory_space<vmem>>[vector<16xi32>], vector<16xf32>,
        %parallel_loop3A_249 = arith.constant 22 : i32
        %parallel_loop3A_250 = vector.broadcast %parallel_loop3A_249 : i32 to vector<16xi32>
        %parallel_loop3A_251 = arith.addi %parallel_loop3A_90, %parallel_loop3A_250 : vector<16xi32>
        %parallel_loop3A_252 = tpu.vector_load_idx %arg5[%parallel_loop3A_251] : memref<512xf32, #tpu.memory_space<vmem>>[vector<16xi32>], vector<16xf32>,
        %parallel_loop3A_253 = arith.constant 22 : i32
        %parallel_loop3A_254 = vector.broadcast %parallel_loop3A_253 : i32 to vector<16xi32>
        %parallel_loop3A_255 = arith.addi %parallel_loop3A_94, %parallel_loop3A_254 : vector<16xi32>
        tpu.vector_store_idx %arg8[%parallel_loop3A_255], %parallel_loop3A_252 : memref<29376xf32, #tpu.memory_space<vmem>>[vector<16xi32>], vector<16xf32>,
        %parallel_loop3A_256 = arith.constant 23 : i32
        %parallel_loop3A_257 = vector.broadcast %parallel_loop3A_256 : i32 to vector<16xi32>
        %parallel_loop3A_258 = arith.addi %parallel_loop3A_90, %parallel_loop3A_257 : vector<16xi32>
        %parallel_loop3A_259 = tpu.vector_load_idx %arg5[%parallel_loop3A_258] : memref<512xf32, #tpu.memory_space<vmem>>[vector<16xi32>], vector<16xf32>,
        %parallel_loop3A_260 = arith.constant 23 : i32
        %parallel_loop3A_261 = vector.broadcast %parallel_loop3A_260 : i32 to vector<16xi32>
        %parallel_loop3A_262 = arith.addi %parallel_loop3A_94, %parallel_loop3A_261 : vector<16xi32>
        tpu.vector_store_idx %arg8[%parallel_loop3A_262], %parallel_loop3A_259 : memref<29376xf32, #tpu.memory_space<vmem>>[vector<16xi32>], vector<16xf32>,
        %parallel_loop3A_263 = arith.constant 24 : i32
        %parallel_loop3A_264 = vector.broadcast %parallel_loop3A_263 : i32 to vector<16xi32>
        %parallel_loop3A_265 = arith.addi %parallel_loop3A_90, %parallel_loop3A_264 : vector<16xi32>
        %parallel_loop3A_266 = tpu.vector_load_idx %arg5[%parallel_loop3A_265] : memref<512xf32, #tpu.memory_space<vmem>>[vector<16xi32>], vector<16xf32>,
        %parallel_loop3A_267 = arith.constant 24 : i32
        %parallel_loop3A_268 = vector.broadcast %parallel_loop3A_267 : i32 to vector<16xi32>
        %parallel_loop3A_269 = arith.addi %parallel_loop3A_94, %parallel_loop3A_268 : vector<16xi32>
        tpu.vector_store_idx %arg8[%parallel_loop3A_269], %parallel_loop3A_266 : memref<29376xf32, #tpu.memory_space<vmem>>[vector<16xi32>], vector<16xf32>,
        %parallel_loop3A_270 = arith.constant 25 : i32
        %parallel_loop3A_271 = vector.broadcast %parallel_loop3A_270 : i32 to vector<16xi32>
        %parallel_loop3A_272 = arith.addi %parallel_loop3A_90, %parallel_loop3A_271 : vector<16xi32>
        %parallel_loop3A_273 = tpu.vector_load_idx %arg5[%parallel_loop3A_272] : memref<512xf32, #tpu.memory_space<vmem>>[vector<16xi32>], vector<16xf32>,
        %parallel_loop3A_274 = arith.constant 25 : i32
        %parallel_loop3A_275 = vector.broadcast %parallel_loop3A_274 : i32 to vector<16xi32>
        %parallel_loop3A_276 = arith.addi %parallel_loop3A_94, %parallel_loop3A_275 : vector<16xi32>
        tpu.vector_store_idx %arg8[%parallel_loop3A_276], %parallel_loop3A_273 : memref<29376xf32, #tpu.memory_space<vmem>>[vector<16xi32>], vector<16xf32>,
        %parallel_loop3A_277 = arith.constant 26 : i32
        %parallel_loop3A_278 = vector.broadcast %parallel_loop3A_277 : i32 to vector<16xi32>
        %parallel_loop3A_279 = arith.addi %parallel_loop3A_90, %parallel_loop3A_278 : vector<16xi32>
        %parallel_loop3A_280 = tpu.vector_load_idx %arg5[%parallel_loop3A_279] : memref<512xf32, #tpu.memory_space<vmem>>[vector<16xi32>], vector<16xf32>,
        %parallel_loop3A_281 = arith.constant 26 : i32
        %parallel_loop3A_282 = vector.broadcast %parallel_loop3A_281 : i32 to vector<16xi32>
        %parallel_loop3A_283 = arith.addi %parallel_loop3A_94, %parallel_loop3A_282 : vector<16xi32>
        tpu.vector_store_idx %arg8[%parallel_loop3A_283], %parallel_loop3A_280 : memref<29376xf32, #tpu.memory_space<vmem>>[vector<16xi32>], vector<16xf32>,
        %parallel_loop3A_284 = arith.constant 27 : i32
        %parallel_loop3A_285 = vector.broadcast %parallel_loop3A_284 : i32 to vector<16xi32>
        %parallel_loop3A_286 = arith.addi %parallel_loop3A_90, %parallel_loop3A_285 : vector<16xi32>
        %parallel_loop3A_287 = tpu.vector_load_idx %arg5[%parallel_loop3A_286] : memref<512xf32, #tpu.memory_space<vmem>>[vector<16xi32>], vector<16xf32>,
        %parallel_loop3A_288 = arith.constant 27 : i32
        %parallel_loop3A_289 = vector.broadcast %parallel_loop3A_288 : i32 to vector<16xi32>
        %parallel_loop3A_290 = arith.addi %parallel_loop3A_94, %parallel_loop3A_289 : vector<16xi32>
        tpu.vector_store_idx %arg8[%parallel_loop3A_290], %parallel_loop3A_287 : memref<29376xf32, #tpu.memory_space<vmem>>[vector<16xi32>], vector<16xf32>,
        %parallel_loop3A_291 = arith.constant 28 : i32
        %parallel_loop3A_292 = vector.broadcast %parallel_loop3A_291 : i32 to vector<16xi32>
        %parallel_loop3A_293 = arith.addi %parallel_loop3A_90, %parallel_loop3A_292 : vector<16xi32>
        %parallel_loop3A_294 = tpu.vector_load_idx %arg5[%parallel_loop3A_293] : memref<512xf32, #tpu.memory_space<vmem>>[vector<16xi32>], vector<16xf32>,
        %parallel_loop3A_295 = arith.constant 28 : i32
        %parallel_loop3A_296 = vector.broadcast %parallel_loop3A_295 : i32 to vector<16xi32>
        %parallel_loop3A_297 = arith.addi %parallel_loop3A_94, %parallel_loop3A_296 : vector<16xi32>
        tpu.vector_store_idx %arg8[%parallel_loop3A_297], %parallel_loop3A_294 : memref<29376xf32, #tpu.memory_space<vmem>>[vector<16xi32>], vector<16xf32>,
        %parallel_loop3A_298 = arith.constant 29 : i32
        %parallel_loop3A_299 = vector.broadcast %parallel_loop3A_298 : i32 to vector<16xi32>
        %parallel_loop3A_300 = arith.addi %parallel_loop3A_90, %parallel_loop3A_299 : vector<16xi32>
        %parallel_loop3A_301 = tpu.vector_load_idx %arg5[%parallel_loop3A_300] : memref<512xf32, #tpu.memory_space<vmem>>[vector<16xi32>], vector<16xf32>,
        %parallel_loop3A_302 = arith.constant 29 : i32
        %parallel_loop3A_303 = vector.broadcast %parallel_loop3A_302 : i32 to vector<16xi32>
        %parallel_loop3A_304 = arith.addi %parallel_loop3A_94, %parallel_loop3A_303 : vector<16xi32>
        tpu.vector_store_idx %arg8[%parallel_loop3A_304], %parallel_loop3A_301 : memref<29376xf32, #tpu.memory_space<vmem>>[vector<16xi32>], vector<16xf32>,
        %parallel_loop3A_305 = arith.constant 30 : i32
        %parallel_loop3A_306 = vector.broadcast %parallel_loop3A_305 : i32 to vector<16xi32>
        %parallel_loop3A_307 = arith.addi %parallel_loop3A_90, %parallel_loop3A_306 : vector<16xi32>
        %parallel_loop3A_308 = tpu.vector_load_idx %arg5[%parallel_loop3A_307] : memref<512xf32, #tpu.memory_space<vmem>>[vector<16xi32>], vector<16xf32>,
        %parallel_loop3A_309 = arith.constant 30 : i32
        %parallel_loop3A_310 = vector.broadcast %parallel_loop3A_309 : i32 to vector<16xi32>
        %parallel_loop3A_311 = arith.addi %parallel_loop3A_94, %parallel_loop3A_310 : vector<16xi32>
        tpu.vector_store_idx %arg8[%parallel_loop3A_311], %parallel_loop3A_308 : memref<29376xf32, #tpu.memory_space<vmem>>[vector<16xi32>], vector<16xf32>,
        %parallel_loop3A_312 = arith.constant 31 : i32
        %parallel_loop3A_313 = vector.broadcast %parallel_loop3A_312 : i32 to vector<16xi32>
        %parallel_loop3A_314 = arith.addi %parallel_loop3A_90, %parallel_loop3A_313 : vector<16xi32>
        %parallel_loop3A_315 = tpu.vector_load_idx %arg5[%parallel_loop3A_314] : memref<512xf32, #tpu.memory_space<vmem>>[vector<16xi32>], vector<16xf32>,
        %parallel_loop3A_316 = arith.constant 31 : i32
        %parallel_loop3A_317 = vector.broadcast %parallel_loop3A_316 : i32 to vector<16xi32>
        %parallel_loop3A_318 = arith.addi %parallel_loop3A_94, %parallel_loop3A_317 : vector<16xi32>
        tpu.vector_store_idx %arg8[%parallel_loop3A_318], %parallel_loop3A_315 : memref<29376xf32, #tpu.memory_space<vmem>>[vector<16xi32>], vector<16xf32>,
        %parallel_loop3A_319 = arith.constant 32 : i32
        %parallel_loop3A_320 = vector.broadcast %parallel_loop3A_319 : i32 to vector<16xi32>
        %parallel_loop3A_321 = arith.addi %parallel_loop3A_90, %parallel_loop3A_320 : vector<16xi32>
        %parallel_loop3A_322 = tpu.vector_load_idx %arg5[%parallel_loop3A_321] : memref<512xf32, #tpu.memory_space<vmem>>[vector<16xi32>], vector<16xf32>,
        %parallel_loop3A_323 = arith.constant 32 : i32
        %parallel_loop3A_324 = vector.broadcast %parallel_loop3A_323 : i32 to vector<16xi32>
        %parallel_loop3A_325 = arith.addi %parallel_loop3A_94, %parallel_loop3A_324 : vector<16xi32>
        tpu.vector_store_idx %arg8[%parallel_loop3A_325], %parallel_loop3A_322 : memref<29376xf32, #tpu.memory_space<vmem>>[vector<16xi32>], vector<16xf32>,
        %parallel_loop3A_326 = arith.constant 33 : i32
        %parallel_loop3A_327 = vector.broadcast %parallel_loop3A_326 : i32 to vector<16xi32>
        %parallel_loop3A_328 = arith.addi %parallel_loop3A_90, %parallel_loop3A_327 : vector<16xi32>
        %parallel_loop3A_329 = tpu.vector_load_idx %arg5[%parallel_loop3A_328] : memref<512xf32, #tpu.memory_space<vmem>>[vector<16xi32>], vector<16xf32>,
        %parallel_loop3A_330 = arith.constant 33 : i32
        %parallel_loop3A_331 = vector.broadcast %parallel_loop3A_330 : i32 to vector<16xi32>
        %parallel_loop3A_332 = arith.addi %parallel_loop3A_94, %parallel_loop3A_331 : vector<16xi32>
        tpu.vector_store_idx %arg8[%parallel_loop3A_332], %parallel_loop3A_329 : memref<29376xf32, #tpu.memory_space<vmem>>[vector<16xi32>], vector<16xf32>,
        %parallel_loop3A_333 = arith.constant 34 : i32
        %parallel_loop3A_334 = vector.broadcast %parallel_loop3A_333 : i32 to vector<16xi32>
        %parallel_loop3A_335 = arith.addi %parallel_loop3A_90, %parallel_loop3A_334 : vector<16xi32>
        %parallel_loop3A_336 = tpu.vector_load_idx %arg5[%parallel_loop3A_335] : memref<512xf32, #tpu.memory_space<vmem>>[vector<16xi32>], vector<16xf32>,
        %parallel_loop3A_337 = arith.constant 34 : i32
        %parallel_loop3A_338 = vector.broadcast %parallel_loop3A_337 : i32 to vector<16xi32>
        %parallel_loop3A_339 = arith.addi %parallel_loop3A_94, %parallel_loop3A_338 : vector<16xi32>
        tpu.vector_store_idx %arg8[%parallel_loop3A_339], %parallel_loop3A_336 : memref<29376xf32, #tpu.memory_space<vmem>>[vector<16xi32>], vector<16xf32>,
        %parallel_loop3A_340 = arith.constant 35 : i32
        %parallel_loop3A_341 = vector.broadcast %parallel_loop3A_340 : i32 to vector<16xi32>
        %parallel_loop3A_342 = arith.addi %parallel_loop3A_90, %parallel_loop3A_341 : vector<16xi32>
        %parallel_loop3A_343 = tpu.vector_load_idx %arg5[%parallel_loop3A_342] : memref<512xf32, #tpu.memory_space<vmem>>[vector<16xi32>], vector<16xf32>,
        %parallel_loop3A_344 = arith.constant 35 : i32
        %parallel_loop3A_345 = vector.broadcast %parallel_loop3A_344 : i32 to vector<16xi32>
        %parallel_loop3A_346 = arith.addi %parallel_loop3A_94, %parallel_loop3A_345 : vector<16xi32>
        tpu.vector_store_idx %arg8[%parallel_loop3A_346], %parallel_loop3A_343 : memref<29376xf32, #tpu.memory_space<vmem>>[vector<16xi32>], vector<16xf32>,
        %parallel_loop3A_347 = arith.constant 36 : i32
        %parallel_loop3A_348 = vector.broadcast %parallel_loop3A_347 : i32 to vector<16xi32>
        %parallel_loop3A_349 = arith.addi %parallel_loop3A_90, %parallel_loop3A_348 : vector<16xi32>
        %parallel_loop3A_350 = tpu.vector_load_idx %arg5[%parallel_loop3A_349] : memref<512xf32, #tpu.memory_space<vmem>>[vector<16xi32>], vector<16xf32>,
        %parallel_loop3A_351 = arith.constant 36 : i32
        %parallel_loop3A_352 = vector.broadcast %parallel_loop3A_351 : i32 to vector<16xi32>
        %parallel_loop3A_353 = arith.addi %parallel_loop3A_94, %parallel_loop3A_352 : vector<16xi32>
        tpu.vector_store_idx %arg8[%parallel_loop3A_353], %parallel_loop3A_350 : memref<29376xf32, #tpu.memory_space<vmem>>[vector<16xi32>], vector<16xf32>,
        %parallel_loop3A_354 = arith.constant 37 : i32
        %parallel_loop3A_355 = vector.broadcast %parallel_loop3A_354 : i32 to vector<16xi32>
        %parallel_loop3A_356 = arith.addi %parallel_loop3A_90, %parallel_loop3A_355 : vector<16xi32>
        %parallel_loop3A_357 = tpu.vector_load_idx %arg5[%parallel_loop3A_356] : memref<512xf32, #tpu.memory_space<vmem>>[vector<16xi32>], vector<16xf32>,
        %parallel_loop3A_358 = arith.constant 37 : i32
        %parallel_loop3A_359 = vector.broadcast %parallel_loop3A_358 : i32 to vector<16xi32>
        %parallel_loop3A_360 = arith.addi %parallel_loop3A_94, %parallel_loop3A_359 : vector<16xi32>
        tpu.vector_store_idx %arg8[%parallel_loop3A_360], %parallel_loop3A_357 : memref<29376xf32, #tpu.memory_space<vmem>>[vector<16xi32>], vector<16xf32>,
        %parallel_loop3A_361 = arith.constant 38 : i32
        %parallel_loop3A_362 = vector.broadcast %parallel_loop3A_361 : i32 to vector<16xi32>
        %parallel_loop3A_363 = arith.addi %parallel_loop3A_90, %parallel_loop3A_362 : vector<16xi32>
        %parallel_loop3A_364 = tpu.vector_load_idx %arg5[%parallel_loop3A_363] : memref<512xf32, #tpu.memory_space<vmem>>[vector<16xi32>], vector<16xf32>,
        %parallel_loop3A_365 = arith.constant 38 : i32
        %parallel_loop3A_366 = vector.broadcast %parallel_loop3A_365 : i32 to vector<16xi32>
        %parallel_loop3A_367 = arith.addi %parallel_loop3A_94, %parallel_loop3A_366 : vector<16xi32>
        tpu.vector_store_idx %arg8[%parallel_loop3A_367], %parallel_loop3A_364 : memref<29376xf32, #tpu.memory_space<vmem>>[vector<16xi32>], vector<16xf32>,
        %parallel_loop3A_368 = arith.constant 39 : i32
        %parallel_loop3A_369 = vector.broadcast %parallel_loop3A_368 : i32 to vector<16xi32>
        %parallel_loop3A_370 = arith.addi %parallel_loop3A_90, %parallel_loop3A_369 : vector<16xi32>
        %parallel_loop3A_371 = tpu.vector_load_idx %arg5[%parallel_loop3A_370] : memref<512xf32, #tpu.memory_space<vmem>>[vector<16xi32>], vector<16xf32>,
        %parallel_loop3A_372 = arith.constant 39 : i32
        %parallel_loop3A_373 = vector.broadcast %parallel_loop3A_372 : i32 to vector<16xi32>
        %parallel_loop3A_374 = arith.addi %parallel_loop3A_94, %parallel_loop3A_373 : vector<16xi32>
        tpu.vector_store_idx %arg8[%parallel_loop3A_374], %parallel_loop3A_371 : memref<29376xf32, #tpu.memory_space<vmem>>[vector<16xi32>], vector<16xf32>,
        %parallel_loop3A_375 = arith.constant 40 : i32
        %parallel_loop3A_376 = vector.broadcast %parallel_loop3A_375 : i32 to vector<16xi32>
        %parallel_loop3A_377 = arith.addi %parallel_loop3A_90, %parallel_loop3A_376 : vector<16xi32>
        %parallel_loop3A_378 = tpu.vector_load_idx %arg5[%parallel_loop3A_377] : memref<512xf32, #tpu.memory_space<vmem>>[vector<16xi32>], vector<16xf32>,
        %parallel_loop3A_379 = arith.constant 40 : i32
        %parallel_loop3A_380 = vector.broadcast %parallel_loop3A_379 : i32 to vector<16xi32>
        %parallel_loop3A_381 = arith.addi %parallel_loop3A_94, %parallel_loop3A_380 : vector<16xi32>
        tpu.vector_store_idx %arg8[%parallel_loop3A_381], %parallel_loop3A_378 : memref<29376xf32, #tpu.memory_space<vmem>>[vector<16xi32>], vector<16xf32>,
        %parallel_loop3A_382 = arith.constant 41 : i32
        %parallel_loop3A_383 = vector.broadcast %parallel_loop3A_382 : i32 to vector<16xi32>
        %parallel_loop3A_384 = arith.addi %parallel_loop3A_90, %parallel_loop3A_383 : vector<16xi32>
        %parallel_loop3A_385 = tpu.vector_load_idx %arg5[%parallel_loop3A_384] : memref<512xf32, #tpu.memory_space<vmem>>[vector<16xi32>], vector<16xf32>,
        %parallel_loop3A_386 = arith.constant 41 : i32
        %parallel_loop3A_387 = vector.broadcast %parallel_loop3A_386 : i32 to vector<16xi32>
        %parallel_loop3A_388 = arith.addi %parallel_loop3A_94, %parallel_loop3A_387 : vector<16xi32>
        tpu.vector_store_idx %arg8[%parallel_loop3A_388], %parallel_loop3A_385 : memref<29376xf32, #tpu.memory_space<vmem>>[vector<16xi32>], vector<16xf32>,
        %parallel_loop3A_389 = arith.constant 42 : i32
        %parallel_loop3A_390 = vector.broadcast %parallel_loop3A_389 : i32 to vector<16xi32>
        %parallel_loop3A_391 = arith.addi %parallel_loop3A_90, %parallel_loop3A_390 : vector<16xi32>
        %parallel_loop3A_392 = tpu.vector_load_idx %arg5[%parallel_loop3A_391] : memref<512xf32, #tpu.memory_space<vmem>>[vector<16xi32>], vector<16xf32>,
        %parallel_loop3A_393 = arith.constant 42 : i32
        %parallel_loop3A_394 = vector.broadcast %parallel_loop3A_393 : i32 to vector<16xi32>
        %parallel_loop3A_395 = arith.addi %parallel_loop3A_94, %parallel_loop3A_394 : vector<16xi32>
        tpu.vector_store_idx %arg8[%parallel_loop3A_395], %parallel_loop3A_392 : memref<29376xf32, #tpu.memory_space<vmem>>[vector<16xi32>], vector<16xf32>,
        %parallel_loop3A_396 = arith.constant 43 : i32
        %parallel_loop3A_397 = vector.broadcast %parallel_loop3A_396 : i32 to vector<16xi32>
        %parallel_loop3A_398 = arith.addi %parallel_loop3A_90, %parallel_loop3A_397 : vector<16xi32>
        %parallel_loop3A_399 = tpu.vector_load_idx %arg5[%parallel_loop3A_398] : memref<512xf32, #tpu.memory_space<vmem>>[vector<16xi32>], vector<16xf32>,
        %parallel_loop3A_400 = arith.constant 43 : i32
        %parallel_loop3A_401 = vector.broadcast %parallel_loop3A_400 : i32 to vector<16xi32>
        %parallel_loop3A_402 = arith.addi %parallel_loop3A_94, %parallel_loop3A_401 : vector<16xi32>
        tpu.vector_store_idx %arg8[%parallel_loop3A_402], %parallel_loop3A_399 : memref<29376xf32, #tpu.memory_space<vmem>>[vector<16xi32>], vector<16xf32>,
        %parallel_loop3A_403 = arith.constant 44 : i32
        %parallel_loop3A_404 = vector.broadcast %parallel_loop3A_403 : i32 to vector<16xi32>
        %parallel_loop3A_405 = arith.addi %parallel_loop3A_90, %parallel_loop3A_404 : vector<16xi32>
        %parallel_loop3A_406 = tpu.vector_load_idx %arg5[%parallel_loop3A_405] : memref<512xf32, #tpu.memory_space<vmem>>[vector<16xi32>], vector<16xf32>,
        %parallel_loop3A_407 = arith.constant 44 : i32
        %parallel_loop3A_408 = vector.broadcast %parallel_loop3A_407 : i32 to vector<16xi32>
        %parallel_loop3A_409 = arith.addi %parallel_loop3A_94, %parallel_loop3A_408 : vector<16xi32>
        tpu.vector_store_idx %arg8[%parallel_loop3A_409], %parallel_loop3A_406 : memref<29376xf32, #tpu.memory_space<vmem>>[vector<16xi32>], vector<16xf32>,
        %parallel_loop3A_410 = arith.constant 45 : i32
        %parallel_loop3A_411 = vector.broadcast %parallel_loop3A_410 : i32 to vector<16xi32>
        %parallel_loop3A_412 = arith.addi %parallel_loop3A_90, %parallel_loop3A_411 : vector<16xi32>
        %parallel_loop3A_413 = tpu.vector_load_idx %arg5[%parallel_loop3A_412] : memref<512xf32, #tpu.memory_space<vmem>>[vector<16xi32>], vector<16xf32>,
        %parallel_loop3A_414 = arith.constant 45 : i32
        %parallel_loop3A_415 = vector.broadcast %parallel_loop3A_414 : i32 to vector<16xi32>
        %parallel_loop3A_416 = arith.addi %parallel_loop3A_94, %parallel_loop3A_415 : vector<16xi32>
        tpu.vector_store_idx %arg8[%parallel_loop3A_416], %parallel_loop3A_413 : memref<29376xf32, #tpu.memory_space<vmem>>[vector<16xi32>], vector<16xf32>,
        %parallel_loop3A_417 = arith.constant 46 : i32
        %parallel_loop3A_418 = vector.broadcast %parallel_loop3A_417 : i32 to vector<16xi32>
        %parallel_loop3A_419 = arith.addi %parallel_loop3A_90, %parallel_loop3A_418 : vector<16xi32>
        %parallel_loop3A_420 = tpu.vector_load_idx %arg5[%parallel_loop3A_419] : memref<512xf32, #tpu.memory_space<vmem>>[vector<16xi32>], vector<16xf32>,
        %parallel_loop3A_421 = arith.constant 46 : i32
        %parallel_loop3A_422 = vector.broadcast %parallel_loop3A_421 : i32 to vector<16xi32>
        %parallel_loop3A_423 = arith.addi %parallel_loop3A_94, %parallel_loop3A_422 : vector<16xi32>
        tpu.vector_store_idx %arg8[%parallel_loop3A_423], %parallel_loop3A_420 : memref<29376xf32, #tpu.memory_space<vmem>>[vector<16xi32>], vector<16xf32>,
        %parallel_loop3A_424 = arith.constant 47 : i32
        %parallel_loop3A_425 = vector.broadcast %parallel_loop3A_424 : i32 to vector<16xi32>
        %parallel_loop3A_426 = arith.addi %parallel_loop3A_90, %parallel_loop3A_425 : vector<16xi32>
        %parallel_loop3A_427 = tpu.vector_load_idx %arg5[%parallel_loop3A_426] : memref<512xf32, #tpu.memory_space<vmem>>[vector<16xi32>], vector<16xf32>,
        %parallel_loop3A_428 = arith.constant 47 : i32
        %parallel_loop3A_429 = vector.broadcast %parallel_loop3A_428 : i32 to vector<16xi32>
        %parallel_loop3A_430 = arith.addi %parallel_loop3A_94, %parallel_loop3A_429 : vector<16xi32>
        tpu.vector_store_idx %arg8[%parallel_loop3A_430], %parallel_loop3A_427 : memref<29376xf32, #tpu.memory_space<vmem>>[vector<16xi32>], vector<16xf32>,
        %parallel_loop3A_431 = arith.constant 48 : i32
        %parallel_loop3A_432 = vector.broadcast %parallel_loop3A_431 : i32 to vector<16xi32>
        %parallel_loop3A_433 = arith.addi %parallel_loop3A_90, %parallel_loop3A_432 : vector<16xi32>
        %parallel_loop3A_434 = tpu.vector_load_idx %arg5[%parallel_loop3A_433] : memref<512xf32, #tpu.memory_space<vmem>>[vector<16xi32>], vector<16xf32>,
        %parallel_loop3A_435 = arith.constant 48 : i32
        %parallel_loop3A_436 = vector.broadcast %parallel_loop3A_435 : i32 to vector<16xi32>
        %parallel_loop3A_437 = arith.addi %parallel_loop3A_94, %parallel_loop3A_436 : vector<16xi32>
        tpu.vector_store_idx %arg8[%parallel_loop3A_437], %parallel_loop3A_434 : memref<29376xf32, #tpu.memory_space<vmem>>[vector<16xi32>], vector<16xf32>,
        %parallel_loop3A_438 = arith.constant 49 : i32
        %parallel_loop3A_439 = vector.broadcast %parallel_loop3A_438 : i32 to vector<16xi32>
        %parallel_loop3A_440 = arith.addi %parallel_loop3A_90, %parallel_loop3A_439 : vector<16xi32>
        %parallel_loop3A_441 = tpu.vector_load_idx %arg5[%parallel_loop3A_440] : memref<512xf32, #tpu.memory_space<vmem>>[vector<16xi32>], vector<16xf32>,
        %parallel_loop3A_442 = arith.constant 49 : i32
        %parallel_loop3A_443 = vector.broadcast %parallel_loop3A_442 : i32 to vector<16xi32>
        %parallel_loop3A_444 = arith.addi %parallel_loop3A_94, %parallel_loop3A_443 : vector<16xi32>
        tpu.vector_store_idx %arg8[%parallel_loop3A_444], %parallel_loop3A_441 : memref<29376xf32, #tpu.memory_space<vmem>>[vector<16xi32>], vector<16xf32>,
        %parallel_loop3A_445 = arith.constant 50 : i32
        %parallel_loop3A_446 = vector.broadcast %parallel_loop3A_445 : i32 to vector<16xi32>
        %parallel_loop3A_447 = arith.addi %parallel_loop3A_90, %parallel_loop3A_446 : vector<16xi32>
        %parallel_loop3A_448 = tpu.vector_load_idx %arg5[%parallel_loop3A_447] : memref<512xf32, #tpu.memory_space<vmem>>[vector<16xi32>], vector<16xf32>,
        %parallel_loop3A_449 = arith.constant 50 : i32
        %parallel_loop3A_450 = vector.broadcast %parallel_loop3A_449 : i32 to vector<16xi32>
        %parallel_loop3A_451 = arith.addi %parallel_loop3A_94, %parallel_loop3A_450 : vector<16xi32>
        tpu.vector_store_idx %arg8[%parallel_loop3A_451], %parallel_loop3A_448 : memref<29376xf32, #tpu.memory_space<vmem>>[vector<16xi32>], vector<16xf32>,
      } {sc.loop_unroll_factor = 4 : i64, sc.parallel_access}
      %mul3A_45 = arith.constant 576 : i32
      %mul3A_46 = arith.muli %add3A_29, %mul3A_45 : i32
      %add3A_47 = arith.addi %mul3A_2, %mul3A_46 : i32
      %mul3A_48 = arith.constant 51 : i32
      %mul3A_49 = arith.muli %add3A_47, %mul3A_48 : i32
      %dma_start3A_50 = tpu.memref_slice %arg4[%mul3A_49] : memref<94003200xf32, #tpu.memory_space<hbm>> -> memref<29376xf32, #tpu.memory_space<hbm>>
      %dma_start3A_51 = tpu.memref_slice %arg4[%mul3A_49] : memref<94003200xf32, #tpu.memory_space<hbm>> -> memref<29376xf32, #tpu.memory_space<hbm>>
      tpu.enqueue_dma source(%arg8 : memref<29376xf32, #tpu.memory_space<vmem>>) target(%dma_start3A_51 : memref<29376xf32, #tpu.memory_space<hbm>>) target_semaphore(%arg12 : memref<!tpu.dma_semaphore, #tpu.memory_space<semaphore_mem>>)
      %mul3A_52 = arith.constant 2 : i32
      %mul3A_53 = arith.muli %mul3A_52, %scan3A_25 : i32
      %add3A_54 = arith.constant 1 : i32
      %add3A_55 = arith.addi %mul3A_53, %add3A_54 : i32
      %mul3A_56 = arith.constant 576 : i32
      %mul3A_57 = arith.muli %add3A_55, %mul3A_56 : i32
      %add3A_58 = arith.addi %mul3A_2, %mul3A_57 : i32
      %dma_wait3A_59 = tpu.memref_slice %arg3[%add3A_58] : memref<1843200xi32, #tpu.memory_space<hbm>> -> memref<576xi32, #tpu.memory_space<hbm>>
      %dma_wait3A_60 = tpu.memref_slice %arg3[%add3A_58] : memref<1843200xi32, #tpu.memory_space<hbm>> -> memref<576xi32, #tpu.memory_space<hbm>>
      tpu.wait_dma2 semaphore(%arg11 : memref<!tpu.dma_semaphore, #tpu.memory_space<semaphore_mem>>) src(%dma_wait3A_60 : memref<576xi32, #tpu.memory_space<hbm>>) dst(%arg7 : memref<576xi32, #tpu.memory_space<vmem>>)
      %add3A_61 = arith.constant 1 : i32
      %add3A_62 = arith.addi %add3A_55, %add3A_61 : i32
      %lt3A_63 = arith.constant 100 : i32
      %lt3A_64 = arith.cmpi slt, %add3A_62, %lt3A_63 : i32
      %convert_element_type3A_65 = arith.extui %lt3A_64 : i1 to i32
      %cond3A_66 = arith.constant 0 : i32
      %cond3A_67 = arith.cmpi ne, %convert_element_type3A_65, %cond3A_66 : i32
      scf.if %cond3A_67 {
        %add3A_83 = arith.constant 1 : i32
        %add3A_84 = arith.addi %add3A_55, %add3A_83 : i32
        %mul3A_85 = arith.constant 576 : i32
        %mul3A_86 = arith.muli %add3A_84, %mul3A_85 : i32
        %add3A_87 = arith.addi %mul3A_2, %mul3A_86 : i32
        %dma_start3A_88 = tpu.memref_slice %arg3[%add3A_87] : memref<1843200xi32, #tpu.memory_space<hbm>> -> memref<576xi32, #tpu.memory_space<hbm>>
        %dma_start3A_89 = tpu.memref_slice %arg3[%add3A_87] : memref<1843200xi32, #tpu.memory_space<hbm>> -> memref<576xi32, #tpu.memory_space<hbm>>
        tpu.enqueue_dma source(%dma_start3A_89 : memref<576xi32, #tpu.memory_space<hbm>>) target(%arg6 : memref<576xi32, #tpu.memory_space<vmem>>) target_semaphore(%arg10 : memref<!tpu.dma_semaphore, #tpu.memory_space<semaphore_mem>>)
      } else {
      }
      %ge3A_68 = arith.constant 2 : i32
      %ge3A_69 = arith.cmpi sge, %add3A_55, %ge3A_68 : i32
      %convert_element_type3A_70 = arith.extui %ge3A_69 : i1 to i32
      %cond3A_71 = arith.constant 0 : i32
      %cond3A_72 = arith.cmpi ne, %convert_element_type3A_70, %cond3A_71 : i32
      scf.if %cond3A_72 {
        %sub3A = arith.constant 2 : i32
        %sub3A_83 = arith.subi %add3A_55, %sub3A : i32
        %mul3A_84 = arith.constant 576 : i32
        %mul3A_85 = arith.muli %sub3A_83, %mul3A_84 : i32
        %add3A_86 = arith.addi %mul3A_2, %mul3A_85 : i32
        %mul3A_87 = arith.constant 51 : i32
        %mul3A_88 = arith.muli %add3A_86, %mul3A_87 : i32
        %dma_wait3A_89 = tpu.memref_slice %arg4[%mul3A_88] : memref<94003200xf32, #tpu.memory_space<hbm>> -> memref<29376xf32, #tpu.memory_space<hbm>>
        %dma_wait3A_90 = tpu.memref_slice %arg4[%mul3A_88] : memref<94003200xf32, #tpu.memory_space<hbm>> -> memref<29376xf32, #tpu.memory_space<hbm>>
        tpu.wait_dma2 semaphore(%arg13 : memref<!tpu.dma_semaphore, #tpu.memory_space<semaphore_mem>>) src(%arg9 : memref<29376xf32, #tpu.memory_space<vmem>>) dst(%dma_wait3A_90 : memref<29376xf32, #tpu.memory_space<hbm>>)
      } else {
      }
      %parallel_loop3A_73 = arith.constant 0 : i32
      %parallel_loop3A_74 = arith.constant 36 : i32
      %parallel_loop3A_75 = arith.constant 1 : i32
      scf.for %parallel_loop3A_83 = %parallel_loop3A_73 to %parallel_loop3A_74 step %parallel_loop3A_75  : i32 {
        %parallel_loop3A_84 = arith.constant 16 : i32
        %parallel_loop3A_85 = arith.muli %parallel_loop3A_83, %parallel_loop3A_84 : i32
        %parallel_loop3A_86 = arith.index_cast %parallel_loop3A_85 : i32 to index
        %parallel_loop3A_87 = tpu.vector_load %arg7[%parallel_loop3A_86] {strides = array<i32>} : memref<576xi32, #tpu.memory_space<vmem>>, vector<16xi32>,
        %parallel_loop3A_88 = arith.constant 51 : i32
        %parallel_loop3A_89 = vector.broadcast %parallel_loop3A_88 : i32 to vector<16xi32>
        %parallel_loop3A_90 = arith.muli %parallel_loop3A_87, %parallel_loop3A_89 : vector<16xi32>
        %parallel_loop3A_91 = arith.constant 816 : i32
        %parallel_loop3A_92 = arith.muli %parallel_loop3A_83, %parallel_loop3A_91 : i32
        %parallel_loop3A_93 = vector.broadcast %parallel_loop3A_92 : i32 to vector<16xi32>
        %parallel_loop3A_94 = arith.addi %mul3A_5, %parallel_loop3A_93 : vector<16xi32>
        %parallel_loop3A_95 = arith.constant 0 : i32
        %parallel_loop3A_96 = vector.broadcast %parallel_loop3A_95 : i32 to vector<16xi32>
        %parallel_loop3A_97 = arith.addi %parallel_loop3A_90, %parallel_loop3A_96 : vector<16xi32>
        %parallel_loop3A_98 = tpu.vector_load_idx %arg5[%parallel_loop3A_97] : memref<512xf32, #tpu.memory_space<vmem>>[vector<16xi32>], vector<16xf32>,
        %parallel_loop3A_99 = arith.constant 0 : i32
        %parallel_loop3A_100 = vector.broadcast %parallel_loop3A_99 : i32 to vector<16xi32>
        %parallel_loop3A_101 = arith.addi %parallel_loop3A_94, %parallel_loop3A_100 : vector<16xi32>
        tpu.vector_store_idx %arg9[%parallel_loop3A_101], %parallel_loop3A_98 : memref<29376xf32, #tpu.memory_space<vmem>>[vector<16xi32>], vector<16xf32>,
        %parallel_loop3A_102 = arith.constant 1 : i32
        %parallel_loop3A_103 = vector.broadcast %parallel_loop3A_102 : i32 to vector<16xi32>
        %parallel_loop3A_104 = arith.addi %parallel_loop3A_90, %parallel_loop3A_103 : vector<16xi32>
        %parallel_loop3A_105 = tpu.vector_load_idx %arg5[%parallel_loop3A_104] : memref<512xf32, #tpu.memory_space<vmem>>[vector<16xi32>], vector<16xf32>,
        %parallel_loop3A_106 = arith.constant 1 : i32
        %parallel_loop3A_107 = vector.broadcast %parallel_loop3A_106 : i32 to vector<16xi32>
        %parallel_loop3A_108 = arith.addi %parallel_loop3A_94, %parallel_loop3A_107 : vector<16xi32>
        tpu.vector_store_idx %arg9[%parallel_loop3A_108], %parallel_loop3A_105 : memref<29376xf32, #tpu.memory_space<vmem>>[vector<16xi32>], vector<16xf32>,
        %parallel_loop3A_109 = arith.constant 2 : i32
        %parallel_loop3A_110 = vector.broadcast %parallel_loop3A_109 : i32 to vector<16xi32>
        %parallel_loop3A_111 = arith.addi %parallel_loop3A_90, %parallel_loop3A_110 : vector<16xi32>
        %parallel_loop3A_112 = tpu.vector_load_idx %arg5[%parallel_loop3A_111] : memref<512xf32, #tpu.memory_space<vmem>>[vector<16xi32>], vector<16xf32>,
        %parallel_loop3A_113 = arith.constant 2 : i32
        %parallel_loop3A_114 = vector.broadcast %parallel_loop3A_113 : i32 to vector<16xi32>
        %parallel_loop3A_115 = arith.addi %parallel_loop3A_94, %parallel_loop3A_114 : vector<16xi32>
        tpu.vector_store_idx %arg9[%parallel_loop3A_115], %parallel_loop3A_112 : memref<29376xf32, #tpu.memory_space<vmem>>[vector<16xi32>], vector<16xf32>,
        %parallel_loop3A_116 = arith.constant 3 : i32
        %parallel_loop3A_117 = vector.broadcast %parallel_loop3A_116 : i32 to vector<16xi32>
        %parallel_loop3A_118 = arith.addi %parallel_loop3A_90, %parallel_loop3A_117 : vector<16xi32>
        %parallel_loop3A_119 = tpu.vector_load_idx %arg5[%parallel_loop3A_118] : memref<512xf32, #tpu.memory_space<vmem>>[vector<16xi32>], vector<16xf32>,
        %parallel_loop3A_120 = arith.constant 3 : i32
        %parallel_loop3A_121 = vector.broadcast %parallel_loop3A_120 : i32 to vector<16xi32>
        %parallel_loop3A_122 = arith.addi %parallel_loop3A_94, %parallel_loop3A_121 : vector<16xi32>
        tpu.vector_store_idx %arg9[%parallel_loop3A_122], %parallel_loop3A_119 : memref<29376xf32, #tpu.memory_space<vmem>>[vector<16xi32>], vector<16xf32>,
        %parallel_loop3A_123 = arith.constant 4 : i32
        %parallel_loop3A_124 = vector.broadcast %parallel_loop3A_123 : i32 to vector<16xi32>
        %parallel_loop3A_125 = arith.addi %parallel_loop3A_90, %parallel_loop3A_124 : vector<16xi32>
        %parallel_loop3A_126 = tpu.vector_load_idx %arg5[%parallel_loop3A_125] : memref<512xf32, #tpu.memory_space<vmem>>[vector<16xi32>], vector<16xf32>,
        %parallel_loop3A_127 = arith.constant 4 : i32
        %parallel_loop3A_128 = vector.broadcast %parallel_loop3A_127 : i32 to vector<16xi32>
        %parallel_loop3A_129 = arith.addi %parallel_loop3A_94, %parallel_loop3A_128 : vector<16xi32>
        tpu.vector_store_idx %arg9[%parallel_loop3A_129], %parallel_loop3A_126 : memref<29376xf32, #tpu.memory_space<vmem>>[vector<16xi32>], vector<16xf32>,
        %parallel_loop3A_130 = arith.constant 5 : i32
        %parallel_loop3A_131 = vector.broadcast %parallel_loop3A_130 : i32 to vector<16xi32>
        %parallel_loop3A_132 = arith.addi %parallel_loop3A_90, %parallel_loop3A_131 : vector<16xi32>
        %parallel_loop3A_133 = tpu.vector_load_idx %arg5[%parallel_loop3A_132] : memref<512xf32, #tpu.memory_space<vmem>>[vector<16xi32>], vector<16xf32>,
        %parallel_loop3A_134 = arith.constant 5 : i32
        %parallel_loop3A_135 = vector.broadcast %parallel_loop3A_134 : i32 to vector<16xi32>
        %parallel_loop3A_136 = arith.addi %parallel_loop3A_94, %parallel_loop3A_135 : vector<16xi32>
        tpu.vector_store_idx %arg9[%parallel_loop3A_136], %parallel_loop3A_133 : memref<29376xf32, #tpu.memory_space<vmem>>[vector<16xi32>], vector<16xf32>,
        %parallel_loop3A_137 = arith.constant 6 : i32
        %parallel_loop3A_138 = vector.broadcast %parallel_loop3A_137 : i32 to vector<16xi32>
        %parallel_loop3A_139 = arith.addi %parallel_loop3A_90, %parallel_loop3A_138 : vector<16xi32>
        %parallel_loop3A_140 = tpu.vector_load_idx %arg5[%parallel_loop3A_139] : memref<512xf32, #tpu.memory_space<vmem>>[vector<16xi32>], vector<16xf32>,
        %parallel_loop3A_141 = arith.constant 6 : i32
        %parallel_loop3A_142 = vector.broadcast %parallel_loop3A_141 : i32 to vector<16xi32>
        %parallel_loop3A_143 = arith.addi %parallel_loop3A_94, %parallel_loop3A_142 : vector<16xi32>
        tpu.vector_store_idx %arg9[%parallel_loop3A_143], %parallel_loop3A_140 : memref<29376xf32, #tpu.memory_space<vmem>>[vector<16xi32>], vector<16xf32>,
        %parallel_loop3A_144 = arith.constant 7 : i32
        %parallel_loop3A_145 = vector.broadcast %parallel_loop3A_144 : i32 to vector<16xi32>
        %parallel_loop3A_146 = arith.addi %parallel_loop3A_90, %parallel_loop3A_145 : vector<16xi32>
        %parallel_loop3A_147 = tpu.vector_load_idx %arg5[%parallel_loop3A_146] : memref<512xf32, #tpu.memory_space<vmem>>[vector<16xi32>], vector<16xf32>,
        %parallel_loop3A_148 = arith.constant 7 : i32
        %parallel_loop3A_149 = vector.broadcast %parallel_loop3A_148 : i32 to vector<16xi32>
        %parallel_loop3A_150 = arith.addi %parallel_loop3A_94, %parallel_loop3A_149 : vector<16xi32>
        tpu.vector_store_idx %arg9[%parallel_loop3A_150], %parallel_loop3A_147 : memref<29376xf32, #tpu.memory_space<vmem>>[vector<16xi32>], vector<16xf32>,
        %parallel_loop3A_151 = arith.constant 8 : i32
        %parallel_loop3A_152 = vector.broadcast %parallel_loop3A_151 : i32 to vector<16xi32>
        %parallel_loop3A_153 = arith.addi %parallel_loop3A_90, %parallel_loop3A_152 : vector<16xi32>
        %parallel_loop3A_154 = tpu.vector_load_idx %arg5[%parallel_loop3A_153] : memref<512xf32, #tpu.memory_space<vmem>>[vector<16xi32>], vector<16xf32>,
        %parallel_loop3A_155 = arith.constant 8 : i32
        %parallel_loop3A_156 = vector.broadcast %parallel_loop3A_155 : i32 to vector<16xi32>
        %parallel_loop3A_157 = arith.addi %parallel_loop3A_94, %parallel_loop3A_156 : vector<16xi32>
        tpu.vector_store_idx %arg9[%parallel_loop3A_157], %parallel_loop3A_154 : memref<29376xf32, #tpu.memory_space<vmem>>[vector<16xi32>], vector<16xf32>,
        %parallel_loop3A_158 = arith.constant 9 : i32
        %parallel_loop3A_159 = vector.broadcast %parallel_loop3A_158 : i32 to vector<16xi32>
        %parallel_loop3A_160 = arith.addi %parallel_loop3A_90, %parallel_loop3A_159 : vector<16xi32>
        %parallel_loop3A_161 = tpu.vector_load_idx %arg5[%parallel_loop3A_160] : memref<512xf32, #tpu.memory_space<vmem>>[vector<16xi32>], vector<16xf32>,
        %parallel_loop3A_162 = arith.constant 9 : i32
        %parallel_loop3A_163 = vector.broadcast %parallel_loop3A_162 : i32 to vector<16xi32>
        %parallel_loop3A_164 = arith.addi %parallel_loop3A_94, %parallel_loop3A_163 : vector<16xi32>
        tpu.vector_store_idx %arg9[%parallel_loop3A_164], %parallel_loop3A_161 : memref<29376xf32, #tpu.memory_space<vmem>>[vector<16xi32>], vector<16xf32>,
        %parallel_loop3A_165 = arith.constant 10 : i32
        %parallel_loop3A_166 = vector.broadcast %parallel_loop3A_165 : i32 to vector<16xi32>
        %parallel_loop3A_167 = arith.addi %parallel_loop3A_90, %parallel_loop3A_166 : vector<16xi32>
        %parallel_loop3A_168 = tpu.vector_load_idx %arg5[%parallel_loop3A_167] : memref<512xf32, #tpu.memory_space<vmem>>[vector<16xi32>], vector<16xf32>,
        %parallel_loop3A_169 = arith.constant 10 : i32
        %parallel_loop3A_170 = vector.broadcast %parallel_loop3A_169 : i32 to vector<16xi32>
        %parallel_loop3A_171 = arith.addi %parallel_loop3A_94, %parallel_loop3A_170 : vector<16xi32>
        tpu.vector_store_idx %arg9[%parallel_loop3A_171], %parallel_loop3A_168 : memref<29376xf32, #tpu.memory_space<vmem>>[vector<16xi32>], vector<16xf32>,
        %parallel_loop3A_172 = arith.constant 11 : i32
        %parallel_loop3A_173 = vector.broadcast %parallel_loop3A_172 : i32 to vector<16xi32>
        %parallel_loop3A_174 = arith.addi %parallel_loop3A_90, %parallel_loop3A_173 : vector<16xi32>
        %parallel_loop3A_175 = tpu.vector_load_idx %arg5[%parallel_loop3A_174] : memref<512xf32, #tpu.memory_space<vmem>>[vector<16xi32>], vector<16xf32>,
        %parallel_loop3A_176 = arith.constant 11 : i32
        %parallel_loop3A_177 = vector.broadcast %parallel_loop3A_176 : i32 to vector<16xi32>
        %parallel_loop3A_178 = arith.addi %parallel_loop3A_94, %parallel_loop3A_177 : vector<16xi32>
        tpu.vector_store_idx %arg9[%parallel_loop3A_178], %parallel_loop3A_175 : memref<29376xf32, #tpu.memory_space<vmem>>[vector<16xi32>], vector<16xf32>,
        %parallel_loop3A_179 = arith.constant 12 : i32
        %parallel_loop3A_180 = vector.broadcast %parallel_loop3A_179 : i32 to vector<16xi32>
        %parallel_loop3A_181 = arith.addi %parallel_loop3A_90, %parallel_loop3A_180 : vector<16xi32>
        %parallel_loop3A_182 = tpu.vector_load_idx %arg5[%parallel_loop3A_181] : memref<512xf32, #tpu.memory_space<vmem>>[vector<16xi32>], vector<16xf32>,
        %parallel_loop3A_183 = arith.constant 12 : i32
        %parallel_loop3A_184 = vector.broadcast %parallel_loop3A_183 : i32 to vector<16xi32>
        %parallel_loop3A_185 = arith.addi %parallel_loop3A_94, %parallel_loop3A_184 : vector<16xi32>
        tpu.vector_store_idx %arg9[%parallel_loop3A_185], %parallel_loop3A_182 : memref<29376xf32, #tpu.memory_space<vmem>>[vector<16xi32>], vector<16xf32>,
        %parallel_loop3A_186 = arith.constant 13 : i32
        %parallel_loop3A_187 = vector.broadcast %parallel_loop3A_186 : i32 to vector<16xi32>
        %parallel_loop3A_188 = arith.addi %parallel_loop3A_90, %parallel_loop3A_187 : vector<16xi32>
        %parallel_loop3A_189 = tpu.vector_load_idx %arg5[%parallel_loop3A_188] : memref<512xf32, #tpu.memory_space<vmem>>[vector<16xi32>], vector<16xf32>,
        %parallel_loop3A_190 = arith.constant 13 : i32
        %parallel_loop3A_191 = vector.broadcast %parallel_loop3A_190 : i32 to vector<16xi32>
        %parallel_loop3A_192 = arith.addi %parallel_loop3A_94, %parallel_loop3A_191 : vector<16xi32>
        tpu.vector_store_idx %arg9[%parallel_loop3A_192], %parallel_loop3A_189 : memref<29376xf32, #tpu.memory_space<vmem>>[vector<16xi32>], vector<16xf32>,
        %parallel_loop3A_193 = arith.constant 14 : i32
        %parallel_loop3A_194 = vector.broadcast %parallel_loop3A_193 : i32 to vector<16xi32>
        %parallel_loop3A_195 = arith.addi %parallel_loop3A_90, %parallel_loop3A_194 : vector<16xi32>
        %parallel_loop3A_196 = tpu.vector_load_idx %arg5[%parallel_loop3A_195] : memref<512xf32, #tpu.memory_space<vmem>>[vector<16xi32>], vector<16xf32>,
        %parallel_loop3A_197 = arith.constant 14 : i32
        %parallel_loop3A_198 = vector.broadcast %parallel_loop3A_197 : i32 to vector<16xi32>
        %parallel_loop3A_199 = arith.addi %parallel_loop3A_94, %parallel_loop3A_198 : vector<16xi32>
        tpu.vector_store_idx %arg9[%parallel_loop3A_199], %parallel_loop3A_196 : memref<29376xf32, #tpu.memory_space<vmem>>[vector<16xi32>], vector<16xf32>,
        %parallel_loop3A_200 = arith.constant 15 : i32
        %parallel_loop3A_201 = vector.broadcast %parallel_loop3A_200 : i32 to vector<16xi32>
        %parallel_loop3A_202 = arith.addi %parallel_loop3A_90, %parallel_loop3A_201 : vector<16xi32>
        %parallel_loop3A_203 = tpu.vector_load_idx %arg5[%parallel_loop3A_202] : memref<512xf32, #tpu.memory_space<vmem>>[vector<16xi32>], vector<16xf32>,
        %parallel_loop3A_204 = arith.constant 15 : i32
        %parallel_loop3A_205 = vector.broadcast %parallel_loop3A_204 : i32 to vector<16xi32>
        %parallel_loop3A_206 = arith.addi %parallel_loop3A_94, %parallel_loop3A_205 : vector<16xi32>
        tpu.vector_store_idx %arg9[%parallel_loop3A_206], %parallel_loop3A_203 : memref<29376xf32, #tpu.memory_space<vmem>>[vector<16xi32>], vector<16xf32>,
        %parallel_loop3A_207 = arith.constant 16 : i32
        %parallel_loop3A_208 = vector.broadcast %parallel_loop3A_207 : i32 to vector<16xi32>
        %parallel_loop3A_209 = arith.addi %parallel_loop3A_90, %parallel_loop3A_208 : vector<16xi32>
        %parallel_loop3A_210 = tpu.vector_load_idx %arg5[%parallel_loop3A_209] : memref<512xf32, #tpu.memory_space<vmem>>[vector<16xi32>], vector<16xf32>,
        %parallel_loop3A_211 = arith.constant 16 : i32
        %parallel_loop3A_212 = vector.broadcast %parallel_loop3A_211 : i32 to vector<16xi32>
        %parallel_loop3A_213 = arith.addi %parallel_loop3A_94, %parallel_loop3A_212 : vector<16xi32>
        tpu.vector_store_idx %arg9[%parallel_loop3A_213], %parallel_loop3A_210 : memref<29376xf32, #tpu.memory_space<vmem>>[vector<16xi32>], vector<16xf32>,
        %parallel_loop3A_214 = arith.constant 17 : i32
        %parallel_loop3A_215 = vector.broadcast %parallel_loop3A_214 : i32 to vector<16xi32>
        %parallel_loop3A_216 = arith.addi %parallel_loop3A_90, %parallel_loop3A_215 : vector<16xi32>
        %parallel_loop3A_217 = tpu.vector_load_idx %arg5[%parallel_loop3A_216] : memref<512xf32, #tpu.memory_space<vmem>>[vector<16xi32>], vector<16xf32>,
        %parallel_loop3A_218 = arith.constant 17 : i32
        %parallel_loop3A_219 = vector.broadcast %parallel_loop3A_218 : i32 to vector<16xi32>
        %parallel_loop3A_220 = arith.addi %parallel_loop3A_94, %parallel_loop3A_219 : vector<16xi32>
        tpu.vector_store_idx %arg9[%parallel_loop3A_220], %parallel_loop3A_217 : memref<29376xf32, #tpu.memory_space<vmem>>[vector<16xi32>], vector<16xf32>,
        %parallel_loop3A_221 = arith.constant 18 : i32
        %parallel_loop3A_222 = vector.broadcast %parallel_loop3A_221 : i32 to vector<16xi32>
        %parallel_loop3A_223 = arith.addi %parallel_loop3A_90, %parallel_loop3A_222 : vector<16xi32>
        %parallel_loop3A_224 = tpu.vector_load_idx %arg5[%parallel_loop3A_223] : memref<512xf32, #tpu.memory_space<vmem>>[vector<16xi32>], vector<16xf32>,
        %parallel_loop3A_225 = arith.constant 18 : i32
        %parallel_loop3A_226 = vector.broadcast %parallel_loop3A_225 : i32 to vector<16xi32>
        %parallel_loop3A_227 = arith.addi %parallel_loop3A_94, %parallel_loop3A_226 : vector<16xi32>
        tpu.vector_store_idx %arg9[%parallel_loop3A_227], %parallel_loop3A_224 : memref<29376xf32, #tpu.memory_space<vmem>>[vector<16xi32>], vector<16xf32>,
        %parallel_loop3A_228 = arith.constant 19 : i32
        %parallel_loop3A_229 = vector.broadcast %parallel_loop3A_228 : i32 to vector<16xi32>
        %parallel_loop3A_230 = arith.addi %parallel_loop3A_90, %parallel_loop3A_229 : vector<16xi32>
        %parallel_loop3A_231 = tpu.vector_load_idx %arg5[%parallel_loop3A_230] : memref<512xf32, #tpu.memory_space<vmem>>[vector<16xi32>], vector<16xf32>,
        %parallel_loop3A_232 = arith.constant 19 : i32
        %parallel_loop3A_233 = vector.broadcast %parallel_loop3A_232 : i32 to vector<16xi32>
        %parallel_loop3A_234 = arith.addi %parallel_loop3A_94, %parallel_loop3A_233 : vector<16xi32>
        tpu.vector_store_idx %arg9[%parallel_loop3A_234], %parallel_loop3A_231 : memref<29376xf32, #tpu.memory_space<vmem>>[vector<16xi32>], vector<16xf32>,
        %parallel_loop3A_235 = arith.constant 20 : i32
        %parallel_loop3A_236 = vector.broadcast %parallel_loop3A_235 : i32 to vector<16xi32>
        %parallel_loop3A_237 = arith.addi %parallel_loop3A_90, %parallel_loop3A_236 : vector<16xi32>
        %parallel_loop3A_238 = tpu.vector_load_idx %arg5[%parallel_loop3A_237] : memref<512xf32, #tpu.memory_space<vmem>>[vector<16xi32>], vector<16xf32>,
        %parallel_loop3A_239 = arith.constant 20 : i32
        %parallel_loop3A_240 = vector.broadcast %parallel_loop3A_239 : i32 to vector<16xi32>
        %parallel_loop3A_241 = arith.addi %parallel_loop3A_94, %parallel_loop3A_240 : vector<16xi32>
        tpu.vector_store_idx %arg9[%parallel_loop3A_241], %parallel_loop3A_238 : memref<29376xf32, #tpu.memory_space<vmem>>[vector<16xi32>], vector<16xf32>,
        %parallel_loop3A_242 = arith.constant 21 : i32
        %parallel_loop3A_243 = vector.broadcast %parallel_loop3A_242 : i32 to vector<16xi32>
        %parallel_loop3A_244 = arith.addi %parallel_loop3A_90, %parallel_loop3A_243 : vector<16xi32>
        %parallel_loop3A_245 = tpu.vector_load_idx %arg5[%parallel_loop3A_244] : memref<512xf32, #tpu.memory_space<vmem>>[vector<16xi32>], vector<16xf32>,
        %parallel_loop3A_246 = arith.constant 21 : i32
        %parallel_loop3A_247 = vector.broadcast %parallel_loop3A_246 : i32 to vector<16xi32>
        %parallel_loop3A_248 = arith.addi %parallel_loop3A_94, %parallel_loop3A_247 : vector<16xi32>
        tpu.vector_store_idx %arg9[%parallel_loop3A_248], %parallel_loop3A_245 : memref<29376xf32, #tpu.memory_space<vmem>>[vector<16xi32>], vector<16xf32>,
        %parallel_loop3A_249 = arith.constant 22 : i32
        %parallel_loop3A_250 = vector.broadcast %parallel_loop3A_249 : i32 to vector<16xi32>
        %parallel_loop3A_251 = arith.addi %parallel_loop3A_90, %parallel_loop3A_250 : vector<16xi32>
        %parallel_loop3A_252 = tpu.vector_load_idx %arg5[%parallel_loop3A_251] : memref<512xf32, #tpu.memory_space<vmem>>[vector<16xi32>], vector<16xf32>,
        %parallel_loop3A_253 = arith.constant 22 : i32
        %parallel_loop3A_254 = vector.broadcast %parallel_loop3A_253 : i32 to vector<16xi32>
        %parallel_loop3A_255 = arith.addi %parallel_loop3A_94, %parallel_loop3A_254 : vector<16xi32>
        tpu.vector_store_idx %arg9[%parallel_loop3A_255], %parallel_loop3A_252 : memref<29376xf32, #tpu.memory_space<vmem>>[vector<16xi32>], vector<16xf32>,
        %parallel_loop3A_256 = arith.constant 23 : i32
        %parallel_loop3A_257 = vector.broadcast %parallel_loop3A_256 : i32 to vector<16xi32>
        %parallel_loop3A_258 = arith.addi %parallel_loop3A_90, %parallel_loop3A_257 : vector<16xi32>
        %parallel_loop3A_259 = tpu.vector_load_idx %arg5[%parallel_loop3A_258] : memref<512xf32, #tpu.memory_space<vmem>>[vector<16xi32>], vector<16xf32>,
        %parallel_loop3A_260 = arith.constant 23 : i32
        %parallel_loop3A_261 = vector.broadcast %parallel_loop3A_260 : i32 to vector<16xi32>
        %parallel_loop3A_262 = arith.addi %parallel_loop3A_94, %parallel_loop3A_261 : vector<16xi32>
        tpu.vector_store_idx %arg9[%parallel_loop3A_262], %parallel_loop3A_259 : memref<29376xf32, #tpu.memory_space<vmem>>[vector<16xi32>], vector<16xf32>,
        %parallel_loop3A_263 = arith.constant 24 : i32
        %parallel_loop3A_264 = vector.broadcast %parallel_loop3A_263 : i32 to vector<16xi32>
        %parallel_loop3A_265 = arith.addi %parallel_loop3A_90, %parallel_loop3A_264 : vector<16xi32>
        %parallel_loop3A_266 = tpu.vector_load_idx %arg5[%parallel_loop3A_265] : memref<512xf32, #tpu.memory_space<vmem>>[vector<16xi32>], vector<16xf32>,
        %parallel_loop3A_267 = arith.constant 24 : i32
        %parallel_loop3A_268 = vector.broadcast %parallel_loop3A_267 : i32 to vector<16xi32>
        %parallel_loop3A_269 = arith.addi %parallel_loop3A_94, %parallel_loop3A_268 : vector<16xi32>
        tpu.vector_store_idx %arg9[%parallel_loop3A_269], %parallel_loop3A_266 : memref<29376xf32, #tpu.memory_space<vmem>>[vector<16xi32>], vector<16xf32>,
        %parallel_loop3A_270 = arith.constant 25 : i32
        %parallel_loop3A_271 = vector.broadcast %parallel_loop3A_270 : i32 to vector<16xi32>
        %parallel_loop3A_272 = arith.addi %parallel_loop3A_90, %parallel_loop3A_271 : vector<16xi32>
        %parallel_loop3A_273 = tpu.vector_load_idx %arg5[%parallel_loop3A_272] : memref<512xf32, #tpu.memory_space<vmem>>[vector<16xi32>], vector<16xf32>,
        %parallel_loop3A_274 = arith.constant 25 : i32
        %parallel_loop3A_275 = vector.broadcast %parallel_loop3A_274 : i32 to vector<16xi32>
        %parallel_loop3A_276 = arith.addi %parallel_loop3A_94, %parallel_loop3A_275 : vector<16xi32>
        tpu.vector_store_idx %arg9[%parallel_loop3A_276], %parallel_loop3A_273 : memref<29376xf32, #tpu.memory_space<vmem>>[vector<16xi32>], vector<16xf32>,
        %parallel_loop3A_277 = arith.constant 26 : i32
        %parallel_loop3A_278 = vector.broadcast %parallel_loop3A_277 : i32 to vector<16xi32>
        %parallel_loop3A_279 = arith.addi %parallel_loop3A_90, %parallel_loop3A_278 : vector<16xi32>
        %parallel_loop3A_280 = tpu.vector_load_idx %arg5[%parallel_loop3A_279] : memref<512xf32, #tpu.memory_space<vmem>>[vector<16xi32>], vector<16xf32>,
        %parallel_loop3A_281 = arith.constant 26 : i32
        %parallel_loop3A_282 = vector.broadcast %parallel_loop3A_281 : i32 to vector<16xi32>
        %parallel_loop3A_283 = arith.addi %parallel_loop3A_94, %parallel_loop3A_282 : vector<16xi32>
        tpu.vector_store_idx %arg9[%parallel_loop3A_283], %parallel_loop3A_280 : memref<29376xf32, #tpu.memory_space<vmem>>[vector<16xi32>], vector<16xf32>,
        %parallel_loop3A_284 = arith.constant 27 : i32
        %parallel_loop3A_285 = vector.broadcast %parallel_loop3A_284 : i32 to vector<16xi32>
        %parallel_loop3A_286 = arith.addi %parallel_loop3A_90, %parallel_loop3A_285 : vector<16xi32>
        %parallel_loop3A_287 = tpu.vector_load_idx %arg5[%parallel_loop3A_286] : memref<512xf32, #tpu.memory_space<vmem>>[vector<16xi32>], vector<16xf32>,
        %parallel_loop3A_288 = arith.constant 27 : i32
        %parallel_loop3A_289 = vector.broadcast %parallel_loop3A_288 : i32 to vector<16xi32>
        %parallel_loop3A_290 = arith.addi %parallel_loop3A_94, %parallel_loop3A_289 : vector<16xi32>
        tpu.vector_store_idx %arg9[%parallel_loop3A_290], %parallel_loop3A_287 : memref<29376xf32, #tpu.memory_space<vmem>>[vector<16xi32>], vector<16xf32>,
        %parallel_loop3A_291 = arith.constant 28 : i32
        %parallel_loop3A_292 = vector.broadcast %parallel_loop3A_291 : i32 to vector<16xi32>
        %parallel_loop3A_293 = arith.addi %parallel_loop3A_90, %parallel_loop3A_292 : vector<16xi32>
        %parallel_loop3A_294 = tpu.vector_load_idx %arg5[%parallel_loop3A_293] : memref<512xf32, #tpu.memory_space<vmem>>[vector<16xi32>], vector<16xf32>,
        %parallel_loop3A_295 = arith.constant 28 : i32
        %parallel_loop3A_296 = vector.broadcast %parallel_loop3A_295 : i32 to vector<16xi32>
        %parallel_loop3A_297 = arith.addi %parallel_loop3A_94, %parallel_loop3A_296 : vector<16xi32>
        tpu.vector_store_idx %arg9[%parallel_loop3A_297], %parallel_loop3A_294 : memref<29376xf32, #tpu.memory_space<vmem>>[vector<16xi32>], vector<16xf32>,
        %parallel_loop3A_298 = arith.constant 29 : i32
        %parallel_loop3A_299 = vector.broadcast %parallel_loop3A_298 : i32 to vector<16xi32>
        %parallel_loop3A_300 = arith.addi %parallel_loop3A_90, %parallel_loop3A_299 : vector<16xi32>
        %parallel_loop3A_301 = tpu.vector_load_idx %arg5[%parallel_loop3A_300] : memref<512xf32, #tpu.memory_space<vmem>>[vector<16xi32>], vector<16xf32>,
        %parallel_loop3A_302 = arith.constant 29 : i32
        %parallel_loop3A_303 = vector.broadcast %parallel_loop3A_302 : i32 to vector<16xi32>
        %parallel_loop3A_304 = arith.addi %parallel_loop3A_94, %parallel_loop3A_303 : vector<16xi32>
        tpu.vector_store_idx %arg9[%parallel_loop3A_304], %parallel_loop3A_301 : memref<29376xf32, #tpu.memory_space<vmem>>[vector<16xi32>], vector<16xf32>,
        %parallel_loop3A_305 = arith.constant 30 : i32
        %parallel_loop3A_306 = vector.broadcast %parallel_loop3A_305 : i32 to vector<16xi32>
        %parallel_loop3A_307 = arith.addi %parallel_loop3A_90, %parallel_loop3A_306 : vector<16xi32>
        %parallel_loop3A_308 = tpu.vector_load_idx %arg5[%parallel_loop3A_307] : memref<512xf32, #tpu.memory_space<vmem>>[vector<16xi32>], vector<16xf32>,
        %parallel_loop3A_309 = arith.constant 30 : i32
        %parallel_loop3A_310 = vector.broadcast %parallel_loop3A_309 : i32 to vector<16xi32>
        %parallel_loop3A_311 = arith.addi %parallel_loop3A_94, %parallel_loop3A_310 : vector<16xi32>
        tpu.vector_store_idx %arg9[%parallel_loop3A_311], %parallel_loop3A_308 : memref<29376xf32, #tpu.memory_space<vmem>>[vector<16xi32>], vector<16xf32>,
        %parallel_loop3A_312 = arith.constant 31 : i32
        %parallel_loop3A_313 = vector.broadcast %parallel_loop3A_312 : i32 to vector<16xi32>
        %parallel_loop3A_314 = arith.addi %parallel_loop3A_90, %parallel_loop3A_313 : vector<16xi32>
        %parallel_loop3A_315 = tpu.vector_load_idx %arg5[%parallel_loop3A_314] : memref<512xf32, #tpu.memory_space<vmem>>[vector<16xi32>], vector<16xf32>,
        %parallel_loop3A_316 = arith.constant 31 : i32
        %parallel_loop3A_317 = vector.broadcast %parallel_loop3A_316 : i32 to vector<16xi32>
        %parallel_loop3A_318 = arith.addi %parallel_loop3A_94, %parallel_loop3A_317 : vector<16xi32>
        tpu.vector_store_idx %arg9[%parallel_loop3A_318], %parallel_loop3A_315 : memref<29376xf32, #tpu.memory_space<vmem>>[vector<16xi32>], vector<16xf32>,
        %parallel_loop3A_319 = arith.constant 32 : i32
        %parallel_loop3A_320 = vector.broadcast %parallel_loop3A_319 : i32 to vector<16xi32>
        %parallel_loop3A_321 = arith.addi %parallel_loop3A_90, %parallel_loop3A_320 : vector<16xi32>
        %parallel_loop3A_322 = tpu.vector_load_idx %arg5[%parallel_loop3A_321] : memref<512xf32, #tpu.memory_space<vmem>>[vector<16xi32>], vector<16xf32>,
        %parallel_loop3A_323 = arith.constant 32 : i32
        %parallel_loop3A_324 = vector.broadcast %parallel_loop3A_323 : i32 to vector<16xi32>
        %parallel_loop3A_325 = arith.addi %parallel_loop3A_94, %parallel_loop3A_324 : vector<16xi32>
        tpu.vector_store_idx %arg9[%parallel_loop3A_325], %parallel_loop3A_322 : memref<29376xf32, #tpu.memory_space<vmem>>[vector<16xi32>], vector<16xf32>,
        %parallel_loop3A_326 = arith.constant 33 : i32
        %parallel_loop3A_327 = vector.broadcast %parallel_loop3A_326 : i32 to vector<16xi32>
        %parallel_loop3A_328 = arith.addi %parallel_loop3A_90, %parallel_loop3A_327 : vector<16xi32>
        %parallel_loop3A_329 = tpu.vector_load_idx %arg5[%parallel_loop3A_328] : memref<512xf32, #tpu.memory_space<vmem>>[vector<16xi32>], vector<16xf32>,
        %parallel_loop3A_330 = arith.constant 33 : i32
        %parallel_loop3A_331 = vector.broadcast %parallel_loop3A_330 : i32 to vector<16xi32>
        %parallel_loop3A_332 = arith.addi %parallel_loop3A_94, %parallel_loop3A_331 : vector<16xi32>
        tpu.vector_store_idx %arg9[%parallel_loop3A_332], %parallel_loop3A_329 : memref<29376xf32, #tpu.memory_space<vmem>>[vector<16xi32>], vector<16xf32>,
        %parallel_loop3A_333 = arith.constant 34 : i32
        %parallel_loop3A_334 = vector.broadcast %parallel_loop3A_333 : i32 to vector<16xi32>
        %parallel_loop3A_335 = arith.addi %parallel_loop3A_90, %parallel_loop3A_334 : vector<16xi32>
        %parallel_loop3A_336 = tpu.vector_load_idx %arg5[%parallel_loop3A_335] : memref<512xf32, #tpu.memory_space<vmem>>[vector<16xi32>], vector<16xf32>,
        %parallel_loop3A_337 = arith.constant 34 : i32
        %parallel_loop3A_338 = vector.broadcast %parallel_loop3A_337 : i32 to vector<16xi32>
        %parallel_loop3A_339 = arith.addi %parallel_loop3A_94, %parallel_loop3A_338 : vector<16xi32>
        tpu.vector_store_idx %arg9[%parallel_loop3A_339], %parallel_loop3A_336 : memref<29376xf32, #tpu.memory_space<vmem>>[vector<16xi32>], vector<16xf32>,
        %parallel_loop3A_340 = arith.constant 35 : i32
        %parallel_loop3A_341 = vector.broadcast %parallel_loop3A_340 : i32 to vector<16xi32>
        %parallel_loop3A_342 = arith.addi %parallel_loop3A_90, %parallel_loop3A_341 : vector<16xi32>
        %parallel_loop3A_343 = tpu.vector_load_idx %arg5[%parallel_loop3A_342] : memref<512xf32, #tpu.memory_space<vmem>>[vector<16xi32>], vector<16xf32>,
        %parallel_loop3A_344 = arith.constant 35 : i32
        %parallel_loop3A_345 = vector.broadcast %parallel_loop3A_344 : i32 to vector<16xi32>
        %parallel_loop3A_346 = arith.addi %parallel_loop3A_94, %parallel_loop3A_345 : vector<16xi32>
        tpu.vector_store_idx %arg9[%parallel_loop3A_346], %parallel_loop3A_343 : memref<29376xf32, #tpu.memory_space<vmem>>[vector<16xi32>], vector<16xf32>,
        %parallel_loop3A_347 = arith.constant 36 : i32
        %parallel_loop3A_348 = vector.broadcast %parallel_loop3A_347 : i32 to vector<16xi32>
        %parallel_loop3A_349 = arith.addi %parallel_loop3A_90, %parallel_loop3A_348 : vector<16xi32>
        %parallel_loop3A_350 = tpu.vector_load_idx %arg5[%parallel_loop3A_349] : memref<512xf32, #tpu.memory_space<vmem>>[vector<16xi32>], vector<16xf32>,
        %parallel_loop3A_351 = arith.constant 36 : i32
        %parallel_loop3A_352 = vector.broadcast %parallel_loop3A_351 : i32 to vector<16xi32>
        %parallel_loop3A_353 = arith.addi %parallel_loop3A_94, %parallel_loop3A_352 : vector<16xi32>
        tpu.vector_store_idx %arg9[%parallel_loop3A_353], %parallel_loop3A_350 : memref<29376xf32, #tpu.memory_space<vmem>>[vector<16xi32>], vector<16xf32>,
        %parallel_loop3A_354 = arith.constant 37 : i32
        %parallel_loop3A_355 = vector.broadcast %parallel_loop3A_354 : i32 to vector<16xi32>
        %parallel_loop3A_356 = arith.addi %parallel_loop3A_90, %parallel_loop3A_355 : vector<16xi32>
        %parallel_loop3A_357 = tpu.vector_load_idx %arg5[%parallel_loop3A_356] : memref<512xf32, #tpu.memory_space<vmem>>[vector<16xi32>], vector<16xf32>,
        %parallel_loop3A_358 = arith.constant 37 : i32
        %parallel_loop3A_359 = vector.broadcast %parallel_loop3A_358 : i32 to vector<16xi32>
        %parallel_loop3A_360 = arith.addi %parallel_loop3A_94, %parallel_loop3A_359 : vector<16xi32>
        tpu.vector_store_idx %arg9[%parallel_loop3A_360], %parallel_loop3A_357 : memref<29376xf32, #tpu.memory_space<vmem>>[vector<16xi32>], vector<16xf32>,
        %parallel_loop3A_361 = arith.constant 38 : i32
        %parallel_loop3A_362 = vector.broadcast %parallel_loop3A_361 : i32 to vector<16xi32>
        %parallel_loop3A_363 = arith.addi %parallel_loop3A_90, %parallel_loop3A_362 : vector<16xi32>
        %parallel_loop3A_364 = tpu.vector_load_idx %arg5[%parallel_loop3A_363] : memref<512xf32, #tpu.memory_space<vmem>>[vector<16xi32>], vector<16xf32>,
        %parallel_loop3A_365 = arith.constant 38 : i32
        %parallel_loop3A_366 = vector.broadcast %parallel_loop3A_365 : i32 to vector<16xi32>
        %parallel_loop3A_367 = arith.addi %parallel_loop3A_94, %parallel_loop3A_366 : vector<16xi32>
        tpu.vector_store_idx %arg9[%parallel_loop3A_367], %parallel_loop3A_364 : memref<29376xf32, #tpu.memory_space<vmem>>[vector<16xi32>], vector<16xf32>,
        %parallel_loop3A_368 = arith.constant 39 : i32
        %parallel_loop3A_369 = vector.broadcast %parallel_loop3A_368 : i32 to vector<16xi32>
        %parallel_loop3A_370 = arith.addi %parallel_loop3A_90, %parallel_loop3A_369 : vector<16xi32>
        %parallel_loop3A_371 = tpu.vector_load_idx %arg5[%parallel_loop3A_370] : memref<512xf32, #tpu.memory_space<vmem>>[vector<16xi32>], vector<16xf32>,
        %parallel_loop3A_372 = arith.constant 39 : i32
        %parallel_loop3A_373 = vector.broadcast %parallel_loop3A_372 : i32 to vector<16xi32>
        %parallel_loop3A_374 = arith.addi %parallel_loop3A_94, %parallel_loop3A_373 : vector<16xi32>
        tpu.vector_store_idx %arg9[%parallel_loop3A_374], %parallel_loop3A_371 : memref<29376xf32, #tpu.memory_space<vmem>>[vector<16xi32>], vector<16xf32>,
        %parallel_loop3A_375 = arith.constant 40 : i32
        %parallel_loop3A_376 = vector.broadcast %parallel_loop3A_375 : i32 to vector<16xi32>
        %parallel_loop3A_377 = arith.addi %parallel_loop3A_90, %parallel_loop3A_376 : vector<16xi32>
        %parallel_loop3A_378 = tpu.vector_load_idx %arg5[%parallel_loop3A_377] : memref<512xf32, #tpu.memory_space<vmem>>[vector<16xi32>], vector<16xf32>,
        %parallel_loop3A_379 = arith.constant 40 : i32
        %parallel_loop3A_380 = vector.broadcast %parallel_loop3A_379 : i32 to vector<16xi32>
        %parallel_loop3A_381 = arith.addi %parallel_loop3A_94, %parallel_loop3A_380 : vector<16xi32>
        tpu.vector_store_idx %arg9[%parallel_loop3A_381], %parallel_loop3A_378 : memref<29376xf32, #tpu.memory_space<vmem>>[vector<16xi32>], vector<16xf32>,
        %parallel_loop3A_382 = arith.constant 41 : i32
        %parallel_loop3A_383 = vector.broadcast %parallel_loop3A_382 : i32 to vector<16xi32>
        %parallel_loop3A_384 = arith.addi %parallel_loop3A_90, %parallel_loop3A_383 : vector<16xi32>
        %parallel_loop3A_385 = tpu.vector_load_idx %arg5[%parallel_loop3A_384] : memref<512xf32, #tpu.memory_space<vmem>>[vector<16xi32>], vector<16xf32>,
        %parallel_loop3A_386 = arith.constant 41 : i32
        %parallel_loop3A_387 = vector.broadcast %parallel_loop3A_386 : i32 to vector<16xi32>
        %parallel_loop3A_388 = arith.addi %parallel_loop3A_94, %parallel_loop3A_387 : vector<16xi32>
        tpu.vector_store_idx %arg9[%parallel_loop3A_388], %parallel_loop3A_385 : memref<29376xf32, #tpu.memory_space<vmem>>[vector<16xi32>], vector<16xf32>,
        %parallel_loop3A_389 = arith.constant 42 : i32
        %parallel_loop3A_390 = vector.broadcast %parallel_loop3A_389 : i32 to vector<16xi32>
        %parallel_loop3A_391 = arith.addi %parallel_loop3A_90, %parallel_loop3A_390 : vector<16xi32>
        %parallel_loop3A_392 = tpu.vector_load_idx %arg5[%parallel_loop3A_391] : memref<512xf32, #tpu.memory_space<vmem>>[vector<16xi32>], vector<16xf32>,
        %parallel_loop3A_393 = arith.constant 42 : i32
        %parallel_loop3A_394 = vector.broadcast %parallel_loop3A_393 : i32 to vector<16xi32>
        %parallel_loop3A_395 = arith.addi %parallel_loop3A_94, %parallel_loop3A_394 : vector<16xi32>
        tpu.vector_store_idx %arg9[%parallel_loop3A_395], %parallel_loop3A_392 : memref<29376xf32, #tpu.memory_space<vmem>>[vector<16xi32>], vector<16xf32>,
        %parallel_loop3A_396 = arith.constant 43 : i32
        %parallel_loop3A_397 = vector.broadcast %parallel_loop3A_396 : i32 to vector<16xi32>
        %parallel_loop3A_398 = arith.addi %parallel_loop3A_90, %parallel_loop3A_397 : vector<16xi32>
        %parallel_loop3A_399 = tpu.vector_load_idx %arg5[%parallel_loop3A_398] : memref<512xf32, #tpu.memory_space<vmem>>[vector<16xi32>], vector<16xf32>,
        %parallel_loop3A_400 = arith.constant 43 : i32
        %parallel_loop3A_401 = vector.broadcast %parallel_loop3A_400 : i32 to vector<16xi32>
        %parallel_loop3A_402 = arith.addi %parallel_loop3A_94, %parallel_loop3A_401 : vector<16xi32>
        tpu.vector_store_idx %arg9[%parallel_loop3A_402], %parallel_loop3A_399 : memref<29376xf32, #tpu.memory_space<vmem>>[vector<16xi32>], vector<16xf32>,
        %parallel_loop3A_403 = arith.constant 44 : i32
        %parallel_loop3A_404 = vector.broadcast %parallel_loop3A_403 : i32 to vector<16xi32>
        %parallel_loop3A_405 = arith.addi %parallel_loop3A_90, %parallel_loop3A_404 : vector<16xi32>
        %parallel_loop3A_406 = tpu.vector_load_idx %arg5[%parallel_loop3A_405] : memref<512xf32, #tpu.memory_space<vmem>>[vector<16xi32>], vector<16xf32>,
        %parallel_loop3A_407 = arith.constant 44 : i32
        %parallel_loop3A_408 = vector.broadcast %parallel_loop3A_407 : i32 to vector<16xi32>
        %parallel_loop3A_409 = arith.addi %parallel_loop3A_94, %parallel_loop3A_408 : vector<16xi32>
        tpu.vector_store_idx %arg9[%parallel_loop3A_409], %parallel_loop3A_406 : memref<29376xf32, #tpu.memory_space<vmem>>[vector<16xi32>], vector<16xf32>,
        %parallel_loop3A_410 = arith.constant 45 : i32
        %parallel_loop3A_411 = vector.broadcast %parallel_loop3A_410 : i32 to vector<16xi32>
        %parallel_loop3A_412 = arith.addi %parallel_loop3A_90, %parallel_loop3A_411 : vector<16xi32>
        %parallel_loop3A_413 = tpu.vector_load_idx %arg5[%parallel_loop3A_412] : memref<512xf32, #tpu.memory_space<vmem>>[vector<16xi32>], vector<16xf32>,
        %parallel_loop3A_414 = arith.constant 45 : i32
        %parallel_loop3A_415 = vector.broadcast %parallel_loop3A_414 : i32 to vector<16xi32>
        %parallel_loop3A_416 = arith.addi %parallel_loop3A_94, %parallel_loop3A_415 : vector<16xi32>
        tpu.vector_store_idx %arg9[%parallel_loop3A_416], %parallel_loop3A_413 : memref<29376xf32, #tpu.memory_space<vmem>>[vector<16xi32>], vector<16xf32>,
        %parallel_loop3A_417 = arith.constant 46 : i32
        %parallel_loop3A_418 = vector.broadcast %parallel_loop3A_417 : i32 to vector<16xi32>
        %parallel_loop3A_419 = arith.addi %parallel_loop3A_90, %parallel_loop3A_418 : vector<16xi32>
        %parallel_loop3A_420 = tpu.vector_load_idx %arg5[%parallel_loop3A_419] : memref<512xf32, #tpu.memory_space<vmem>>[vector<16xi32>], vector<16xf32>,
        %parallel_loop3A_421 = arith.constant 46 : i32
        %parallel_loop3A_422 = vector.broadcast %parallel_loop3A_421 : i32 to vector<16xi32>
        %parallel_loop3A_423 = arith.addi %parallel_loop3A_94, %parallel_loop3A_422 : vector<16xi32>
        tpu.vector_store_idx %arg9[%parallel_loop3A_423], %parallel_loop3A_420 : memref<29376xf32, #tpu.memory_space<vmem>>[vector<16xi32>], vector<16xf32>,
        %parallel_loop3A_424 = arith.constant 47 : i32
        %parallel_loop3A_425 = vector.broadcast %parallel_loop3A_424 : i32 to vector<16xi32>
        %parallel_loop3A_426 = arith.addi %parallel_loop3A_90, %parallel_loop3A_425 : vector<16xi32>
        %parallel_loop3A_427 = tpu.vector_load_idx %arg5[%parallel_loop3A_426] : memref<512xf32, #tpu.memory_space<vmem>>[vector<16xi32>], vector<16xf32>,
        %parallel_loop3A_428 = arith.constant 47 : i32
        %parallel_loop3A_429 = vector.broadcast %parallel_loop3A_428 : i32 to vector<16xi32>
        %parallel_loop3A_430 = arith.addi %parallel_loop3A_94, %parallel_loop3A_429 : vector<16xi32>
        tpu.vector_store_idx %arg9[%parallel_loop3A_430], %parallel_loop3A_427 : memref<29376xf32, #tpu.memory_space<vmem>>[vector<16xi32>], vector<16xf32>,
        %parallel_loop3A_431 = arith.constant 48 : i32
        %parallel_loop3A_432 = vector.broadcast %parallel_loop3A_431 : i32 to vector<16xi32>
        %parallel_loop3A_433 = arith.addi %parallel_loop3A_90, %parallel_loop3A_432 : vector<16xi32>
        %parallel_loop3A_434 = tpu.vector_load_idx %arg5[%parallel_loop3A_433] : memref<512xf32, #tpu.memory_space<vmem>>[vector<16xi32>], vector<16xf32>,
        %parallel_loop3A_435 = arith.constant 48 : i32
        %parallel_loop3A_436 = vector.broadcast %parallel_loop3A_435 : i32 to vector<16xi32>
        %parallel_loop3A_437 = arith.addi %parallel_loop3A_94, %parallel_loop3A_436 : vector<16xi32>
        tpu.vector_store_idx %arg9[%parallel_loop3A_437], %parallel_loop3A_434 : memref<29376xf32, #tpu.memory_space<vmem>>[vector<16xi32>], vector<16xf32>,
        %parallel_loop3A_438 = arith.constant 49 : i32
        %parallel_loop3A_439 = vector.broadcast %parallel_loop3A_438 : i32 to vector<16xi32>
        %parallel_loop3A_440 = arith.addi %parallel_loop3A_90, %parallel_loop3A_439 : vector<16xi32>
        %parallel_loop3A_441 = tpu.vector_load_idx %arg5[%parallel_loop3A_440] : memref<512xf32, #tpu.memory_space<vmem>>[vector<16xi32>], vector<16xf32>,
        %parallel_loop3A_442 = arith.constant 49 : i32
        %parallel_loop3A_443 = vector.broadcast %parallel_loop3A_442 : i32 to vector<16xi32>
        %parallel_loop3A_444 = arith.addi %parallel_loop3A_94, %parallel_loop3A_443 : vector<16xi32>
        tpu.vector_store_idx %arg9[%parallel_loop3A_444], %parallel_loop3A_441 : memref<29376xf32, #tpu.memory_space<vmem>>[vector<16xi32>], vector<16xf32>,
        %parallel_loop3A_445 = arith.constant 50 : i32
        %parallel_loop3A_446 = vector.broadcast %parallel_loop3A_445 : i32 to vector<16xi32>
        %parallel_loop3A_447 = arith.addi %parallel_loop3A_90, %parallel_loop3A_446 : vector<16xi32>
        %parallel_loop3A_448 = tpu.vector_load_idx %arg5[%parallel_loop3A_447] : memref<512xf32, #tpu.memory_space<vmem>>[vector<16xi32>], vector<16xf32>,
        %parallel_loop3A_449 = arith.constant 50 : i32
        %parallel_loop3A_450 = vector.broadcast %parallel_loop3A_449 : i32 to vector<16xi32>
        %parallel_loop3A_451 = arith.addi %parallel_loop3A_94, %parallel_loop3A_450 : vector<16xi32>
        tpu.vector_store_idx %arg9[%parallel_loop3A_451], %parallel_loop3A_448 : memref<29376xf32, #tpu.memory_space<vmem>>[vector<16xi32>], vector<16xf32>,
      } {sc.loop_unroll_factor = 4 : i64, sc.parallel_access}
      %mul3A_76 = arith.constant 576 : i32
      %mul3A_77 = arith.muli %add3A_55, %mul3A_76 : i32
      %add3A_78 = arith.addi %mul3A_2, %mul3A_77 : i32
      %mul3A_79 = arith.constant 51 : i32
      %mul3A_80 = arith.muli %add3A_78, %mul3A_79 : i32
      %dma_start3A_81 = tpu.memref_slice %arg4[%mul3A_80] : memref<94003200xf32, #tpu.memory_space<hbm>> -> memref<29376xf32, #tpu.memory_space<hbm>>
      %dma_start3A_82 = tpu.memref_slice %arg4[%mul3A_80] : memref<94003200xf32, #tpu.memory_space<hbm>> -> memref<29376xf32, #tpu.memory_space<hbm>>
      tpu.enqueue_dma source(%arg9 : memref<29376xf32, #tpu.memory_space<vmem>>) target(%dma_start3A_82 : memref<29376xf32, #tpu.memory_space<hbm>>) target_semaphore(%arg13 : memref<!tpu.dma_semaphore, #tpu.memory_space<semaphore_mem>>)
    }
    %scan3A_13 = arith.constant 50 : i32
    %add3A_14 = arith.constant 56448 : i32
    %add3A_15 = arith.addi %mul3A_2, %add3A_14 : i32
    %mul3A_16 = arith.constant 51 : i32
    %mul3A_17 = arith.muli %add3A_15, %mul3A_16 : i32
    %dma_wait3A = tpu.memref_slice %arg4[%mul3A_17] : memref<94003200xf32, #tpu.memory_space<hbm>> -> memref<29376xf32, #tpu.memory_space<hbm>>
    %dma_wait3A_18 = tpu.memref_slice %arg4[%mul3A_17] : memref<94003200xf32, #tpu.memory_space<hbm>> -> memref<29376xf32, #tpu.memory_space<hbm>>
    tpu.wait_dma2 semaphore(%arg12 : memref<!tpu.dma_semaphore, #tpu.memory_space<semaphore_mem>>) src(%arg8 : memref<29376xf32, #tpu.memory_space<vmem>>) dst(%dma_wait3A_18 : memref<29376xf32, #tpu.memory_space<hbm>>)
    %add3A_19 = arith.constant 57024 : i32
    %add3A_20 = arith.addi %mul3A_2, %add3A_19 : i32
    %mul3A_21 = arith.constant 51 : i32
    %mul3A_22 = arith.muli %add3A_20, %mul3A_21 : i32
    %dma_wait3A_23 = tpu.memref_slice %arg4[%mul3A_22] : memref<94003200xf32, #tpu.memory_space<hbm>> -> memref<29376xf32, #tpu.memory_space<hbm>>
    %dma_wait3A_24 = tpu.memref_slice %arg4[%mul3A_22] : memref<94003200xf32, #tpu.memory_space<hbm>> -> memref<29376xf32, #tpu.memory_space<hbm>>
    tpu.wait_dma2 semaphore(%arg13 : memref<!tpu.dma_semaphore, #tpu.memory_space<semaphore_mem>>) src(%arg9 : memref<29376xf32, #tpu.memory_space<vmem>>) dst(%dma_wait3A_24 : memref<29376xf32, #tpu.memory_space<hbm>>)
    return
  }
}

</mosaic_0001>

<sc_bundles>
// kernel: kernel.3.cloned.1.call-start
scs
__scs_entry_jumppad:
0x0: {  	(pc) =	sbr.rel $0x88, $3  }
0x1: {  	(tag) =	ssettag $0x0;
	lr =	simm.s32 $0x1  }
0x2: {  	[smem:$0x3F9D] =	sst lr;
	_ =	strace $0xD0000000  }
0x3: {  	_ = 	snop  }
0x4: {  	_ = 	snop  }
0x5: {  	_ = 	snop  }
0x6: {  	_ = 	snop  }
0x7: {  	_ = 	snop  }
__scs_overlays_trampoline_lowered:
0x8: {  	[smem:$0x3FAC] =	sst s0  }
0x9: {  	[smem:$0x3FAD] =	sst s1  }
0xa: {  	[smem:$0x3FAE] =	sst s2  }
0xb: {  	[smem:$0x3FAF] =	sst s3  }
0xc: {  	[smem:$0x3FB0] =	sst s4  }
0xd: {  	[smem:$0x3FB1] =	sst s5  }
0xe: {  	[smem:$0x3FB2] =	sst s6  }
0xf: {  	[smem:$0x3FB3] =	sst s7  }
0x10: {  	[smem:$0x3FB4] =	sst s8  }
0x11: {  	[smem:$0x3FB5] =	sst s9;
	s0 =	simm.s32 @!p0 $0x0  }
0x12: {  	s1 =	sld [smem:$0x3F9B];
	s0 =	simm.s32 @p0 $0x1  }
0x13: {  	[smem:$0x3FB6] =	sst s0;
	s0 =	simm.s32 @!p1 $0x0  }
0x14: {  	s2 =	sld [smem:$0x3F9A];
	s0 =	simm.s32 @p1 $0x1  }
0x15: {  	[smem:$0x3FB7] =	sst s0;
	s0 =	simm.s32 @!p2 $0x0  }
0x16: {  	s3 =	sld [smem:$0x3FDB];
	s0 =	simm.s32 @p2 $0x1  }
0x17: {  	s4 =	simm.s32 $0x1BF5;
	[smem:$0x3FB9] =	sst s0  }
0x18: {  	s0 =	sld [smem:$0x3F9C];
	_ =	swait.ge [sflag:s4], $0x0  }
0x19: {  	s7 =	sld [smem:$0x3F9D]  }
0x1a: {  	s8 =	sadd.s32 $0xFFFFE003, lr  }
0x1b: {  	s9 =	sadd.s32 $0xFFFFFEF7, lr;
	s5 =	simm.s32 $0xFFFFFFFF;
	p2 =	slt.u32 s8, $0xFFFFF086  }
0x1c: {  	p1 =	slt.u32 s9, $0xF7A;
	s5 =	simm.s32 @!p2 $0x0  }
0x1d: {  	s5 =	simm.s32 @p1 $0x1;
	p0 =	seq.s32 s7, s2  }
0x1e: {  	s7 =	smul.u32 @!p0 $0xF7A, s2;
	p2 =	seq.s32 @!p0 s5, $0x0  }
0x1f: {  	s9 =	smul.u32 $0xF7A, s1;
	s8 =	simm.s32 @!p0 $0x1BF5;
	p2 =	por !p2, p0  }
0x20: {  	[sflag:s8] =	ssyncset.s32 @!p0 $0xFFFFF086;
	s6 =	sadd.s32 @!p0 s3, s7;
	s7 =	simm.s32 @!p0 $0x108  }
0x21: {  	s3 =	sadd.s32 s3, s9;
	s6 =	sadd.s32 @!p0 $0x88, s6;
	s7 =	simm.s32 @p2 $0x1082  }
0x22: {  	[simem:s7], [sflag:s8] =	dma.local @!p0 [hbm:s6], $0xF7A  }
0x23: {  	s9 =	sor.u32 $0xD0000000, s2;
	s6 =	simm.s32 $0x108;
	_ =	swait.ge @!p0 [sflag:s8], $0x0  }
0x24: {  	s3 =	sadd.s32 $0x88, s3;
	s6 =	simm.s32 @!p1 $0x1082;
	[sflag:s4] =	ssyncset.s32 $0xFFFFF086  }
0x25: {  	[simem:s6], [sflag:s4] =	dma.local [hbm:s3], $0xF7A  }
0x26: {  	[smem:$0x3F9D] =	sst s1;
	(tag) =	ssettag s2;
	_ =	strace s9  }
0x27: {  	s1 =	sld [smem:$0x3FAD]  }
0x28: {  	s2 =	sld [smem:$0x3FAE]  }
0x29: {  	s4 =	sld [smem:$0x3FB0]  }
0x2a: {  	p0 =	seq.s32 s5, $0x0;
	s5 =	sld [smem:$0x3FB1]  }
0x2b: {  	s6 =	sld [smem:$0x3FB2]  }
0x2c: {  	s7 =	sld [smem:$0x3FB3]  }
0x2d: {  	s3 =	simm.s32 $0x108;
	s8 =	sld [smem:$0x3FB4]  }
0x2e: {  	s3 =	simm.s32 @!p0 $0x1082;
	s9 =	sld [smem:$0x3FB5]  }
0x2f: {  	lr =	sadd.s32 s0, s3;
	s0 =	sld [smem:$0x3FAC]  }
0x30: {  	s3 =	sld [smem:$0x3FAF]  }
0x31: {  	[smem:$0x3FB8] =	sst s10  }
0x32: {  	s10 =	sld [smem:$0x3FB6];
	_ =	sdelay $0x3  }
0x33: {  	p0 =	seq.s32 s10, $0x1;
	s10 =	sld [smem:$0x3FB8];
	_ =	sdelay $0x3  }
0x34: {  	[smem:$0x3FB8] =	sst s10  }
0x35: {  	s10 =	sld [smem:$0x3FB7];
	_ =	sdelay $0x3  }
0x36: {  	p1 =	seq.s32 s10, $0x1;
	s10 =	sld [smem:$0x3FB8];
	_ =	sdelay $0x3  }
0x37: {  	[smem:$0x3FB8] =	sst s10  }
0x38: {  	s10 =	sld [smem:$0x3FB9]  }
0x39: {  	_ = 	snop;
	(pc) =	sbr.ind lr, $3  }
0x3a: {  	_ = 	snop  }
0x3b: {  	_ = 	snop  }
0x3c: {  	p2 =	seq.s32 s10, $0x1;
	s10 =	sld [smem:$0x3FB8]  }
0x3d: {  	_ =	shalt  }
0x3e: {  	_ =	shalt  }
0x3f: {  	_ =	shalt  }
0x40: {  	_ =	shalt  }
0x41: {  	_ =	shalt  }
0x42: {  	_ =	shalt  }
0x43: {  	_ =	shalt  }
0x44: {  	_ =	shalt  }
0x45: {  	_ =	shalt  }
0x46: {  	_ =	shalt  }
0x47: {  	_ =	shalt  }
0x48: {  	_ =	shalt  }
0x49: {  	_ =	shalt  }
0x4a: {  	_ =	shalt  }
0x4b: {  	_ =	shalt  }
0x4c: {  	_ =	shalt  }
0x4d: {  	_ =	shalt  }
0x4e: {  	_ =	shalt  }
0x4f: {  	_ =	shalt  }
0x50: {  	_ =	shalt  }
0x51: {  	_ =	shalt  }
0x52: {  	_ =	shalt  }
0x53: {  	_ =	shalt  }
0x54: {  	_ =	shalt  }
0x55: {  	_ =	shalt  }
0x56: {  	_ =	shalt  }
0x57: {  	_ =	shalt  }
0x58: {  	_ =	shalt  }
0x59: {  	_ =	shalt  }
0x5a: {  	_ =	shalt  }
0x5b: {  	_ =	shalt  }
0x5c: {  	_ =	shalt  }
0x5d: {  	_ =	shalt  }
0x5e: {  	_ =	shalt  }
0x5f: {  	_ =	shalt  }
0x60: {  	_ =	shalt  }
0x61: {  	_ =	shalt  }
0x62: {  	_ =	shalt  }
0x63: {  	_ =	shalt  }
0x64: {  	_ =	shalt  }
0x65: {  	_ =	shalt  }
0x66: {  	_ =	shalt  }
0x67: {  	_ =	shalt  }
0x68: {  	_ =	shalt  }
0x69: {  	_ =	shalt  }
0x6a: {  	_ =	shalt  }
0x6b: {  	_ =	shalt  }
0x6c: {  	_ =	shalt  }
0x6d: {  	_ =	shalt  }
0x6e: {  	_ =	shalt  }
0x6f: {  	_ =	shalt  }
0x70: {  	_ =	shalt  }
0x71: {  	_ =	shalt  }
0x72: {  	_ =	shalt  }
0x73: {  	_ =	shalt  }
0x74: {  	_ =	shalt  }
0x75: {  	_ =	shalt  }
0x76: {  	_ =	shalt  }
0x77: {  	_ =	shalt  }
0x78: {  	_ =	shalt  }
0x79: {  	_ =	shalt  }
0x7a: {  	_ =	shalt  }
0x7b: {  	_ =	shalt  }
0x7c: {  	_ =	shalt  }
0x7d: {  	_ =	shalt  }
0x7e: {  	_ =	shalt  }
0x7f: {  	_ =	shalt  }
0x80: {  	_ =	shalt  }
0x81: {  	_ =	shalt  }
0x82: {  	_ =	shalt  }
0x83: {  	_ =	shalt  }
0x84: {  	_ =	shalt  }
0x85: {  	_ =	shalt  }
0x86: {  	_ =	shalt  }
0x87: {  	_ =	shalt  }
.Lfunc_end0:
.L_simem_size_0:
called_computation.1_lowered:
.L_overlay_start_0:
0x88: {  	s2 =	sld [smem:$0x3FD9]  }
0x89: {  	s3 =	sld [smem:$0x3FFE];
	_ =	sdelay $0x1  }
0x8a: {  	s1 =	srdreg.scid  }
0x8b: {  	s0 =	sand.u32 $0x1, s1  }
0x8c: {  	s17 =	sshll.u32 s0, $0xA;
	s2 =	sadd.s32 s3, s2  }
0x8d: {  	s2 =	sadd.s32 s2, s17  }
0x8e: {  	[smem:$0x3FC4] =	sst s2  }
0x8f: {  	_ = 	snop  }
0x90: {  	s2 =	sld [smem:$0x3FD0];
	(tm) =	ssettm $0x1  }
0x91: {  	s18 =	sld [smem:$0x3FFB];
	_ =	sdelay $0x3  }
0x92: {  	_ =	strace s18  }
0x93: {  	s3 =	sld [smem:$0x3FFC];
	_ =	sdelay $0x3  }
0x94: {  	_ =	strace s3  }
0x95: {  	s3 =	sld [smem:$0x3FFD];
	_ =	sdelay $0x3  }
0x96: {  	_ =	strace s3  }
0x97: {  	_ =	strace $0x8FFFFFFF  }
0x98: {  	s19 =	sld [smem:$0x3FDB];
	_ =	sdelay $0x1  }
0x99: {  	s4 =	simm.s32 $_scs_section_size  }
0x9a: {  	s5 =	simm.s32 $_size__tile_overlayer_lowered;
	s6 =	simm.s32 $_tile_overlayer_lowered  }
0x9b: {  	s22 =	simm.s32 $0x1BFF;
	s21 =	sshll.u32 s6, $0x1;
	s3 =	sadd.s32 s4, s19  }
0x9c: {  	s7 =	simm.s32 $0x0;
	s20 =	sshll.u32 s5, $0x1;
	s5 =	sadd.s32 s21, s3  }
0x9d: {  	[timem:s7], [sflag:s22] =	dma.local [hbm:s5], s20  }
0x9e: {  	_ =	swait.ge [sflag:s22], s20  }
0x9f: {  	s4 =	ssub.s32 $0x0, s20;
	[sflag:s22] =	ssyncset.done $0x0  }
0xa0: {  	[sflag:s22] =	ssyncadd.s32 s4;
	_ =	sdelay $0x1  }
0xa1: {  	s23 =	simm.s32 $0x1B8B  }
0xa2: {  	_ =	swait.ge [sflag:s23], $0x1  }
0xa3: {  	[sflag:s23] =	ssyncset.done $0x0  }
0xa4: {  	s25 =	simm.s32 $0x1B8E;
	s24 =	sld [smem:$0x3FFE];
	[sflag:s23] =	ssyncadd.s32 $0xFFFFFFFF  }
0xa5: {  	s26 =	simm.s32 $execute0_lowered;
	[smem:$0x3FD2] =	sst s25  }
0xa6: {  	s5 =	sshll.u32 s26, $0x1;
	_ =	strace $0x80000046;
	[dreg:$0x1] =	wrdreg $0xFFFFFFFF  }
0xa7: {  	s28 =	simm.s32 $_size_execute0_lowered;
	s3 =	sadd.s32 s3, s5;
	[dreg:$0x0] =	wrdreg $0x0  }
0xa8: {  	s5 =	sshll.u32 s28, $0x1;
	[dreg:$0x2] =	wrdreg s3  }
0xa9: {  	[dreg:$0x3] =	wrdreg s5  }
0xaa: {  	[dreg:$0x4] =	wrdreg $0xC0  }
0xab: {  	_ =	task [dreg:s7], $0x5FFFF  }
0xac: {  	[dreg:$0x1] =	wrdreg $0xFFFFFFFF  }
0xad: {  	[dreg:$0x0] =	wrdreg $0x60  }
0xae: {  	[dreg:$0x2] =	wrdreg s24  }
0xaf: {  	[dreg:$0x3] =	wrdreg s2  }
0xb0: {  	[dreg:$0x4] =	wrdreg $0x9  }
0xb1: {  	_ =	task.clear_ibuf [dreg:s7], $0x5FFFF;
	_ =	strace $0x90000046  }
0xb2: {  	s29 =	simm.s32 $0x9;
	_ =	strace $0x80000048  }
0xb3: {  	_ =	swait.ge [sflag:s29], $0x1  }
0xb4: {  	[sflag:s29] =	ssyncadd.s32 $0xFFFFFFFF  }
0xb5: {  	_ =	strace $0x90000048  }
0xb6: {  	_ =	sfence  }
0xb7: {  	s30 =	sld [smem:$0x0];
	_ =	sdelay $0x2  }
0xb8: {  	s31 =	sshll.u32 s1, $0xD;
	s1 =	sshrl.u32 s1, $0x2  }
0xb9: {  	s3 =	sand.u32 $0x4000, s31;
	s1 =	sadd.s32 s1, s30  }
0xba: {  	s0 =	sor.u32 s3, s0;
	s1 =	sshll.u32 s1, $0x11  }
0xbb: {  	s0 =	sor.u32 s1, s0  }
0xbc: {  	s0 =	sadd.s32 $0x8F2B, s0  }
0xbd: {  	[sflag:s0] =	ssyncadd.remote.s32 $0x1  }
0xbe: {  	_ =	sfence.sel $0xFFFF  }
0xbf: {  	[dreg:$0x0] =	wrdreg $0xFFFFFFFF;
	(pc) =	sbr.abs _section_cstart, $3  }
0xc0: {  	[dreg:$0x1] =	wrdreg $0xFFFFFFFF  }
0xc1: {  	_ =	task.clear_ibuf [dreg:s7], $0x2FFFF;
	_ =	strace $0x9FFFFFFF  }
0xc2: {  	(tm) =	ssettm $0x7FFFFFFF  }
0xc3: {  	_ =	shalt  }
tec
execute0_lowered:
.L_overlay_start_1:
0x0: {  	(tag) =	ssettag $0x1  }
0x1: {  	v1 =	vlaneseq.u32  }
0x2: {  	v14 =	vmul.u32 $0x33, v1  }
0x3: {  	v0 =	vimm.s32 $0x52741630  }
0x4: {  	v2 =	vunpack.c.l.s4.s8 v0;
	v0 =	vadd.s32 $0x2, v14  }
0x5: {  	[tilespmem:$0x1FCE0] =	vst v0;
	v0 =	vadd.s32 $0x3, v14  }
0x6: {  	[tilespmem:$0x1FCF0] =	vst v0;
	v0 =	vadd.s32 $0x4, v14  }
0x7: {  	[tilespmem:$0x1FD00] =	vst v0;
	v0 =	vadd.s32 $0x5, v14  }
0x8: {  	[tilespmem:$0x1FD10] =	vst v0;
	v0 =	vadd.s32 $0x6, v14  }
0x9: {  	[tilespmem:$0x1FD20] =	vst v0;
	v0 =	vadd.s32 $0x7, v14  }
0xa: {  	[tilespmem:$0x1FD30] =	vst v0;
	v0 =	vadd.s32 $0x8, v14  }
0xb: {  	[tilespmem:$0x1FD40] =	vst v0;
	v0 =	vadd.s32 $0x9, v14  }
0xc: {  	[tilespmem:$0x1FD50] =	vst v0;
	v0 =	vadd.s32 $0xA, v14  }
0xd: {  	[tilespmem:$0x1FD60] =	vst v0;
	v0 =	vadd.s32 $0xB, v14  }
0xe: {  	[tilespmem:$0x1FD70] =	vst v0;
	v0 =	vadd.s32 $0xC, v14  }
0xf: {  	[tilespmem:$0x1FD80] =	vst v0;
	v0 =	vadd.s32 $0xD, v14  }
0x10: {  	[tilespmem:$0x1FD90] =	vst v0;
	v0 =	vadd.s32 $0xE, v14  }
0x11: {  	[tilespmem:$0x1FDA0] =	vst v0;
	v0 =	vadd.s32 $0xF, v14  }
0x12: {  	[tilespmem:$0x1FDB0] =	vst v0;
	v0 =	vadd.s32 $0x10, v14  }
0x13: {  	[tilespmem:$0x1FDC0] =	vst v0;
	v0 =	vadd.s32 $0x11, v14  }
0x14: {  	[tilespmem:$0x1FDD0] =	vst v0;
	v0 =	vadd.s32 $0x12, v14  }
0x15: {  	[tilespmem:$0x1FDE0] =	vst v0;
	v0 =	vadd.s32 $0x13, v14  }
0x16: {  	[tilespmem:$0x1FDF0] =	vst v0;
	v0 =	vadd.s32 $0x14, v14  }
0x17: {  	[tilespmem:$0x1FE00] =	vst v0;
	v0 =	vadd.s32 $0x15, v14  }
0x18: {  	[tilespmem:$0x1FE10] =	vst v0;
	v0 =	vadd.s32 $0x16, v14  }
0x19: {  	[tilespmem:$0x1FE20] =	vst v0;
	v0 =	vadd.s32 $0x17, v14  }
0x1a: {  	[tilespmem:$0x1FE30] =	vst v0;
	v0 =	vadd.s32 $0x18, v14  }
0x1b: {  	[tilespmem:$0x1FE40] =	vst v0;
	v0 =	vadd.s32 $0x19, v14  }
0x1c: {  	[tilespmem:$0x1FE50] =	vst v0;
	v0 =	vadd.s32 $0x1A, v14  }
0x1d: {  	[tilespmem:$0x1FE60] =	vst v0;
	v0 =	vadd.s32 $0x1B, v14  }
0x1e: {  	s6 =	rddreg [dreg:$0x0];
	[tilespmem:$0x1FE70] =	vst v0;
	v0 =	vadd.s32 $0x1C, v14  }
0x1f: {  	s2 =	rddreg [dreg:$0x1];
	s3 =	simm.s32 $0x0;
	[tilespmem:$0x1FE80] =	vst v0;
	v0 =	vadd.s32 $0x1D, v14  }
0x20: {  	s1 =	srdreg.scid;
	[smem:$0x7FF] =	sst s3;
	[tilespmem:$0x1FE90] =	vst v0;
	v0 =	vadd.s32 $0x1E, v14  }
0x21: {  	s7 =	sand.u32 $0x1, s1;
	s1 =	rddreg [dreg:$0x2];
	_ =	strace $0x80000047;
	[tilespmem:$0x1FEA0] =	vst v0  }
0x22: {  	v61 =	vadd.s32 $0x32, v14;
	[tilespmem:$0x1FFD0] =	vst v14  }
0x23: {  	v16 =	vadd.s32 $0x1, v14;
	[tilespmem:$0x1FFE0] =	vst v61  }
0x24: {  	v0 =	vadd.s32 $0x1F, v14;
	[tilespmem:$0x1FFF0] =	vst v16  }
0x25: {  	[tilespmem:$0x1FEB0] =	vst v0;
	v0 =	vadd.s32 $0x20, v14  }
0x26: {  	[tilespmem:$0x1FEC0] =	vst v0;
	v0 =	vadd.s32 $0x21, v14  }
0x27: {  	[tilespmem:$0x1FED0] =	vst v0;
	v0 =	vadd.s32 $0x22, v14  }
0x28: {  	[tilespmem:$0x1FEE0] =	vst v0;
	v0 =	vadd.s32 $0x23, v14  }
0x29: {  	[tilespmem:$0x1FEF0] =	vst v0;
	v0 =	vadd.s32 $0x24, v14  }
0x2a: {  	[tilespmem:$0x1FF00] =	vst v0;
	v0 =	vadd.s32 $0x25, v14  }
0x2b: {  	[tilespmem:$0x1FF10] =	vst v0;
	v0 =	vadd.s32 $0x26, v14  }
0x2c: {  	v3 =	vimm.s32 $0x63052741;
	v4 =	vimm.s32 $0x74163052;
	[tilespmem:$0x1FF20] =	vst v0;
	v0 =	vadd.s32 $0x27, v14  }
0x2d: {  	v9 =	vimm.s32 $0x16305274;
	v10 =	vimm.s32 $0x27416305;
	[tilespmem:$0x1FF30] =	vst v0;
	v0 =	vadd.s32 $0x28, v14  }
0x2e: {  	v11 =	vimm.s32 $0x30527416;
	v3 =	vunpack.c.l.s4.s8 v3;
	[tilespmem:$0x1FF40] =	vst v0;
	v0 =	vadd.s32 $0x29, v14  }
0x2f: {  	s0 =	stileid.u32;
	s11 =	simm.s32 $0x5;
	s12 =	simm.s32 $0x200;
	v5 =	vunpack.c.l.s4.s8 v4;
	v4 =	vimm.s32 $0x5274163;
	[tilespmem:$0x1FF50] =	vst v0;
	v0 =	vadd.s32 $0x2A, v14  }
0x30: {  	s13 =	simm.s32 $0x1;
	s14 =	simm.s32 $0x440;
	s15 =	simm.s32 $0x680;
	v9 =	vunpack.c.l.s4.s8 v9;
	v12 =	vunpack.c.l.s4.s8 v10;
	[tilespmem:$0x1FF60] =	vst v0;
	v0 =	vadd.s32 $0x2B, v14  }
0x31: {  	s16 =	simm.s32 $0x2;
	s17 =	simm.s32 $0x7940;
	v13 =	vunpack.c.l.s4.s8 v11;
	v11 =	vimm.s32 $0x41630527;
	s4 =	sshll.u32 s0, $0x1;
	[tilespmem:$0x1FF70] =	vst v0;
	v0 =	vadd.s32 $0x2C, v14  }
0x32: {  	s18 =	simm.s32 $0x3;
	s19 =	simm.s32 $0x4;
	v7 =	vunpack.c.l.s4.s8 v4;
	v15 =	vunpack.c.l.s4.s8 v11;
	s4 =	sor.u32 s7, s4;
	[tilespmem:$0x1FF80] =	vst v0;
	v0 =	vadd.s32 $0x2D, v14  }
0x33: {  	s20 =	simm.s32 $0x0;
	s7 =	ssub.s32 $0x2, s7;
	v1 =	vunpack.c.0.s8.s32 v2;
	v3 =	vunpack.c.0.s8.s32 v3;
	s4 =	smul.u32 $0xE100, s4;
	[tilespmem:$0x1FF90] =	vst v0;
	v0 =	vadd.s32 $0x2E, v14  }
0x34: {  	s5 =	sadd.s32 $0x38C00, s6;
	s6 =	sadd.s32 $0x800, s6;
	v5 =	vunpack.c.0.s8.s32 v5;
	v9 =	vunpack.c.0.s8.s32 v9;
	s8 =	sshrl.u32 s7, $0x1;
	[tilespmem:$0x1FFA0] =	vst v0;
	v0 =	vadd.s32 $0x2F, v14  }
0x35: {  	v11 =	vunpack.c.0.s8.s32 v12;
	v13 =	vunpack.c.0.s8.s32 v13;
	s10 =	ssub.s32 s7, s8;
	s9 =	sshrl.u32 s4, $0x3;
	s8 =	sadd.s32 $0x240, s4;
	[tilespmem:$0x1FFB0] =	vst v0;
	v0 =	vadd.s32 $0x30, v14  }
0x36: {  	v62 =	vadd.s32 $0x31, v14;
	v7 =	vunpack.c.0.s8.s32 v7;
	v15 =	vunpack.c.0.s8.s32 v15;
	s10 =	smax.u32 s10, $0x1;
	s7 =	sadd.s32 s6, s9;
	s9 =	sadd.s32 $0x480, s4;
	[tilespmem:$0x1FFC0] =	vst v0  }
.LBB2_1:
0x37: {  	[tilespmem:s3], [sflag:$0x5] =	stream.linear.gather [hbm4b:s5+s3], $0x200, $0x38;
	[tilespmem:$0xEC00] =	vst v63  }
0x38: {  	_ =	swait.ge [sflag:s11], $0x200  }
0x39: {  	[sflag:s11] =	ssyncset.done $0x0  }
0x3a: {  	s21 =	simm.s32 $0x0;
	[sflag:s11] =	ssyncadd.s32 $0xFFFFFE00  }
0x3b: {  	[tilespmem:s12], [sflag:$0x1] =	stream.linear.gather [hbm4b:s7+s3], $0x240, $0x38;
	[tilespmem:$0xEC00] =	vst v63  }
.LBB2_2:
0x3c: {  	s23 =	smul.u32 $0x480, s21;
	_ =	sdelay $0x1  }
0x3d: {  	_ =	swait.ge [sflag:s13], $0x240;
	s22 =	sadd.s32 s23, s8  }
0x3e: {  	p0 =	seq.s32 s21, $0x0;
	[sflag:s13] =	ssyncset.done $0x0;
	s24 =	sshrl.u32 s22, $0x3  }
0x3f: {  	s25 =	simm.s32 @!p0 $0x3;
	[sflag:s13] =	ssyncadd.s32 $0xFFFFFDC0;
	s24 =	sadd.s32 s6, s24  }
0x40: {  	[tilespmem:s14], [sflag:$0x2] =	stream.linear.gather [hbm4b:s24+s3], $0x240, $0x38;
	[tilespmem:$0xEC00] =	vst v63  }
0x41: {  	_ =	swait.ge @!p0 [sflag:s25], $0x72C0  }
0x42: {  	v32 =	vld [tilespmem:$0x1FD90]  }
0x43: {  	v33 =	vld [tilespmem:$0x1FDA0]  }
0x44: {  	v34 =	vld [tilespmem:$0x1FDB0]  }
0x45: {  	v35 =	vld [tilespmem:$0x1FDC0]  }
0x46: {  	v36 =	vld [tilespmem:$0x1FDD0]  }
0x47: {  	v37 =	vld [tilespmem:$0x1FDE0]  }
0x48: {  	v38 =	vld [tilespmem:$0x1FDF0]  }
0x49: {  	v39 =	vld [tilespmem:$0x1FE00]  }
0x4a: {  	v40 =	vld [tilespmem:$0x1FE10]  }
0x4b: {  	v41 =	vld [tilespmem:$0x1FE20]  }
0x4c: {  	v42 =	vld [tilespmem:$0x1FE30]  }
0x4d: {  	v43 =	vld [tilespmem:$0x1FE40]  }
0x4e: {  	v44 =	vld [tilespmem:$0x1FE50]  }
0x4f: {  	v45 =	vld [tilespmem:$0x1FE60]  }
0x50: {  	v46 =	vld [tilespmem:$0x1FE70]  }
0x51: {  	v47 =	vld [tilespmem:$0x1FE80]  }
0x52: {  	v48 =	vld [tilespmem:$0x1FE90]  }
0x53: {  	v49 =	vld [tilespmem:$0x1FEA0]  }
0x54: {  	v50 =	vld [tilespmem:$0x1FEB0]  }
0x55: {  	v51 =	vld [tilespmem:$0x1FEC0]  }
0x56: {  	v52 =	vld [tilespmem:$0x1FED0]  }
0x57: {  	v53 =	vld [tilespmem:$0x1FEE0]  }
0x58: {  	v54 =	vld [tilespmem:$0x1FEF0]  }
0x59: {  	v55 =	vld [tilespmem:$0x1FF00]  }
0x5a: {  	v56 =	vld [tilespmem:$0x1FF10]  }
0x5b: {  	v57 =	vld [tilespmem:$0x1FF20]  }
0x5c: {  	v58 =	vld [tilespmem:$0x1FF30]  }
0x5d: {  	v21 =	vld [tilespmem:$0x1FF40]  }
0x5e: {  	v22 =	vld [tilespmem:$0x1FF50]  }
0x5f: {  	v23 =	vld [tilespmem:$0x1FF60]  }
0x60: {  	v24 =	vld [tilespmem:$0x1FF70]  }
0x61: {  	v25 =	vld [tilespmem:$0x1FF80]  }
0x62: {  	v26 =	vld [tilespmem:$0x1FF90]  }
0x63: {  	v27 =	vld [tilespmem:$0x1FFA0]  }
0x64: {  	s26 =	simm.s32 $0x0;
	s28 =	simm.s32 $0x220;
	[sflag:s25] =	ssyncset.done @!p0 $0x0;
	v28 =	vld [tilespmem:$0x1FFB0]  }
0x65: {  	s24 =	sadd.s32 s4, s23;
	v29 =	vld [tilespmem:$0x1FFC0];
	[sflag:s25] =	ssyncadd.s32 @!p0 $0xFFFF8D40;
	s25 =	simm.s32 $0xFFFFFFFC  }
.LBB2_3:
0x66: {  	v59 =	vld [tilespmem:s28+$0xFFFFFFE0]  }
0x67: {  	v60 =	vld [tilespmem:s28+$0xFFFFFFF0]  }
0x68: {  	v63 =	vld [tilespmem:s28+$0x0];
	_ =	sdelay $0x2  }
0x69: {  	v0 =	vld [tilespmem:s28+$0x10];
	v30 =	vmov v62;
	v62 =	vmul.u32 $0x33, v59  }
0x6a: {  	v61 =	vmul.u32 $0x33, v60  }
0x6b: {  	v60 =	vmul.u32 $0x33, v63;
	_ =	sdelay $0x1  }
0x6c: {  	s30 =	sadd.s32 $0x330, s26;
	v63 =	vadd.s32 s26, v14  }
0x6d: {  	s31 =	sadd.s32 $0x660, s26;
	v59 =	vmul.u32 $0x33, v0;
	v0 =	vand.u32 $0x1FFF8, v63;
	v63 =	vadd.s32 s30, v14  }
0x6e: {  	v6 =	vadd.s32 s31, v14;
	v0 =	vor.u32 v1, v0;
	v63 =	vand.u32 $0x1FFF8, v63;
	v2 =	vld.idx.msk [tilespmem:v62+s3+$0x0], $0xffff  }
0x6f: {  	s29 =	sadd.s32 $0x990, s26;
	v6 =	vand.u32 $0x1FFF8, v6;
	v4 =	vadd.s32 $0x1, v62;
	v63 =	vor.u32 v1, v63;
	v8 =	vld.idx.msk [tilespmem:v61+s3+$0x0], $0xffff  }
0x70: {  	v10 =	vadd.s32 s29, v14;
	v6 =	vor.u32 v1, v6;
	v12 =	vadd.s32 $0x1, v61;
	v14 =	vld.idx.msk [tilespmem:v60+s3+$0x0], $0xffff  }
0x71: {  	v17 =	vadd.s32 $0x1, v60  }
0x72: {  	v20 =	vmov v16;
	v16 =	vadd.s32 s26, v16;
	v31 =	vld [tilespmem:$0x1FCE0];
	v10 =	vand.u32 $0x1FFF8, v10  }
0x73: {  	v16 =	vand.u32 $0x1FFF8, v16;
	v10 =	vor.u32 v1, v10;
	v18 =	vld.idx.msk [tilespmem:v59+s3+$0x0], $0xffff;
	[tilespmem:v0+s15+$0x0] =	vst.idx.msk $0xffff, v2;
	v2 =	vadd.s32 s30, v20  }
0x74: {  	v0 =	vor.u32 v3, v16;
	[tilespmem:v63+s15+$0x0] =	vst.idx.msk $0xffff, v8;
	v8 =	vadd.s32 s31, v20;
	v4 =	vld.idx.msk [tilespmem:v4+s3+$0x0], $0xffff;
	v2 =	vand.u32 $0x1FFF8, v2  }
0x75: {  	v19 =	vadd.s32 $0x1, v59;
	[tilespmem:v6+s15+$0x0] =	vst.idx.msk $0xffff, v14;
	v12 =	vld.idx.msk [tilespmem:v12+s3+$0x0], $0xffff;
	v6 =	vand.u32 $0x1FFF8, v8;
	v2 =	vor.u32 v3, v2  }
0x76: {  	v17 =	vld.idx.msk [tilespmem:v17+s3+$0x0], $0xffff;
	v6 =	vor.u32 v3, v6;
	_ =	sdelay $0x1  }
0x77: {  	v16 =	vadd.s32 $0x2, v62;
	[tilespmem:v10+s15+$0x0] =	vst.idx.msk $0xffff, v18;
	v8 =	vadd.s32 s29, v20  }
0x78: {  	v14 =	vadd.s32 $0x2, v61;
	v10 =	vadd.s32 s26, v31;
	v8 =	vand.u32 $0x1FFF8, v8;
	[tilespmem:v0+s15+$0x0] =	vst.idx.msk $0xffff, v4  }
0x79: {  	v18 =	vadd.s32 $0x2, v60;
	v19 =	vld.idx.msk [tilespmem:v19+s3+$0x0], $0xffff;
	v8 =	vor.u32 v3, v8;
	v4 =	vadd.s32 s30, v31;
	[tilespmem:v2+s15+$0x0] =	vst.idx.msk $0xffff, v12  }
0x7a: {  	v2 =	vand.u32 $0x1FFF8, v4;
	v4 =	vadd.s32 s31, v31;
	[tilespmem:v6+s15+$0x0] =	vst.idx.msk $0xffff, v17;
	v6 =	vadd.s32 s29, v31;
	v31 =	vld [tilespmem:$0x1FCF0]  }
0x7b: {  	v10 =	vand.u32 $0x1FFF8, v10  }
0x7c: {  	v0 =	vor.u32 v5, v10;
	v10 =	vld.idx.msk [tilespmem:v16+s3+$0x0], $0xffff  }
0x7d: {  	v63 =	vadd.s32 $0x2, v59;
	v12 =	vld.idx.msk [tilespmem:v14+s3+$0x0], $0xffff;
	v2 =	vor.u32 v5, v2;
	v4 =	vand.u32 $0x1FFF8, v4  }
0x7e: {  	v17 =	vld.idx.msk [tilespmem:v18+s3+$0x0], $0xffff;
	v4 =	vor.u32 v5, v4  }
0x7f: {  	[tilespmem:v8+s15+$0x0] =	vst.idx.msk $0xffff, v19;
	v8 =	vadd.s32 s26, v31  }
0x80: {  	v16 =	vadd.s32 $0x3, v62;
	v14 =	vadd.s32 $0x3, v61;
	v8 =	vand.u32 $0x1FFF8, v8  }
0x81: {  	v6 =	vand.u32 $0x1FFF8, v6;
	[tilespmem:v0+s15+$0x0] =	vst.idx.msk $0xffff, v10;
	v0 =	vor.u32 v7, v8;
	v8 =	vadd.s32 s30, v31  }
0x82: {  	v18 =	vadd.s32 $0x3, v60;
	v19 =	vld.idx.msk [tilespmem:v63+s3+$0x0], $0xffff;
	[tilespmem:v2+s15+$0x0] =	vst.idx.msk $0xffff, v12;
	v2 =	vand.u32 $0x1FFF8, v8;
	v8 =	vadd.s32 s31, v31  }
0x83: {  	v6 =	vor.u32 v5, v6;
	[tilespmem:v4+s15+$0x0] =	vst.idx.msk $0xffff, v17;
	v4 =	vand.u32 $0x1FFF8, v8;
	v8 =	vadd.s32 s29, v31;
	v31 =	vld [tilespmem:$0x1FD00];
	_ =	sdelay $0x1  }
0x84: {  	v10 =	vld.idx.msk [tilespmem:v16+s3+$0x0], $0xffff  }
0x85: {  	v63 =	vadd.s32 $0x3, v59;
	v12 =	vld.idx.msk [tilespmem:v14+s3+$0x0], $0xffff;
	v2 =	vor.u32 v7, v2  }
0x86: {  	v17 =	vld.idx.msk [tilespmem:v18+s3+$0x0], $0xffff;
	v4 =	vor.u32 v7, v4  }
0x87: {  	[tilespmem:v6+s15+$0x0] =	vst.idx.msk $0xffff, v19;
	v6 =	vand.u32 $0x1FFF8, v8;
	v8 =	vadd.s32 s26, v31  }
0x88: {  	v16 =	vadd.s32 $0x4, v62;
	v8 =	vand.u32 $0x1FFF8, v8  }
0x89: {  	v14 =	vadd.s32 $0x4, v61;
	[tilespmem:v0+s15+$0x0] =	vst.idx.msk $0xffff, v10;
	v0 =	vor.u32 v9, v8;
	v8 =	vadd.s32 s30, v31  }
0x8a: {  	v18 =	vadd.s32 $0x4, v60;
	v19 =	vld.idx.msk [tilespmem:v63+s3+$0x0], $0xffff;
	[tilespmem:v2+s15+$0x0] =	vst.idx.msk $0xffff, v12;
	v2 =	vand.u32 $0x1FFF8, v8;
	v8 =	vadd.s32 s31, v31  }
0x8b: {  	v6 =	vor.u32 v7, v6;
	[tilespmem:v4+s15+$0x0] =	vst.idx.msk $0xffff, v17;
	v4 =	vand.u32 $0x1FFF8, v8;
	v8 =	vadd.s32 s29, v31;
	v31 =	vld [tilespmem:$0x1FD10];
	_ =	sdelay $0x1  }
0x8c: {  	v10 =	vld.idx.msk [tilespmem:v16+s3+$0x0], $0xffff  }
0x8d: {  	v63 =	vadd.s32 $0x4, v59;
	v12 =	vld.idx.msk [tilespmem:v14+s3+$0x0], $0xffff;
	v2 =	vor.u32 v9, v2  }
0x8e: {  	v17 =	vld.idx.msk [tilespmem:v18+s3+$0x0], $0xffff;
	v4 =	vor.u32 v9, v4  }
0x8f: {  	[tilespmem:v6+s15+$0x0] =	vst.idx.msk $0xffff, v19;
	v6 =	vand.u32 $0x1FFF8, v8;
	v8 =	vadd.s32 s26, v31  }
0x90: {  	v16 =	vadd.s32 $0x5, v62;
	v8 =	vand.u32 $0x1FFF8, v8  }
0x91: {  	v14 =	vadd.s32 $0x5, v61;
	[tilespmem:v0+s15+$0x0] =	vst.idx.msk $0xffff, v10;
	v0 =	vor.u32 v11, v8;
	v8 =	vadd.s32 s30, v31  }
0x92: {  	v18 =	vadd.s32 $0x5, v60;
	v19 =	vld.idx.msk [tilespmem:v63+s3+$0x0], $0xffff;
	[tilespmem:v2+s15+$0x0] =	vst.idx.msk $0xffff, v12;
	v2 =	vand.u32 $0x1FFF8, v8;
	v8 =	vadd.s32 s31, v31  }
0x93: {  	v6 =	vor.u32 v9, v6;
	[tilespmem:v4+s15+$0x0] =	vst.idx.msk $0xffff, v17;
	v4 =	vand.u32 $0x1FFF8, v8;
	v8 =	vadd.s32 s29, v31;
	v31 =	vld [tilespmem:$0x1FD20];
	_ =	sdelay $0x1  }
0x94: {  	v10 =	vld.idx.msk [tilespmem:v16+s3+$0x0], $0xffff  }
0x95: {  	v63 =	vadd.s32 $0x5, v59;
	v12 =	vld.idx.msk [tilespmem:v14+s3+$0x0], $0xffff;
	v2 =	vor.u32 v11, v2  }
0x96: {  	v17 =	vld.idx.msk [tilespmem:v18+s3+$0x0], $0xffff;
	v4 =	vor.u32 v11, v4  }
0x97: {  	[tilespmem:v6+s15+$0x0] =	vst.idx.msk $0xffff, v19;
	v6 =	vand.u32 $0x1FFF8, v8;
	v8 =	vadd.s32 s26, v31  }
0x98: {  	v16 =	vadd.s32 $0x6, v62;
	v8 =	vand.u32 $0x1FFF8, v8  }
0x99: {  	v14 =	vadd.s32 $0x6, v61;
	[tilespmem:v0+s15+$0x0] =	vst.idx.msk $0xffff, v10;
	v0 =	vor.u32 v13, v8;
	v8 =	vadd.s32 s30, v31  }
0x9a: {  	v18 =	vadd.s32 $0x6, v60;
	v19 =	vld.idx.msk [tilespmem:v63+s3+$0x0], $0xffff;
	[tilespmem:v2+s15+$0x0] =	vst.idx.msk $0xffff, v12;
	v2 =	vand.u32 $0x1FFF8, v8;
	v8 =	vadd.s32 s31, v31  }
0x9b: {  	v6 =	vor.u32 v11, v6;
	[tilespmem:v4+s15+$0x0] =	vst.idx.msk $0xffff, v17;
	v4 =	vand.u32 $0x1FFF8, v8;
	v8 =	vadd.s32 s29, v31;
	v31 =	vld [tilespmem:$0x1FD30];
	_ =	sdelay $0x1  }
0x9c: {  	v10 =	vld.idx.msk [tilespmem:v16+s3+$0x0], $0xffff  }
0x9d: {  	v63 =	vadd.s32 $0x6, v59;
	v12 =	vld.idx.msk [tilespmem:v14+s3+$0x0], $0xffff;
	v2 =	vor.u32 v13, v2  }
0x9e: {  	v17 =	vld.idx.msk [tilespmem:v18+s3+$0x0], $0xffff;
	v4 =	vor.u32 v13, v4  }
0x9f: {  	[tilespmem:v6+s15+$0x0] =	vst.idx.msk $0xffff, v19;
	v6 =	vand.u32 $0x1FFF8, v8;
	v8 =	vadd.s32 s26, v31  }
0xa0: {  	v16 =	vadd.s32 $0x7, v62;
	v8 =	vand.u32 $0x1FFF8, v8  }
0xa1: {  	v14 =	vadd.s32 $0x7, v61;
	[tilespmem:v0+s15+$0x0] =	vst.idx.msk $0xffff, v10;
	v0 =	vor.u32 v15, v8;
	v8 =	vadd.s32 s30, v31  }
0xa2: {  	v18 =	vadd.s32 $0x7, v60;
	v19 =	vld.idx.msk [tilespmem:v63+s3+$0x0], $0xffff;
	[tilespmem:v2+s15+$0x0] =	vst.idx.msk $0xffff, v12;
	v2 =	vand.u32 $0x1FFF8, v8;
	v8 =	vadd.s32 s31, v31  }
0xa3: {  	v6 =	vor.u32 v13, v6;
	[tilespmem:v4+s15+$0x0] =	vst.idx.msk $0xffff, v17;
	v4 =	vand.u32 $0x1FFF8, v8;
	v8 =	vadd.s32 s29, v31;
	v31 =	vld [tilespmem:$0x1FD40];
	_ =	sdelay $0x1  }
0xa4: {  	v10 =	vld.idx.msk [tilespmem:v16+s3+$0x0], $0xffff  }
0xa5: {  	v63 =	vadd.s32 $0x7, v59;
	v12 =	vld.idx.msk [tilespmem:v14+s3+$0x0], $0xffff;
	v2 =	vor.u32 v15, v2  }
0xa6: {  	v17 =	vld.idx.msk [tilespmem:v18+s3+$0x0], $0xffff;
	v4 =	vor.u32 v15, v4  }
0xa7: {  	[tilespmem:v6+s15+$0x0] =	vst.idx.msk $0xffff, v19;
	v6 =	vand.u32 $0x1FFF8, v8;
	v8 =	vadd.s32 s26, v31  }
0xa8: {  	v16 =	vadd.s32 $0x8, v62;
	v8 =	vand.u32 $0x1FFF8, v8  }
0xa9: {  	v14 =	vadd.s32 $0x8, v61;
	[tilespmem:v0+s15+$0x0] =	vst.idx.msk $0xffff, v10;
	v0 =	vor.u32 v1, v8;
	v8 =	vadd.s32 s30, v31  }
0xaa: {  	v18 =	vadd.s32 $0x8, v60;
	v19 =	vld.idx.msk [tilespmem:v63+s3+$0x0], $0xffff;
	[tilespmem:v2+s15+$0x0] =	vst.idx.msk $0xffff, v12;
	v2 =	vand.u32 $0x1FFF8, v8;
	v8 =	vadd.s32 s31, v31  }
0xab: {  	v6 =	vor.u32 v15, v6;
	[tilespmem:v4+s15+$0x0] =	vst.idx.msk $0xffff, v17;
	v4 =	vand.u32 $0x1FFF8, v8;
	v8 =	vadd.s32 s29, v31;
	v31 =	vld [tilespmem:$0x1FD50];
	_ =	sdelay $0x1  }
0xac: {  	v10 =	vld.idx.msk [tilespmem:v16+s3+$0x0], $0xffff  }
0xad: {  	v63 =	vadd.s32 $0x8, v59;
	v12 =	vld.idx.msk [tilespmem:v14+s3+$0x0], $0xffff;
	v2 =	vor.u32 v1, v2  }
0xae: {  	v17 =	vld.idx.msk [tilespmem:v18+s3+$0x0], $0xffff;
	v4 =	vor.u32 v1, v4  }
0xaf: {  	[tilespmem:v6+s15+$0x0] =	vst.idx.msk $0xffff, v19;
	v6 =	vand.u32 $0x1FFF8, v8;
	v8 =	vadd.s32 s26, v31  }
0xb0: {  	v16 =	vadd.s32 $0x9, v62;
	v8 =	vand.u32 $0x1FFF8, v8  }
0xb1: {  	v14 =	vadd.s32 $0x9, v61;
	[tilespmem:v0+s15+$0x0] =	vst.idx.msk $0xffff, v10;
	v0 =	vor.u32 v3, v8;
	v8 =	vadd.s32 s30, v31  }
0xb2: {  	v18 =	vadd.s32 $0x9, v60;
	v19 =	vld.idx.msk [tilespmem:v63+s3+$0x0], $0xffff;
	[tilespmem:v2+s15+$0x0] =	vst.idx.msk $0xffff, v12;
	v2 =	vand.u32 $0x1FFF8, v8;
	v8 =	vadd.s32 s31, v31  }
0xb3: {  	v6 =	vor.u32 v1, v6;
	[tilespmem:v4+s15+$0x0] =	vst.idx.msk $0xffff, v17;
	v4 =	vand.u32 $0x1FFF8, v8;
	v8 =	vadd.s32 s29, v31;
	v31 =	vld [tilespmem:$0x1FD60];
	_ =	sdelay $0x1  }
0xb4: {  	v10 =	vld.idx.msk [tilespmem:v16+s3+$0x0], $0xffff  }
0xb5: {  	v63 =	vadd.s32 $0x9, v59;
	v12 =	vld.idx.msk [tilespmem:v14+s3+$0x0], $0xffff;
	v2 =	vor.u32 v3, v2  }
0xb6: {  	v17 =	vld.idx.msk [tilespmem:v18+s3+$0x0], $0xffff;
	v4 =	vor.u32 v3, v4  }
0xb7: {  	[tilespmem:v6+s15+$0x0] =	vst.idx.msk $0xffff, v19;
	v6 =	vand.u32 $0x1FFF8, v8;
	v8 =	vadd.s32 s26, v31  }
0xb8: {  	v16 =	vadd.s32 $0xA, v62;
	v8 =	vand.u32 $0x1FFF8, v8  }
0xb9: {  	v14 =	vadd.s32 $0xA, v61;
	[tilespmem:v0+s15+$0x0] =	vst.idx.msk $0xffff, v10;
	v0 =	vor.u32 v5, v8;
	v8 =	vadd.s32 s30, v31  }
0xba: {  	v18 =	vadd.s32 $0xA, v60;
	v19 =	vld.idx.msk [tilespmem:v63+s3+$0x0], $0xffff;
	[tilespmem:v2+s15+$0x0] =	vst.idx.msk $0xffff, v12;
	v2 =	vand.u32 $0x1FFF8, v8;
	v8 =	vadd.s32 s31, v31  }
0xbb: {  	v6 =	vor.u32 v3, v6;
	[tilespmem:v4+s15+$0x0] =	vst.idx.msk $0xffff, v17;
	v4 =	vand.u32 $0x1FFF8, v8;
	v8 =	vadd.s32 s29, v31;
	v31 =	vld [tilespmem:$0x1FD70];
	_ =	sdelay $0x1  }
0xbc: {  	v10 =	vld.idx.msk [tilespmem:v16+s3+$0x0], $0xffff  }
0xbd: {  	v63 =	vadd.s32 $0xA, v59;
	v12 =	vld.idx.msk [tilespmem:v14+s3+$0x0], $0xffff;
	v2 =	vor.u32 v5, v2  }
0xbe: {  	v17 =	vld.idx.msk [tilespmem:v18+s3+$0x0], $0xffff;
	v4 =	vor.u32 v5, v4  }
0xbf: {  	[tilespmem:v6+s15+$0x0] =	vst.idx.msk $0xffff, v19;
	v6 =	vand.u32 $0x1FFF8, v8;
	v8 =	vadd.s32 s26, v31  }
0xc0: {  	v16 =	vadd.s32 $0xB, v62;
	v8 =	vand.u32 $0x1FFF8, v8  }
0xc1: {  	v14 =	vadd.s32 $0xB, v61;
	[tilespmem:v0+s15+$0x0] =	vst.idx.msk $0xffff, v10;
	v0 =	vor.u32 v7, v8;
	v8 =	vadd.s32 s30, v31  }
0xc2: {  	v18 =	vadd.s32 $0xB, v60;
	v19 =	vld.idx.msk [tilespmem:v63+s3+$0x0], $0xffff;
	[tilespmem:v2+s15+$0x0] =	vst.idx.msk $0xffff, v12;
	v2 =	vand.u32 $0x1FFF8, v8;
	v8 =	vadd.s32 s31, v31  }
0xc3: {  	v6 =	vor.u32 v5, v6;
	[tilespmem:v4+s15+$0x0] =	vst.idx.msk $0xffff, v17;
	v4 =	vand.u32 $0x1FFF8, v8;
	v8 =	vadd.s32 s29, v31;
	v31 =	vld [tilespmem:$0x1FD80]  }
0xc4: {  	v63 =	vadd.s32 $0xB, v59  }
0xc5: {  	v10 =	vld.idx.msk [tilespmem:v16+s3+$0x0], $0xffff  }
0xc6: {  	v16 =	vadd.s32 $0xC, v62;
	v12 =	vld.idx.msk [tilespmem:v14+s3+$0x0], $0xffff;
	v2 =	vor.u32 v7, v2  }
0xc7: {  	v14 =	vadd.s32 $0xC, v61  }
0xc8: {  	v17 =	vld.idx.msk [tilespmem:v18+s3+$0x0], $0xffff;
	[tilespmem:v6+s15+$0x0] =	vst.idx.msk $0xffff, v19;
	v4 =	vor.u32 v7, v4;
	v6 =	vand.u32 $0x1FFF8, v8;
	v8 =	vadd.s32 s26, v31  }
0xc9: {  	v18 =	vadd.s32 $0xC, v60;
	v19 =	vld.idx.msk [tilespmem:v63+s3+$0x0], $0xffff;
	v6 =	vor.u32 v7, v6;
	v8 =	vand.u32 $0x1FFF8, v8  }
0xca: {  	v63 =	vadd.s32 $0xC, v59;
	[tilespmem:v0+s15+$0x0] =	vst.idx.msk $0xffff, v10;
	v0 =	vor.u32 v9, v8;
	v8 =	vadd.s32 s30, v31  }
0xcb: {  	v10 =	vld.idx.msk [tilespmem:v16+s3+$0x0], $0xffff;
	[tilespmem:v2+s15+$0x0] =	vst.idx.msk $0xffff, v12;
	v2 =	vand.u32 $0x1FFF8, v8  }
0xcc: {  	v16 =	vadd.s32 $0xD, v62;
	v12 =	vld.idx.msk [tilespmem:v14+s3+$0x0], $0xffff;
	v8 =	vadd.s32 s31, v31;
	v2 =	vor.u32 v9, v2  }
0xcd: {  	[tilespmem:v4+s15+$0x0] =	vst.idx.msk $0xffff, v17;
	v14 =	vadd.s32 $0xD, v61;
	v4 =	vand.u32 $0x1FFF8, v8;
	v8 =	vadd.s32 s29, v31  }
0xce: {  	v17 =	vld.idx.msk [tilespmem:v18+s3+$0x0], $0xffff;
	[tilespmem:v6+s15+$0x0] =	vst.idx.msk $0xffff, v19;
	v4 =	vor.u32 v9, v4;
	v6 =	vand.u32 $0x1FFF8, v8;
	v8 =	vadd.s32 s26, v32  }
0xcf: {  	v18 =	vadd.s32 $0xD, v60;
	v19 =	vld.idx.msk [tilespmem:v63+s3+$0x0], $0xffff;
	v6 =	vor.u32 v9, v6;
	v8 =	vand.u32 $0x1FFF8, v8  }
0xd0: {  	v63 =	vadd.s32 $0xD, v59;
	[tilespmem:v0+s15+$0x0] =	vst.idx.msk $0xffff, v10;
	v0 =	vor.u32 v11, v8;
	v8 =	vadd.s32 s30, v32  }
0xd1: {  	v10 =	vld.idx.msk [tilespmem:v16+s3+$0x0], $0xffff;
	[tilespmem:v2+s15+$0x0] =	vst.idx.msk $0xffff, v12;
	v2 =	vand.u32 $0x1FFF8, v8  }
0xd2: {  	v16 =	vadd.s32 $0xE, v62;
	v8 =	vadd.s32 s31, v32;
	v12 =	vld.idx.msk [tilespmem:v14+s3+$0x0], $0xffff;
	v2 =	vor.u32 v11, v2  }
0xd3: {  	[tilespmem:v4+s15+$0x0] =	vst.idx.msk $0xffff, v17;
	v4 =	vand.u32 $0x1FFF8, v8;
	v8 =	vadd.s32 s29, v32;
	v14 =	vadd.s32 $0xE, v61  }
0xd4: {  	v17 =	vld.idx.msk [tilespmem:v18+s3+$0x0], $0xffff;
	v4 =	vor.u32 v11, v4;
	[tilespmem:v6+s15+$0x0] =	vst.idx.msk $0xffff, v19;
	v6 =	vand.u32 $0x1FFF8, v8;
	v8 =	vadd.s32 s26, v33  }
0xd5: {  	v18 =	vadd.s32 $0xE, v60;
	v19 =	vld.idx.msk [tilespmem:v63+s3+$0x0], $0xffff;
	v6 =	vor.u32 v11, v6;
	v8 =	vand.u32 $0x1FFF8, v8  }
0xd6: {  	v63 =	vadd.s32 $0xE, v59;
	[tilespmem:v0+s15+$0x0] =	vst.idx.msk $0xffff, v10;
	v0 =	vor.u32 v13, v8;
	v8 =	vadd.s32 s30, v33  }
0xd7: {  	v10 =	vld.idx.msk [tilespmem:v16+s3+$0x0], $0xffff;
	[tilespmem:v2+s15+$0x0] =	vst.idx.msk $0xffff, v12;
	v2 =	vand.u32 $0x1FFF8, v8  }
0xd8: {  	v16 =	vadd.s32 $0xF, v62;
	v8 =	vadd.s32 s31, v33;
	v12 =	vld.idx.msk [tilespmem:v14+s3+$0x0], $0xffff;
	v2 =	vor.u32 v13, v2  }
0xd9: {  	[tilespmem:v4+s15+$0x0] =	vst.idx.msk $0xffff, v17;
	v4 =	vand.u32 $0x1FFF8, v8;
	v8 =	vadd.s32 s29, v33;
	v14 =	vadd.s32 $0xF, v61  }
0xda: {  	v17 =	vld.idx.msk [tilespmem:v18+s3+$0x0], $0xffff;
	v4 =	vor.u32 v13, v4;
	[tilespmem:v6+s15+$0x0] =	vst.idx.msk $0xffff, v19;
	v6 =	vand.u32 $0x1FFF8, v8;
	v8 =	vadd.s32 s26, v34  }
0xdb: {  	v18 =	vadd.s32 $0xF, v60;
	v19 =	vld.idx.msk [tilespmem:v63+s3+$0x0], $0xffff;
	v6 =	vor.u32 v13, v6;
	v8 =	vand.u32 $0x1FFF8, v8  }
0xdc: {  	v63 =	vadd.s32 $0xF, v59;
	[tilespmem:v0+s15+$0x0] =	vst.idx.msk $0xffff, v10;
	v0 =	vor.u32 v15, v8;
	v8 =	vadd.s32 s30, v34  }
0xdd: {  	v10 =	vld.idx.msk [tilespmem:v16+s3+$0x0], $0xffff;
	[tilespmem:v2+s15+$0x0] =	vst.idx.msk $0xffff, v12;
	v2 =	vand.u32 $0x1FFF8, v8  }
0xde: {  	v16 =	vadd.s32 $0x10, v62;
	v8 =	vadd.s32 s31, v34;
	v12 =	vld.idx.msk [tilespmem:v14+s3+$0x0], $0xffff;
	v2 =	vor.u32 v15, v2  }
0xdf: {  	[tilespmem:v4+s15+$0x0] =	vst.idx.msk $0xffff, v17;
	v4 =	vand.u32 $0x1FFF8, v8;
	v8 =	vadd.s32 s29, v34;
	v14 =	vadd.s32 $0x10, v61  }
0xe0: {  	v17 =	vld.idx.msk [tilespmem:v18+s3+$0x0], $0xffff;
	v4 =	vor.u32 v15, v4;
	[tilespmem:v6+s15+$0x0] =	vst.idx.msk $0xffff, v19;
	v6 =	vand.u32 $0x1FFF8, v8;
	v8 =	vadd.s32 s26, v35  }
0xe1: {  	v18 =	vadd.s32 $0x10, v60;
	v19 =	vld.idx.msk [tilespmem:v63+s3+$0x0], $0xffff;
	v6 =	vor.u32 v15, v6;
	v8 =	vand.u32 $0x1FFF8, v8  }
0xe2: {  	v63 =	vadd.s32 $0x10, v59;
	[tilespmem:v0+s15+$0x0] =	vst.idx.msk $0xffff, v10;
	v0 =	vor.u32 v1, v8;
	v8 =	vadd.s32 s30, v35  }
0xe3: {  	v10 =	vld.idx.msk [tilespmem:v16+s3+$0x0], $0xffff;
	[tilespmem:v2+s15+$0x0] =	vst.idx.msk $0xffff, v12;
	v2 =	vand.u32 $0x1FFF8, v8  }
0xe4: {  	v16 =	vadd.s32 $0x11, v62;
	v8 =	vadd.s32 s31, v35;
	v12 =	vld.idx.msk [tilespmem:v14+s3+$0x0], $0xffff;
	v2 =	vor.u32 v1, v2  }
0xe5: {  	[tilespmem:v4+s15+$0x0] =	vst.idx.msk $0xffff, v17;
	v4 =	vand.u32 $0x1FFF8, v8;
	v8 =	vadd.s32 s29, v35;
	v14 =	vadd.s32 $0x11, v61  }
0xe6: {  	v17 =	vld.idx.msk [tilespmem:v18+s3+$0x0], $0xffff;
	v4 =	vor.u32 v1, v4;
	[tilespmem:v6+s15+$0x0] =	vst.idx.msk $0xffff, v19;
	v6 =	vand.u32 $0x1FFF8, v8;
	v8 =	vadd.s32 s26, v36  }
0xe7: {  	v18 =	vadd.s32 $0x11, v60;
	v19 =	vld.idx.msk [tilespmem:v63+s3+$0x0], $0xffff;
	v6 =	vor.u32 v1, v6;
	v8 =	vand.u32 $0x1FFF8, v8  }
0xe8: {  	v63 =	vadd.s32 $0x11, v59;
	[tilespmem:v0+s15+$0x0] =	vst.idx.msk $0xffff, v10;
	v0 =	vor.u32 v3, v8;
	v8 =	vadd.s32 s30, v36  }
0xe9: {  	v10 =	vld.idx.msk [tilespmem:v16+s3+$0x0], $0xffff;
	[tilespmem:v2+s15+$0x0] =	vst.idx.msk $0xffff, v12;
	v2 =	vand.u32 $0x1FFF8, v8  }
0xea: {  	v16 =	vadd.s32 $0x12, v62;
	v8 =	vadd.s32 s31, v36;
	v12 =	vld.idx.msk [tilespmem:v14+s3+$0x0], $0xffff;
	v2 =	vor.u32 v3, v2  }
0xeb: {  	[tilespmem:v4+s15+$0x0] =	vst.idx.msk $0xffff, v17;
	v4 =	vand.u32 $0x1FFF8, v8;
	v8 =	vadd.s32 s29, v36;
	v14 =	vadd.s32 $0x12, v61  }
0xec: {  	v17 =	vld.idx.msk [tilespmem:v18+s3+$0x0], $0xffff;
	v4 =	vor.u32 v3, v4;
	[tilespmem:v6+s15+$0x0] =	vst.idx.msk $0xffff, v19;
	v6 =	vand.u32 $0x1FFF8, v8;
	v8 =	vadd.s32 s26, v37  }
0xed: {  	v18 =	vadd.s32 $0x12, v60;
	v19 =	vld.idx.msk [tilespmem:v63+s3+$0x0], $0xffff;
	v6 =	vor.u32 v3, v6;
	v8 =	vand.u32 $0x1FFF8, v8  }
0xee: {  	v63 =	vadd.s32 $0x12, v59;
	[tilespmem:v0+s15+$0x0] =	vst.idx.msk $0xffff, v10;
	v0 =	vor.u32 v5, v8;
	v8 =	vadd.s32 s30, v37  }
0xef: {  	v10 =	vld.idx.msk [tilespmem:v16+s3+$0x0], $0xffff;
	[tilespmem:v2+s15+$0x0] =	vst.idx.msk $0xffff, v12;
	v2 =	vand.u32 $0x1FFF8, v8  }
0xf0: {  	v16 =	vadd.s32 $0x13, v62;
	v8 =	vadd.s32 s31, v37;
	v12 =	vld.idx.msk [tilespmem:v14+s3+$0x0], $0xffff;
	v2 =	vor.u32 v5, v2  }
0xf1: {  	[tilespmem:v4+s15+$0x0] =	vst.idx.msk $0xffff, v17;
	v4 =	vand.u32 $0x1FFF8, v8;
	v8 =	vadd.s32 s29, v37;
	v14 =	vadd.s32 $0x13, v61  }
0xf2: {  	v17 =	vld.idx.msk [tilespmem:v18+s3+$0x0], $0xffff;
	v4 =	vor.u32 v5, v4;
	[tilespmem:v6+s15+$0x0] =	vst.idx.msk $0xffff, v19;
	v6 =	vand.u32 $0x1FFF8, v8;
	v8 =	vadd.s32 s26, v38  }
0xf3: {  	v18 =	vadd.s32 $0x13, v60;
	v19 =	vld.idx.msk [tilespmem:v63+s3+$0x0], $0xffff;
	v6 =	vor.u32 v5, v6;
	v8 =	vand.u32 $0x1FFF8, v8  }
0xf4: {  	v63 =	vadd.s32 $0x13, v59;
	[tilespmem:v0+s15+$0x0] =	vst.idx.msk $0xffff, v10;
	v0 =	vor.u32 v7, v8;
	v8 =	vadd.s32 s30, v38  }
0xf5: {  	v10 =	vld.idx.msk [tilespmem:v16+s3+$0x0], $0xffff;
	[tilespmem:v2+s15+$0x0] =	vst.idx.msk $0xffff, v12;
	v2 =	vand.u32 $0x1FFF8, v8  }
0xf6: {  	v16 =	vadd.s32 $0x14, v62;
	v8 =	vadd.s32 s31, v38;
	v12 =	vld.idx.msk [tilespmem:v14+s3+$0x0], $0xffff;
	v2 =	vor.u32 v7, v2  }
0xf7: {  	[tilespmem:v4+s15+$0x0] =	vst.idx.msk $0xffff, v17;
	v4 =	vand.u32 $0x1FFF8, v8;
	v8 =	vadd.s32 s29, v38;
	v14 =	vadd.s32 $0x14, v61  }
0xf8: {  	v17 =	vld.idx.msk [tilespmem:v18+s3+$0x0], $0xffff;
	v4 =	vor.u32 v7, v4;
	[tilespmem:v6+s15+$0x0] =	vst.idx.msk $0xffff, v19;
	v6 =	vand.u32 $0x1FFF8, v8;
	v8 =	vadd.s32 s26, v39  }
0xf9: {  	v18 =	vadd.s32 $0x14, v60;
	v19 =	vld.idx.msk [tilespmem:v63+s3+$0x0], $0xffff;
	v6 =	vor.u32 v7, v6;
	v8 =	vand.u32 $0x1FFF8, v8  }
0xfa: {  	v63 =	vadd.s32 $0x14, v59;
	[tilespmem:v0+s15+$0x0] =	vst.idx.msk $0xffff, v10;
	v0 =	vor.u32 v9, v8;
	v8 =	vadd.s32 s30, v39  }
0xfb: {  	v10 =	vld.idx.msk [tilespmem:v16+s3+$0x0], $0xffff;
	[tilespmem:v2+s15+$0x0] =	vst.idx.msk $0xffff, v12;
	v2 =	vand.u32 $0x1FFF8, v8  }
0xfc: {  	v16 =	vadd.s32 $0x15, v62;
	v8 =	vadd.s32 s31, v39;
	v12 =	vld.idx.msk [tilespmem:v14+s3+$0x0], $0xffff;
	v2 =	vor.u32 v9, v2  }
0xfd: {  	[tilespmem:v4+s15+$0x0] =	vst.idx.msk $0xffff, v17;
	v4 =	vand.u32 $0x1FFF8, v8;
	v8 =	vadd.s32 s29, v39;
	v14 =	vadd.s32 $0x15, v61  }
0xfe: {  	v17 =	vld.idx.msk [tilespmem:v18+s3+$0x0], $0xffff;
	v4 =	vor.u32 v9, v4;
	[tilespmem:v6+s15+$0x0] =	vst.idx.msk $0xffff, v19;
	v6 =	vand.u32 $0x1FFF8, v8;
	v8 =	vadd.s32 s26, v40  }
0xff: {  	v18 =	vadd.s32 $0x15, v60;
	v19 =	vld.idx.msk [tilespmem:v63+s3+$0x0], $0xffff;
	v6 =	vor.u32 v9, v6;
	v8 =	vand.u32 $0x1FFF8, v8  }
0x100: {  	v63 =	vadd.s32 $0x15, v59;
	[tilespmem:v0+s15+$0x0] =	vst.idx.msk $0xffff, v10;
	v0 =	vor.u32 v11, v8;
	v8 =	vadd.s32 s30, v40  }
0x101: {  	v10 =	vld.idx.msk [tilespmem:v16+s3+$0x0], $0xffff;
	[tilespmem:v2+s15+$0x0] =	vst.idx.msk $0xffff, v12;
	v2 =	vand.u32 $0x1FFF8, v8  }
0x102: {  	v16 =	vadd.s32 $0x16, v62;
	v8 =	vadd.s32 s31, v40;
	v12 =	vld.idx.msk [tilespmem:v14+s3+$0x0], $0xffff;
	v2 =	vor.u32 v11, v2  }
0x103: {  	[tilespmem:v4+s15+$0x0] =	vst.idx.msk $0xffff, v17;
	v4 =	vand.u32 $0x1FFF8, v8;
	v8 =	vadd.s32 s29, v40;
	v14 =	vadd.s32 $0x16, v61  }
0x104: {  	v17 =	vld.idx.msk [tilespmem:v18+s3+$0x0], $0xffff;
	v4 =	vor.u32 v11, v4;
	[tilespmem:v6+s15+$0x0] =	vst.idx.msk $0xffff, v19;
	v6 =	vand.u32 $0x1FFF8, v8;
	v8 =	vadd.s32 s26, v41  }
0x105: {  	v18 =	vadd.s32 $0x16, v60;
	v19 =	vld.idx.msk [tilespmem:v63+s3+$0x0], $0xffff;
	v6 =	vor.u32 v11, v6;
	v8 =	vand.u32 $0x1FFF8, v8  }
0x106: {  	v63 =	vadd.s32 $0x16, v59;
	[tilespmem:v0+s15+$0x0] =	vst.idx.msk $0xffff, v10;
	v0 =	vor.u32 v13, v8;
	v8 =	vadd.s32 s30, v41  }
0x107: {  	v10 =	vld.idx.msk [tilespmem:v16+s3+$0x0], $0xffff;
	[tilespmem:v2+s15+$0x0] =	vst.idx.msk $0xffff, v12;
	v2 =	vand.u32 $0x1FFF8, v8  }
0x108: {  	v16 =	vadd.s32 $0x17, v62;
	v8 =	vadd.s32 s31, v41;
	v12 =	vld.idx.msk [tilespmem:v14+s3+$0x0], $0xffff;
	v2 =	vor.u32 v13, v2  }
0x109: {  	[tilespmem:v4+s15+$0x0] =	vst.idx.msk $0xffff, v17;
	v4 =	vand.u32 $0x1FFF8, v8;
	v8 =	vadd.s32 s29, v41;
	v14 =	vadd.s32 $0x17, v61  }
0x10a: {  	v17 =	vld.idx.msk [tilespmem:v18+s3+$0x0], $0xffff;
	v4 =	vor.u32 v13, v4;
	[tilespmem:v6+s15+$0x0] =	vst.idx.msk $0xffff, v19;
	v6 =	vand.u32 $0x1FFF8, v8;
	v8 =	vadd.s32 s26, v42  }
0x10b: {  	v18 =	vadd.s32 $0x17, v60;
	v19 =	vld.idx.msk [tilespmem:v63+s3+$0x0], $0xffff;
	v6 =	vor.u32 v13, v6;
	v8 =	vand.u32 $0x1FFF8, v8  }
0x10c: {  	v63 =	vadd.s32 $0x17, v59;
	[tilespmem:v0+s15+$0x0] =	vst.idx.msk $0xffff, v10;
	v0 =	vor.u32 v15, v8;
	v8 =	vadd.s32 s30, v42  }
0x10d: {  	v10 =	vld.idx.msk [tilespmem:v16+s3+$0x0], $0xffff;
	[tilespmem:v2+s15+$0x0] =	vst.idx.msk $0xffff, v12;
	v2 =	vand.u32 $0x1FFF8, v8  }
0x10e: {  	v16 =	vadd.s32 $0x18, v62;
	v8 =	vadd.s32 s31, v42;
	v12 =	vld.idx.msk [tilespmem:v14+s3+$0x0], $0xffff;
	v2 =	vor.u32 v15, v2  }
0x10f: {  	[tilespmem:v4+s15+$0x0] =	vst.idx.msk $0xffff, v17;
	v4 =	vand.u32 $0x1FFF8, v8;
	v8 =	vadd.s32 s29, v42;
	v14 =	vadd.s32 $0x18, v61  }
0x110: {  	v17 =	vld.idx.msk [tilespmem:v18+s3+$0x0], $0xffff;
	v4 =	vor.u32 v15, v4;
	[tilespmem:v6+s15+$0x0] =	vst.idx.msk $0xffff, v19;
	v6 =	vand.u32 $0x1FFF8, v8;
	v8 =	vadd.s32 s26, v43  }
0x111: {  	v18 =	vadd.s32 $0x18, v60;
	v19 =	vld.idx.msk [tilespmem:v63+s3+$0x0], $0xffff;
	v6 =	vor.u32 v15, v6;
	v8 =	vand.u32 $0x1FFF8, v8  }
0x112: {  	v63 =	vadd.s32 $0x18, v59;
	[tilespmem:v0+s15+$0x0] =	vst.idx.msk $0xffff, v10;
	v0 =	vor.u32 v1, v8;
	v8 =	vadd.s32 s30, v43  }
0x113: {  	v10 =	vld.idx.msk [tilespmem:v16+s3+$0x0], $0xffff;
	[tilespmem:v2+s15+$0x0] =	vst.idx.msk $0xffff, v12;
	v2 =	vand.u32 $0x1FFF8, v8  }
0x114: {  	v16 =	vadd.s32 $0x19, v62;
	v8 =	vadd.s32 s31, v43;
	v12 =	vld.idx.msk [tilespmem:v14+s3+$0x0], $0xffff;
	v2 =	vor.u32 v1, v2  }
0x115: {  	[tilespmem:v4+s15+$0x0] =	vst.idx.msk $0xffff, v17;
	v4 =	vand.u32 $0x1FFF8, v8;
	v8 =	vadd.s32 s29, v43;
	v14 =	vadd.s32 $0x19, v61  }
0x116: {  	v17 =	vld.idx.msk [tilespmem:v18+s3+$0x0], $0xffff;
	v4 =	vor.u32 v1, v4;
	[tilespmem:v6+s15+$0x0] =	vst.idx.msk $0xffff, v19;
	v6 =	vand.u32 $0x1FFF8, v8;
	v8 =	vadd.s32 s26, v44  }
0x117: {  	v18 =	vadd.s32 $0x19, v60;
	v19 =	vld.idx.msk [tilespmem:v63+s3+$0x0], $0xffff;
	v6 =	vor.u32 v1, v6;
	v8 =	vand.u32 $0x1FFF8, v8  }
0x118: {  	v63 =	vadd.s32 $0x19, v59;
	[tilespmem:v0+s15+$0x0] =	vst.idx.msk $0xffff, v10;
	v0 =	vor.u32 v3, v8;
	v8 =	vadd.s32 s30, v44  }
0x119: {  	v10 =	vld.idx.msk [tilespmem:v16+s3+$0x0], $0xffff;
	[tilespmem:v2+s15+$0x0] =	vst.idx.msk $0xffff, v12;
	v2 =	vand.u32 $0x1FFF8, v8  }
0x11a: {  	v16 =	vadd.s32 $0x1A, v62;
	v8 =	vadd.s32 s31, v44;
	v12 =	vld.idx.msk [tilespmem:v14+s3+$0x0], $0xffff;
	v2 =	vor.u32 v3, v2  }
0x11b: {  	[tilespmem:v4+s15+$0x0] =	vst.idx.msk $0xffff, v17;
	v4 =	vand.u32 $0x1FFF8, v8;
	v8 =	vadd.s32 s29, v44;
	v14 =	vadd.s32 $0x1A, v61  }
0x11c: {  	v17 =	vld.idx.msk [tilespmem:v18+s3+$0x0], $0xffff;
	v4 =	vor.u32 v3, v4;
	[tilespmem:v6+s15+$0x0] =	vst.idx.msk $0xffff, v19;
	v6 =	vand.u32 $0x1FFF8, v8;
	v8 =	vadd.s32 s26, v45  }
0x11d: {  	v18 =	vadd.s32 $0x1A, v60;
	v19 =	vld.idx.msk [tilespmem:v63+s3+$0x0], $0xffff;
	v6 =	vor.u32 v3, v6;
	v8 =	vand.u32 $0x1FFF8, v8  }
0x11e: {  	v63 =	vadd.s32 $0x1A, v59;
	[tilespmem:v0+s15+$0x0] =	vst.idx.msk $0xffff, v10;
	v0 =	vor.u32 v5, v8;
	v8 =	vadd.s32 s30, v45  }
0x11f: {  	v10 =	vld.idx.msk [tilespmem:v16+s3+$0x0], $0xffff;
	[tilespmem:v2+s15+$0x0] =	vst.idx.msk $0xffff, v12;
	v2 =	vand.u32 $0x1FFF8, v8  }
0x120: {  	v16 =	vadd.s32 $0x1B, v62;
	v8 =	vadd.s32 s31, v45;
	v12 =	vld.idx.msk [tilespmem:v14+s3+$0x0], $0xffff;
	v2 =	vor.u32 v5, v2  }
0x121: {  	[tilespmem:v4+s15+$0x0] =	vst.idx.msk $0xffff, v17;
	v4 =	vand.u32 $0x1FFF8, v8;
	v8 =	vadd.s32 s29, v45;
	v14 =	vadd.s32 $0x1B, v61  }
0x122: {  	v17 =	vld.idx.msk [tilespmem:v18+s3+$0x0], $0xffff;
	v4 =	vor.u32 v5, v4;
	[tilespmem:v6+s15+$0x0] =	vst.idx.msk $0xffff, v19;
	v6 =	vand.u32 $0x1FFF8, v8;
	v8 =	vadd.s32 s26, v46  }
0x123: {  	v18 =	vadd.s32 $0x1B, v60;
	v19 =	vld.idx.msk [tilespmem:v63+s3+$0x0], $0xffff;
	v6 =	vor.u32 v5, v6;
	v8 =	vand.u32 $0x1FFF8, v8  }
0x124: {  	v63 =	vadd.s32 $0x1B, v59;
	[tilespmem:v0+s15+$0x0] =	vst.idx.msk $0xffff, v10;
	v0 =	vor.u32 v7, v8;
	v8 =	vadd.s32 s30, v46  }
0x125: {  	v10 =	vld.idx.msk [tilespmem:v16+s3+$0x0], $0xffff;
	[tilespmem:v2+s15+$0x0] =	vst.idx.msk $0xffff, v12;
	v2 =	vand.u32 $0x1FFF8, v8  }
0x126: {  	v16 =	vadd.s32 $0x1C, v62;
	v8 =	vadd.s32 s31, v46;
	v12 =	vld.idx.msk [tilespmem:v14+s3+$0x0], $0xffff;
	v2 =	vor.u32 v7, v2  }
0x127: {  	[tilespmem:v4+s15+$0x0] =	vst.idx.msk $0xffff, v17;
	v4 =	vand.u32 $0x1FFF8, v8;
	v8 =	vadd.s32 s29, v46;
	v14 =	vadd.s32 $0x1C, v61  }
0x128: {  	v17 =	vld.idx.msk [tilespmem:v18+s3+$0x0], $0xffff;
	v4 =	vor.u32 v7, v4;
	[tilespmem:v6+s15+$0x0] =	vst.idx.msk $0xffff, v19;
	v6 =	vand.u32 $0x1FFF8, v8;
	v8 =	vadd.s32 s26, v47  }
0x129: {  	v18 =	vadd.s32 $0x1C, v60;
	v19 =	vld.idx.msk [tilespmem:v63+s3+$0x0], $0xffff;
	v6 =	vor.u32 v7, v6;
	v8 =	vand.u32 $0x1FFF8, v8  }
0x12a: {  	v63 =	vadd.s32 $0x1C, v59;
	[tilespmem:v0+s15+$0x0] =	vst.idx.msk $0xffff, v10;
	v0 =	vor.u32 v9, v8;
	v8 =	vadd.s32 s30, v47  }
0x12b: {  	v10 =	vld.idx.msk [tilespmem:v16+s3+$0x0], $0xffff;
	[tilespmem:v2+s15+$0x0] =	vst.idx.msk $0xffff, v12;
	v2 =	vand.u32 $0x1FFF8, v8  }
0x12c: {  	v16 =	vadd.s32 $0x1D, v62;
	v8 =	vadd.s32 s31, v47;
	v12 =	vld.idx.msk [tilespmem:v14+s3+$0x0], $0xffff;
	v2 =	vor.u32 v9, v2  }
0x12d: {  	[tilespmem:v4+s15+$0x0] =	vst.idx.msk $0xffff, v17;
	v4 =	vand.u32 $0x1FFF8, v8;
	v8 =	vadd.s32 s29, v47;
	v14 =	vadd.s32 $0x1D, v61  }
0x12e: {  	v17 =	vld.idx.msk [tilespmem:v18+s3+$0x0], $0xffff;
	v4 =	vor.u32 v9, v4;
	[tilespmem:v6+s15+$0x0] =	vst.idx.msk $0xffff, v19;
	v6 =	vand.u32 $0x1FFF8, v8;
	v8 =	vadd.s32 s26, v48  }
0x12f: {  	v18 =	vadd.s32 $0x1D, v60;
	v19 =	vld.idx.msk [tilespmem:v63+s3+$0x0], $0xffff;
	v6 =	vor.u32 v9, v6;
	v8 =	vand.u32 $0x1FFF8, v8  }
0x130: {  	v63 =	vadd.s32 $0x1D, v59;
	[tilespmem:v0+s15+$0x0] =	vst.idx.msk $0xffff, v10;
	v0 =	vor.u32 v11, v8;
	v8 =	vadd.s32 s30, v48  }
0x131: {  	v10 =	vld.idx.msk [tilespmem:v16+s3+$0x0], $0xffff;
	[tilespmem:v2+s15+$0x0] =	vst.idx.msk $0xffff, v12;
	v2 =	vand.u32 $0x1FFF8, v8  }
0x132: {  	v16 =	vadd.s32 $0x1E, v62;
	v8 =	vadd.s32 s31, v48;
	v12 =	vld.idx.msk [tilespmem:v14+s3+$0x0], $0xffff;
	v2 =	vor.u32 v11, v2  }
0x133: {  	[tilespmem:v4+s15+$0x0] =	vst.idx.msk $0xffff, v17;
	v4 =	vand.u32 $0x1FFF8, v8;
	v8 =	vadd.s32 s29, v48;
	v14 =	vadd.s32 $0x1E, v61  }
0x134: {  	v17 =	vld.idx.msk [tilespmem:v18+s3+$0x0], $0xffff;
	v4 =	vor.u32 v11, v4;
	[tilespmem:v6+s15+$0x0] =	vst.idx.msk $0xffff, v19;
	v6 =	vand.u32 $0x1FFF8, v8;
	v8 =	vadd.s32 s26, v49  }
0x135: {  	v18 =	vadd.s32 $0x1E, v60;
	v19 =	vld.idx.msk [tilespmem:v63+s3+$0x0], $0xffff;
	v6 =	vor.u32 v11, v6;
	v8 =	vand.u32 $0x1FFF8, v8  }
0x136: {  	v63 =	vadd.s32 $0x1E, v59;
	[tilespmem:v0+s15+$0x0] =	vst.idx.msk $0xffff, v10;
	v0 =	vor.u32 v13, v8;
	v8 =	vadd.s32 s30, v49  }
0x137: {  	v10 =	vld.idx.msk [tilespmem:v16+s3+$0x0], $0xffff;
	[tilespmem:v2+s15+$0x0] =	vst.idx.msk $0xffff, v12;
	v2 =	vand.u32 $0x1FFF8, v8  }
0x138: {  	v16 =	vadd.s32 $0x1F, v62;
	v8 =	vadd.s32 s31, v49;
	v12 =	vld.idx.msk [tilespmem:v14+s3+$0x0], $0xffff;
	v2 =	vor.u32 v13, v2  }
0x139: {  	[tilespmem:v4+s15+$0x0] =	vst.idx.msk $0xffff, v17;
	v4 =	vand.u32 $0x1FFF8, v8;
	v8 =	vadd.s32 s29, v49;
	v14 =	vadd.s32 $0x1F, v61  }
0x13a: {  	v17 =	vld.idx.msk [tilespmem:v18+s3+$0x0], $0xffff;
	v4 =	vor.u32 v13, v4;
	[tilespmem:v6+s15+$0x0] =	vst.idx.msk $0xffff, v19;
	v6 =	vand.u32 $0x1FFF8, v8;
	v8 =	vadd.s32 s26, v50  }
0x13b: {  	v18 =	vadd.s32 $0x1F, v60;
	v19 =	vld.idx.msk [tilespmem:v63+s3+$0x0], $0xffff;
	v6 =	vor.u32 v13, v6;
	v8 =	vand.u32 $0x1FFF8, v8  }
0x13c: {  	v63 =	vadd.s32 $0x1F, v59;
	[tilespmem:v0+s15+$0x0] =	vst.idx.msk $0xffff, v10;
	v0 =	vor.u32 v15, v8;
	v8 =	vadd.s32 s30, v50  }
0x13d: {  	v10 =	vld.idx.msk [tilespmem:v16+s3+$0x0], $0xffff;
	[tilespmem:v2+s15+$0x0] =	vst.idx.msk $0xffff, v12;
	v2 =	vand.u32 $0x1FFF8, v8  }
0x13e: {  	v16 =	vadd.s32 $0x20, v62;
	v8 =	vadd.s32 s31, v50;
	v12 =	vld.idx.msk [tilespmem:v14+s3+$0x0], $0xffff;
	v2 =	vor.u32 v15, v2  }
0x13f: {  	[tilespmem:v4+s15+$0x0] =	vst.idx.msk $0xffff, v17;
	v4 =	vand.u32 $0x1FFF8, v8;
	v8 =	vadd.s32 s29, v50;
	v14 =	vadd.s32 $0x20, v61  }
0x140: {  	v17 =	vld.idx.msk [tilespmem:v18+s3+$0x0], $0xffff;
	v4 =	vor.u32 v15, v4;
	[tilespmem:v6+s15+$0x0] =	vst.idx.msk $0xffff, v19;
	v6 =	vand.u32 $0x1FFF8, v8;
	v8 =	vadd.s32 s26, v51  }
0x141: {  	v18 =	vadd.s32 $0x20, v60;
	v19 =	vld.idx.msk [tilespmem:v63+s3+$0x0], $0xffff;
	v6 =	vor.u32 v15, v6;
	v8 =	vand.u32 $0x1FFF8, v8  }
0x142: {  	v63 =	vadd.s32 $0x20, v59;
	[tilespmem:v0+s15+$0x0] =	vst.idx.msk $0xffff, v10;
	v0 =	vor.u32 v1, v8;
	v8 =	vadd.s32 s30, v51  }
0x143: {  	v10 =	vld.idx.msk [tilespmem:v16+s3+$0x0], $0xffff;
	[tilespmem:v2+s15+$0x0] =	vst.idx.msk $0xffff, v12;
	v2 =	vand.u32 $0x1FFF8, v8  }
0x144: {  	v16 =	vadd.s32 $0x21, v62;
	v8 =	vadd.s32 s31, v51;
	v12 =	vld.idx.msk [tilespmem:v14+s3+$0x0], $0xffff;
	v2 =	vor.u32 v1, v2  }
0x145: {  	[tilespmem:v4+s15+$0x0] =	vst.idx.msk $0xffff, v17;
	v4 =	vand.u32 $0x1FFF8, v8;
	v8 =	vadd.s32 s29, v51;
	v14 =	vadd.s32 $0x21, v61  }
0x146: {  	v17 =	vld.idx.msk [tilespmem:v18+s3+$0x0], $0xffff;
	v4 =	vor.u32 v1, v4;
	[tilespmem:v6+s15+$0x0] =	vst.idx.msk $0xffff, v19;
	v6 =	vand.u32 $0x1FFF8, v8;
	v8 =	vadd.s32 s26, v52  }
0x147: {  	v18 =	vadd.s32 $0x21, v60;
	v19 =	vld.idx.msk [tilespmem:v63+s3+$0x0], $0xffff;
	v6 =	vor.u32 v1, v6;
	v8 =	vand.u32 $0x1FFF8, v8  }
0x148: {  	v63 =	vadd.s32 $0x21, v59;
	[tilespmem:v0+s15+$0x0] =	vst.idx.msk $0xffff, v10;
	v0 =	vor.u32 v3, v8;
	v8 =	vadd.s32 s30, v52  }
0x149: {  	v10 =	vld.idx.msk [tilespmem:v16+s3+$0x0], $0xffff;
	[tilespmem:v2+s15+$0x0] =	vst.idx.msk $0xffff, v12;
	v2 =	vand.u32 $0x1FFF8, v8  }
0x14a: {  	v16 =	vadd.s32 $0x22, v62;
	v8 =	vadd.s32 s31, v52;
	v12 =	vld.idx.msk [tilespmem:v14+s3+$0x0], $0xffff;
	v2 =	vor.u32 v3, v2  }
0x14b: {  	[tilespmem:v4+s15+$0x0] =	vst.idx.msk $0xffff, v17;
	v4 =	vand.u32 $0x1FFF8, v8;
	v8 =	vadd.s32 s29, v52;
	v14 =	vadd.s32 $0x22, v61  }
0x14c: {  	v17 =	vld.idx.msk [tilespmem:v18+s3+$0x0], $0xffff;
	v4 =	vor.u32 v3, v4;
	[tilespmem:v6+s15+$0x0] =	vst.idx.msk $0xffff, v19;
	v6 =	vand.u32 $0x1FFF8, v8;
	v8 =	vadd.s32 s26, v53  }
0x14d: {  	v18 =	vadd.s32 $0x22, v60;
	v19 =	vld.idx.msk [tilespmem:v63+s3+$0x0], $0xffff;
	v6 =	vor.u32 v3, v6;
	v8 =	vand.u32 $0x1FFF8, v8  }
0x14e: {  	v63 =	vadd.s32 $0x22, v59;
	[tilespmem:v0+s15+$0x0] =	vst.idx.msk $0xffff, v10;
	v0 =	vor.u32 v5, v8;
	v8 =	vadd.s32 s30, v53  }
0x14f: {  	v10 =	vld.idx.msk [tilespmem:v16+s3+$0x0], $0xffff;
	[tilespmem:v2+s15+$0x0] =	vst.idx.msk $0xffff, v12;
	v2 =	vand.u32 $0x1FFF8, v8  }
0x150: {  	v16 =	vadd.s32 $0x23, v62;
	v8 =	vadd.s32 s31, v53;
	v12 =	vld.idx.msk [tilespmem:v14+s3+$0x0], $0xffff;
	v2 =	vor.u32 v5, v2  }
0x151: {  	[tilespmem:v4+s15+$0x0] =	vst.idx.msk $0xffff, v17;
	v4 =	vand.u32 $0x1FFF8, v8;
	v8 =	vadd.s32 s29, v53;
	v14 =	vadd.s32 $0x23, v61  }
0x152: {  	v17 =	vld.idx.msk [tilespmem:v18+s3+$0x0], $0xffff;
	v4 =	vor.u32 v5, v4;
	[tilespmem:v6+s15+$0x0] =	vst.idx.msk $0xffff, v19;
	v6 =	vand.u32 $0x1FFF8, v8;
	v8 =	vadd.s32 s26, v54  }
0x153: {  	v18 =	vadd.s32 $0x23, v60;
	v19 =	vld.idx.msk [tilespmem:v63+s3+$0x0], $0xffff;
	v6 =	vor.u32 v5, v6;
	v8 =	vand.u32 $0x1FFF8, v8  }
0x154: {  	v63 =	vadd.s32 $0x23, v59;
	[tilespmem:v0+s15+$0x0] =	vst.idx.msk $0xffff, v10;
	v0 =	vor.u32 v7, v8;
	v8 =	vadd.s32 s30, v54  }
0x155: {  	v10 =	vld.idx.msk [tilespmem:v16+s3+$0x0], $0xffff;
	[tilespmem:v2+s15+$0x0] =	vst.idx.msk $0xffff, v12;
	v2 =	vand.u32 $0x1FFF8, v8  }
0x156: {  	v16 =	vadd.s32 $0x24, v62;
	v8 =	vadd.s32 s31, v54;
	v12 =	vld.idx.msk [tilespmem:v14+s3+$0x0], $0xffff;
	v2 =	vor.u32 v7, v2  }
0x157: {  	[tilespmem:v4+s15+$0x0] =	vst.idx.msk $0xffff, v17;
	v4 =	vand.u32 $0x1FFF8, v8;
	v8 =	vadd.s32 s29, v54;
	v14 =	vadd.s32 $0x24, v61  }
0x158: {  	v17 =	vld.idx.msk [tilespmem:v18+s3+$0x0], $0xffff;
	v4 =	vor.u32 v7, v4;
	[tilespmem:v6+s15+$0x0] =	vst.idx.msk $0xffff, v19;
	v6 =	vand.u32 $0x1FFF8, v8;
	v8 =	vadd.s32 s26, v55  }
0x159: {  	v18 =	vadd.s32 $0x24, v60;
	v19 =	vld.idx.msk [tilespmem:v63+s3+$0x0], $0xffff;
	v6 =	vor.u32 v7, v6;
	v8 =	vand.u32 $0x1FFF8, v8  }
0x15a: {  	v63 =	vadd.s32 $0x24, v59;
	[tilespmem:v0+s15+$0x0] =	vst.idx.msk $0xffff, v10;
	v0 =	vor.u32 v9, v8;
	v8 =	vadd.s32 s30, v55  }
0x15b: {  	v10 =	vld.idx.msk [tilespmem:v16+s3+$0x0], $0xffff;
	[tilespmem:v2+s15+$0x0] =	vst.idx.msk $0xffff, v12;
	v2 =	vand.u32 $0x1FFF8, v8  }
0x15c: {  	v16 =	vadd.s32 $0x25, v62;
	v8 =	vadd.s32 s31, v55;
	v12 =	vld.idx.msk [tilespmem:v14+s3+$0x0], $0xffff;
	v2 =	vor.u32 v9, v2  }
0x15d: {  	[tilespmem:v4+s15+$0x0] =	vst.idx.msk $0xffff, v17;
	v4 =	vand.u32 $0x1FFF8, v8;
	v8 =	vadd.s32 s29, v55;
	v14 =	vadd.s32 $0x25, v61  }
0x15e: {  	v17 =	vld.idx.msk [tilespmem:v18+s3+$0x0], $0xffff;
	v4 =	vor.u32 v9, v4;
	[tilespmem:v6+s15+$0x0] =	vst.idx.msk $0xffff, v19;
	v6 =	vand.u32 $0x1FFF8, v8;
	v8 =	vadd.s32 s26, v56  }
0x15f: {  	v18 =	vadd.s32 $0x25, v60;
	v19 =	vld.idx.msk [tilespmem:v63+s3+$0x0], $0xffff;
	v6 =	vor.u32 v9, v6;
	v8 =	vand.u32 $0x1FFF8, v8  }
0x160: {  	v63 =	vadd.s32 $0x25, v59;
	[tilespmem:v0+s15+$0x0] =	vst.idx.msk $0xffff, v10;
	v0 =	vor.u32 v11, v8;
	v8 =	vadd.s32 s30, v56  }
0x161: {  	v10 =	vld.idx.msk [tilespmem:v16+s3+$0x0], $0xffff;
	[tilespmem:v2+s15+$0x0] =	vst.idx.msk $0xffff, v12;
	v2 =	vand.u32 $0x1FFF8, v8  }
0x162: {  	v16 =	vadd.s32 $0x26, v62;
	v8 =	vadd.s32 s31, v56;
	v12 =	vld.idx.msk [tilespmem:v14+s3+$0x0], $0xffff;
	v2 =	vor.u32 v11, v2  }
0x163: {  	[tilespmem:v4+s15+$0x0] =	vst.idx.msk $0xffff, v17;
	v4 =	vand.u32 $0x1FFF8, v8;
	v8 =	vadd.s32 s29, v56;
	v14 =	vadd.s32 $0x26, v61  }
0x164: {  	v17 =	vld.idx.msk [tilespmem:v18+s3+$0x0], $0xffff;
	v4 =	vor.u32 v11, v4;
	[tilespmem:v6+s15+$0x0] =	vst.idx.msk $0xffff, v19;
	v6 =	vand.u32 $0x1FFF8, v8;
	v8 =	vadd.s32 s26, v57  }
0x165: {  	v18 =	vadd.s32 $0x26, v60;
	v19 =	vld.idx.msk [tilespmem:v63+s3+$0x0], $0xffff;
	v6 =	vor.u32 v11, v6;
	v8 =	vand.u32 $0x1FFF8, v8  }
0x166: {  	v63 =	vadd.s32 $0x26, v59;
	[tilespmem:v0+s15+$0x0] =	vst.idx.msk $0xffff, v10;
	v0 =	vor.u32 v13, v8;
	v8 =	vadd.s32 s30, v57  }
0x167: {  	v10 =	vld.idx.msk [tilespmem:v16+s3+$0x0], $0xffff;
	[tilespmem:v2+s15+$0x0] =	vst.idx.msk $0xffff, v12;
	v2 =	vand.u32 $0x1FFF8, v8  }
0x168: {  	v16 =	vadd.s32 $0x27, v62;
	v8 =	vadd.s32 s31, v57;
	v12 =	vld.idx.msk [tilespmem:v14+s3+$0x0], $0xffff;
	v2 =	vor.u32 v13, v2  }
0x169: {  	[tilespmem:v4+s15+$0x0] =	vst.idx.msk $0xffff, v17;
	v4 =	vand.u32 $0x1FFF8, v8;
	v8 =	vadd.s32 s29, v57;
	v14 =	vadd.s32 $0x27, v61  }
0x16a: {  	v17 =	vld.idx.msk [tilespmem:v18+s3+$0x0], $0xffff;
	v4 =	vor.u32 v13, v4;
	[tilespmem:v6+s15+$0x0] =	vst.idx.msk $0xffff, v19;
	v6 =	vand.u32 $0x1FFF8, v8;
	v8 =	vadd.s32 s26, v58  }
0x16b: {  	v18 =	vadd.s32 $0x27, v60;
	v19 =	vld.idx.msk [tilespmem:v63+s3+$0x0], $0xffff;
	v6 =	vor.u32 v13, v6;
	v8 =	vand.u32 $0x1FFF8, v8  }
0x16c: {  	v63 =	vadd.s32 $0x27, v59;
	[tilespmem:v0+s15+$0x0] =	vst.idx.msk $0xffff, v10;
	v0 =	vor.u32 v15, v8;
	v8 =	vadd.s32 s30, v58  }
0x16d: {  	v10 =	vld.idx.msk [tilespmem:v16+s3+$0x0], $0xffff;
	[tilespmem:v2+s15+$0x0] =	vst.idx.msk $0xffff, v12;
	v2 =	vand.u32 $0x1FFF8, v8  }
0x16e: {  	v16 =	vadd.s32 $0x28, v62;
	v8 =	vadd.s32 s31, v58;
	v12 =	vld.idx.msk [tilespmem:v14+s3+$0x0], $0xffff;
	v2 =	vor.u32 v15, v2  }
0x16f: {  	[tilespmem:v4+s15+$0x0] =	vst.idx.msk $0xffff, v17;
	v4 =	vand.u32 $0x1FFF8, v8;
	v8 =	vadd.s32 s29, v58;
	v14 =	vadd.s32 $0x28, v61  }
0x170: {  	v17 =	vld.idx.msk [tilespmem:v18+s3+$0x0], $0xffff;
	v4 =	vor.u32 v15, v4;
	[tilespmem:v6+s15+$0x0] =	vst.idx.msk $0xffff, v19;
	v6 =	vand.u32 $0x1FFF8, v8;
	v8 =	vadd.s32 s26, v21  }
0x171: {  	v18 =	vadd.s32 $0x28, v60;
	v19 =	vld.idx.msk [tilespmem:v63+s3+$0x0], $0xffff;
	v6 =	vor.u32 v15, v6;
	v8 =	vand.u32 $0x1FFF8, v8  }
0x172: {  	v63 =	vadd.s32 $0x28, v59;
	[tilespmem:v0+s15+$0x0] =	vst.idx.msk $0xffff, v10;
	v0 =	vor.u32 v1, v8;
	v8 =	vadd.s32 s30, v21  }
0x173: {  	v10 =	vld.idx.msk [tilespmem:v16+s3+$0x0], $0xffff;
	[tilespmem:v2+s15+$0x0] =	vst.idx.msk $0xffff, v12;
	v2 =	vand.u32 $0x1FFF8, v8  }
0x174: {  	v16 =	vadd.s32 $0x29, v62;
	v8 =	vadd.s32 s31, v21;
	v12 =	vld.idx.msk [tilespmem:v14+s3+$0x0], $0xffff;
	v2 =	vor.u32 v1, v2  }
0x175: {  	[tilespmem:v4+s15+$0x0] =	vst.idx.msk $0xffff, v17;
	v4 =	vand.u32 $0x1FFF8, v8;
	v8 =	vadd.s32 s29, v21;
	v14 =	vadd.s32 $0x29, v61  }
0x176: {  	v17 =	vld.idx.msk [tilespmem:v18+s3+$0x0], $0xffff;
	v4 =	vor.u32 v1, v4;
	[tilespmem:v6+s15+$0x0] =	vst.idx.msk $0xffff, v19;
	v6 =	vand.u32 $0x1FFF8, v8;
	v8 =	vadd.s32 s26, v22  }
0x177: {  	v18 =	vadd.s32 $0x29, v60;
	v19 =	vld.idx.msk [tilespmem:v63+s3+$0x0], $0xffff;
	v6 =	vor.u32 v1, v6;
	v8 =	vand.u32 $0x1FFF8, v8  }
0x178: {  	v63 =	vadd.s32 $0x29, v59;
	[tilespmem:v0+s15+$0x0] =	vst.idx.msk $0xffff, v10;
	v0 =	vor.u32 v3, v8;
	v8 =	vadd.s32 s30, v22  }
0x179: {  	v10 =	vld.idx.msk [tilespmem:v16+s3+$0x0], $0xffff;
	[tilespmem:v2+s15+$0x0] =	vst.idx.msk $0xffff, v12;
	v2 =	vand.u32 $0x1FFF8, v8  }
0x17a: {  	v16 =	vadd.s32 $0x2A, v62;
	v8 =	vadd.s32 s31, v22;
	v12 =	vld.idx.msk [tilespmem:v14+s3+$0x0], $0xffff;
	v2 =	vor.u32 v3, v2  }
0x17b: {  	[tilespmem:v4+s15+$0x0] =	vst.idx.msk $0xffff, v17;
	v4 =	vand.u32 $0x1FFF8, v8;
	v8 =	vadd.s32 s29, v22;
	v14 =	vadd.s32 $0x2A, v61  }
0x17c: {  	v17 =	vld.idx.msk [tilespmem:v18+s3+$0x0], $0xffff;
	v4 =	vor.u32 v3, v4;
	[tilespmem:v6+s15+$0x0] =	vst.idx.msk $0xffff, v19;
	v6 =	vand.u32 $0x1FFF8, v8;
	v8 =	vadd.s32 s26, v23  }
0x17d: {  	v18 =	vadd.s32 $0x2A, v60;
	v19 =	vld.idx.msk [tilespmem:v63+s3+$0x0], $0xffff;
	v6 =	vor.u32 v3, v6;
	v8 =	vand.u32 $0x1FFF8, v8  }
0x17e: {  	v63 =	vadd.s32 $0x2A, v59;
	[tilespmem:v0+s15+$0x0] =	vst.idx.msk $0xffff, v10;
	v0 =	vor.u32 v5, v8;
	v8 =	vadd.s32 s30, v23  }
0x17f: {  	v10 =	vld.idx.msk [tilespmem:v16+s3+$0x0], $0xffff;
	[tilespmem:v2+s15+$0x0] =	vst.idx.msk $0xffff, v12;
	v2 =	vand.u32 $0x1FFF8, v8  }
0x180: {  	v16 =	vadd.s32 $0x2B, v62;
	v8 =	vadd.s32 s31, v23;
	v12 =	vld.idx.msk [tilespmem:v14+s3+$0x0], $0xffff;
	v2 =	vor.u32 v5, v2  }
0x181: {  	[tilespmem:v4+s15+$0x0] =	vst.idx.msk $0xffff, v17;
	v4 =	vand.u32 $0x1FFF8, v8;
	v8 =	vadd.s32 s29, v23;
	v14 =	vadd.s32 $0x2B, v61  }
0x182: {  	v17 =	vld.idx.msk [tilespmem:v18+s3+$0x0], $0xffff;
	v4 =	vor.u32 v5, v4;
	[tilespmem:v6+s15+$0x0] =	vst.idx.msk $0xffff, v19;
	v6 =	vand.u32 $0x1FFF8, v8;
	v8 =	vadd.s32 s26, v24  }
0x183: {  	v18 =	vadd.s32 $0x2B, v60;
	v19 =	vld.idx.msk [tilespmem:v63+s3+$0x0], $0xffff;
	v6 =	vor.u32 v5, v6;
	v8 =	vand.u32 $0x1FFF8, v8  }
0x184: {  	v63 =	vadd.s32 $0x2B, v59;
	[tilespmem:v0+s15+$0x0] =	vst.idx.msk $0xffff, v10;
	v0 =	vor.u32 v7, v8;
	v8 =	vadd.s32 s30, v24  }
0x185: {  	v10 =	vld.idx.msk [tilespmem:v16+s3+$0x0], $0xffff;
	[tilespmem:v2+s15+$0x0] =	vst.idx.msk $0xffff, v12;
	v2 =	vand.u32 $0x1FFF8, v8  }
0x186: {  	v16 =	vadd.s32 $0x2C, v62;
	v8 =	vadd.s32 s31, v24;
	v12 =	vld.idx.msk [tilespmem:v14+s3+$0x0], $0xffff;
	v2 =	vor.u32 v7, v2  }
0x187: {  	[tilespmem:v4+s15+$0x0] =	vst.idx.msk $0xffff, v17;
	v4 =	vand.u32 $0x1FFF8, v8;
	v8 =	vadd.s32 s29, v24;
	v14 =	vadd.s32 $0x2C, v61  }
0x188: {  	v17 =	vld.idx.msk [tilespmem:v18+s3+$0x0], $0xffff;
	v4 =	vor.u32 v7, v4;
	[tilespmem:v6+s15+$0x0] =	vst.idx.msk $0xffff, v19;
	v6 =	vand.u32 $0x1FFF8, v8;
	v8 =	vadd.s32 s26, v25  }
0x189: {  	v18 =	vadd.s32 $0x2C, v60;
	v19 =	vld.idx.msk [tilespmem:v63+s3+$0x0], $0xffff;
	v6 =	vor.u32 v7, v6;
	v8 =	vand.u32 $0x1FFF8, v8  }
0x18a: {  	v63 =	vadd.s32 $0x2C, v59;
	[tilespmem:v0+s15+$0x0] =	vst.idx.msk $0xffff, v10;
	v0 =	vor.u32 v9, v8;
	v8 =	vadd.s32 s30, v25  }
0x18b: {  	v10 =	vld.idx.msk [tilespmem:v16+s3+$0x0], $0xffff;
	[tilespmem:v2+s15+$0x0] =	vst.idx.msk $0xffff, v12;
	v2 =	vand.u32 $0x1FFF8, v8  }
0x18c: {  	v16 =	vadd.s32 $0x2D, v62;
	v8 =	vadd.s32 s31, v25;
	v12 =	vld.idx.msk [tilespmem:v14+s3+$0x0], $0xffff;
	v2 =	vor.u32 v9, v2  }
0x18d: {  	[tilespmem:v4+s15+$0x0] =	vst.idx.msk $0xffff, v17;
	v4 =	vand.u32 $0x1FFF8, v8;
	v8 =	vadd.s32 s29, v25;
	v14 =	vadd.s32 $0x2D, v61  }
0x18e: {  	v17 =	vld.idx.msk [tilespmem:v18+s3+$0x0], $0xffff;
	v4 =	vor.u32 v9, v4;
	[tilespmem:v6+s15+$0x0] =	vst.idx.msk $0xffff, v19;
	v6 =	vand.u32 $0x1FFF8, v8;
	v8 =	vadd.s32 s26, v26  }
0x18f: {  	v18 =	vadd.s32 $0x2D, v60;
	v19 =	vld.idx.msk [tilespmem:v63+s3+$0x0], $0xffff;
	v6 =	vor.u32 v9, v6;
	v8 =	vand.u32 $0x1FFF8, v8  }
0x190: {  	v63 =	vadd.s32 $0x2D, v59;
	[tilespmem:v0+s15+$0x0] =	vst.idx.msk $0xffff, v10;
	v0 =	vor.u32 v11, v8;
	v8 =	vadd.s32 s30, v26  }
0x191: {  	v10 =	vld.idx.msk [tilespmem:v16+s3+$0x0], $0xffff;
	[tilespmem:v2+s15+$0x0] =	vst.idx.msk $0xffff, v12;
	v2 =	vand.u32 $0x1FFF8, v8  }
0x192: {  	v16 =	vadd.s32 $0x2E, v62;
	v8 =	vadd.s32 s31, v26;
	v12 =	vld.idx.msk [tilespmem:v14+s3+$0x0], $0xffff;
	v2 =	vor.u32 v11, v2  }
0x193: {  	[tilespmem:v4+s15+$0x0] =	vst.idx.msk $0xffff, v17;
	v4 =	vand.u32 $0x1FFF8, v8;
	v8 =	vadd.s32 s29, v26;
	v14 =	vadd.s32 $0x2E, v61  }
0x194: {  	v17 =	vld.idx.msk [tilespmem:v18+s3+$0x0], $0xffff;
	v4 =	vor.u32 v11, v4;
	[tilespmem:v6+s15+$0x0] =	vst.idx.msk $0xffff, v19;
	v6 =	vand.u32 $0x1FFF8, v8;
	v8 =	vadd.s32 s26, v27  }
0x195: {  	v18 =	vadd.s32 $0x2E, v60;
	v19 =	vld.idx.msk [tilespmem:v63+s3+$0x0], $0xffff;
	v6 =	vor.u32 v11, v6;
	v8 =	vand.u32 $0x1FFF8, v8  }
0x196: {  	v63 =	vadd.s32 $0x2E, v59;
	[tilespmem:v0+s15+$0x0] =	vst.idx.msk $0xffff, v10;
	v0 =	vor.u32 v13, v8;
	v8 =	vadd.s32 s30, v27  }
0x197: {  	v10 =	vld.idx.msk [tilespmem:v16+s3+$0x0], $0xffff;
	[tilespmem:v2+s15+$0x0] =	vst.idx.msk $0xffff, v12;
	v2 =	vand.u32 $0x1FFF8, v8  }
0x198: {  	v16 =	vadd.s32 $0x2F, v62;
	v8 =	vadd.s32 s31, v27;
	v12 =	vld.idx.msk [tilespmem:v14+s3+$0x0], $0xffff;
	v2 =	vor.u32 v13, v2  }
0x199: {  	[tilespmem:v4+s15+$0x0] =	vst.idx.msk $0xffff, v17;
	v4 =	vand.u32 $0x1FFF8, v8;
	v8 =	vadd.s32 s29, v27;
	v14 =	vadd.s32 $0x2F, v61  }
0x19a: {  	v17 =	vld.idx.msk [tilespmem:v18+s3+$0x0], $0xffff;
	v4 =	vor.u32 v13, v4;
	[tilespmem:v6+s15+$0x0] =	vst.idx.msk $0xffff, v19;
	v6 =	vand.u32 $0x1FFF8, v8;
	v8 =	vadd.s32 s26, v28  }
0x19b: {  	v18 =	vadd.s32 $0x2F, v60;
	v19 =	vld.idx.msk [tilespmem:v63+s3+$0x0], $0xffff;
	v6 =	vor.u32 v13, v6;
	v8 =	vand.u32 $0x1FFF8, v8  }
0x19c: {  	v63 =	vadd.s32 $0x2F, v59;
	[tilespmem:v0+s15+$0x0] =	vst.idx.msk $0xffff, v10;
	v0 =	vor.u32 v15, v8;
	v8 =	vadd.s32 s30, v28  }
0x19d: {  	v10 =	vld.idx.msk [tilespmem:v16+s3+$0x0], $0xffff;
	[tilespmem:v2+s15+$0x0] =	vst.idx.msk $0xffff, v12;
	v2 =	vand.u32 $0x1FFF8, v8  }
0x19e: {  	v16 =	vadd.s32 $0x30, v62;
	v8 =	vadd.s32 s31, v28;
	v12 =	vld.idx.msk [tilespmem:v14+s3+$0x0], $0xffff;
	v2 =	vor.u32 v15, v2  }
0x19f: {  	[tilespmem:v4+s15+$0x0] =	vst.idx.msk $0xffff, v17;
	v4 =	vand.u32 $0x1FFF8, v8;
	v8 =	vadd.s32 s29, v28;
	v14 =	vadd.s32 $0x30, v61  }
0x1a0: {  	v17 =	vld.idx.msk [tilespmem:v18+s3+$0x0], $0xffff;
	[tilespmem:v6+s15+$0x0] =	vst.idx.msk $0xffff, v19;
	v6 =	vand.u32 $0x1FFF8, v8;
	v8 =	vadd.s32 s26, v29  }
0x1a1: {  	v4 =	vor.u32 v15, v4;
	v18 =	vadd.s32 $0x30, v60;
	v19 =	vld.idx.msk [tilespmem:v63+s3+$0x0], $0xffff;
	v8 =	vand.u32 $0x1FFF8, v8  }
0x1a2: {  	v6 =	vor.u32 v15, v6;
	[tilespmem:v0+s15+$0x0] =	vst.idx.msk $0xffff, v10;
	v0 =	vor.u32 v1, v8;
	v8 =	vadd.s32 s30, v29  }
0x1a3: {  	v63 =	vadd.s32 $0x30, v59;
	v10 =	vld.idx.msk [tilespmem:v16+s3+$0x0], $0xffff;
	[tilespmem:v2+s15+$0x0] =	vst.idx.msk $0xffff, v12;
	v2 =	vand.u32 $0x1FFF8, v8  }
0x1a4: {  	v16 =	vadd.s32 $0x31, v62;
	v12 =	vld.idx.msk [tilespmem:v14+s3+$0x0], $0xffff;
	v2 =	vor.u32 v1, v2  }
0x1a5: {  	v8 =	vadd.s32 s31, v29  }
0x1a6: {  	[tilespmem:v4+s15+$0x0] =	vst.idx.msk $0xffff, v17;
	v4 =	vand.u32 $0x1FFF8, v8;
	v8 =	vadd.s32 s29, v29  }
0x1a7: {  	v14 =	vadd.s32 $0x31, v61;
	v17 =	vld.idx.msk [tilespmem:v18+s3+$0x0], $0xffff;
	v4 =	vor.u32 v1, v4;
	[tilespmem:v6+s15+$0x0] =	vst.idx.msk $0xffff, v19;
	v6 =	vand.u32 $0x1FFF8, v8  }
0x1a8: {  	v8 =	vadd.s32 s26, v30;
	v18 =	vadd.s32 $0x31, v60;
	v19 =	vld.idx.msk [tilespmem:v63+s3+$0x0], $0xffff;
	v6 =	vor.u32 v1, v6;
	[tilespmem:v0+s15+$0x0] =	vst.idx.msk $0xffff, v10  }
0x1a9: {  	v8 =	vand.u32 $0x1FFF8, v8;
	v63 =	vadd.s32 $0x31, v59;
	[tilespmem:v2+s15+$0x0] =	vst.idx.msk $0xffff, v12;
	v2 =	vld.idx.msk [tilespmem:v16+s3+$0x0], $0xffff  }
0x1aa: {  	v0 =	vor.u32 v3, v8;
	v8 =	vadd.s32 s30, v30;
	v16 =	vadd.s32 $0x32, v61;
	v61 =	vld [tilespmem:$0x1FFE0]  }
0x1ab: {  	v10 =	vadd.s32 $0x32, v62;
	v8 =	vand.u32 $0x1FFF8, v8;
	v12 =	vadd.s32 s31, v30  }
0x1ac: {  	v8 =	vor.u32 v3, v8;
	[tilespmem:v4+s15+$0x0] =	vst.idx.msk $0xffff, v17;
	v4 =	vld.idx.msk [tilespmem:v14+s3+$0x0], $0xffff;
	v12 =	vand.u32 $0x1FFF8, v12;
	v14 =	vadd.s32 s29, v30  }
0x1ad: {  	v17 =	vld.idx.msk [tilespmem:v18+s3+$0x0], $0xffff;
	v12 =	vor.u32 v3, v12;
	[tilespmem:v6+s15+$0x0] =	vst.idx.msk $0xffff, v19;
	v6 =	vand.u32 $0x1FFF8, v14  }
0x1ae: {  	v14 =	vadd.s32 $0x32, v60;
	v18 =	vld.idx.msk [tilespmem:v63+s3+$0x0], $0xffff;
	v6 =	vor.u32 v3, v6  }
0x1af: {  	v59 =	vadd.s32 $0x32, v59;
	v19 =	vadd.s32 s26, v61  }
0x1b0: {  	v60 =	vadd.s32 s30, v61;
	[tilespmem:v0+s15+$0x0] =	vst.idx.msk $0xffff, v2;
	v0 =	vand.u32 $0x1FFF8, v19  }
0x1b1: {  	v2 =	vadd.s32 s31, v61;
	[tilespmem:v8+s15+$0x0] =	vst.idx.msk $0xffff, v4;
	v4 =	vld.idx.msk [tilespmem:v10+s3+$0x0], $0xffff;
	v8 =	vand.u32 $0x1FFF8, v60;
	v0 =	vor.u32 v5, v0  }
0x1b2: {  	v2 =	vand.u32 $0x1FFF8, v2;
	[tilespmem:v12+s15+$0x0] =	vst.idx.msk $0xffff, v17;
	v10 =	vld.idx.msk [tilespmem:v16+s3+$0x0], $0xffff;
	v8 =	vor.u32 v5, v8;
	v12 =	vadd.s32 s29, v61  }
0x1b3: {  	s25 =	sadd.s32 $0x4, s25;
	v2 =	vor.u32 v5, v2;
	[tilespmem:v6+s15+$0x0] =	vst.idx.msk $0xffff, v18;
	v6 =	vld.idx.msk [tilespmem:v14+s3+$0x0], $0xffff;
	v12 =	vand.u32 $0x1FFF8, v12  }
0x1b4: {  	p0 =	slt.u32 s25, $0x20;
	v14 =	vld.idx.msk [tilespmem:v59+s3+$0x0], $0xffff;
	v12 =	vor.u32 v5, v12  }
.Ltmp0:
0x1b5: {  	_ = 	snop;
	(pc) =	sbr.rel @p0 .LBB2_3-.Ltmp0, $4  }
0x1b6: {  	[tilespmem:v0+s15+$0x0] =	vst.idx.msk $0xffff, v4  }
0x1b7: {  	[tilespmem:v8+s15+$0x0] =	vst.idx.msk $0xffff, v10  }
0x1b8: {  	[tilespmem:v2+s15+$0x0] =	vst.idx.msk $0xffff, v6  }
0x1b9: {  	s28 =	sadd.s32 $0x40, s28;
	v62 =	vmov v30;
	s26 =	sadd.s32 $0xCC0, s26;
	v16 =	vmov v20;
	[tilespmem:v12+s15+$0x0] =	vst.idx.msk $0xffff, v14;
	v14 =	vld [tilespmem:$0x1FFD0]  }
0x1ba: {  	s24 =	smul.u32 $0x33, s24;
	_ =	sdelay $0x1  }
0x1bb: {  	s24 =	sshrl.u32 s24, $0x3  }
0x1bc: {  	p0 =	seq.s32 s21, $0x31;
	s24 =	sadd.s32 s2, s24  }
0x1bd: {  	[hbm4b:s24+s3] =	stream.linear.scatter [tilespmem:s15], [sflag:$0x3], $0x72C0, $0x38;
	[tilespmem:$0xEC00] =	vst v63  }
0x1be: {  	s23 =	sadd.s32 @!p0 s23, s9;
	p1 =	seq.s32 @!p0 s21, $0x0;
	_ =	swait.ge [sflag:s16], $0x240  }
0x1bf: {  	s25 =	simm.s32 @!p0 $0x200;
	s23 =	sshrl.u32 @!p0 s23, $0x3;
	[sflag:s16] =	ssyncset.done $0x0  }
0x1c0: {  	s23 =	sadd.s32 @!p0 s6, s23;
	s24 =	simm.s32 @!p0 $0x0;
	[sflag:s16] =	ssyncadd.s32 $0xFFFFFDC0  }
0x1c1: {  	[tilespmem:s25], [sflag:$0x1] =	stream.linear.gather @!p0 [hbm4b:s23+s24], $0x240, $0x38;
	[tilespmem:$0xEC00] =	vst v63  }
0x1c2: {  	p0 =	por p0, !p1  }
0x1c3: {  	_ =	swait.ge @p0 [sflag:s19], $0x72C0  }
0x1c4: {  	v31 =	vld [tilespmem:$0x1FD80]  }
0x1c5: {  	v32 =	vld [tilespmem:$0x1FD90]  }
0x1c6: {  	v33 =	vld [tilespmem:$0x1FDA0]  }
0x1c7: {  	v34 =	vld [tilespmem:$0x1FDB0]  }
0x1c8: {  	v35 =	vld [tilespmem:$0x1FDC0]  }
0x1c9: {  	v36 =	vld [tilespmem:$0x1FDD0]  }
0x1ca: {  	v37 =	vld [tilespmem:$0x1FDE0]  }
0x1cb: {  	v38 =	vld [tilespmem:$0x1FDF0]  }
0x1cc: {  	v39 =	vld [tilespmem:$0x1FE00]  }
0x1cd: {  	v40 =	vld [tilespmem:$0x1FE10]  }
0x1ce: {  	v41 =	vld [tilespmem:$0x1FE20]  }
0x1cf: {  	v42 =	vld [tilespmem:$0x1FE30]  }
0x1d0: {  	v43 =	vld [tilespmem:$0x1FE40]  }
0x1d1: {  	v44 =	vld [tilespmem:$0x1FE50]  }
0x1d2: {  	v45 =	vld [tilespmem:$0x1FE60]  }
0x1d3: {  	v46 =	vld [tilespmem:$0x1FE70]  }
0x1d4: {  	v47 =	vld [tilespmem:$0x1FE80]  }
0x1d5: {  	v48 =	vld [tilespmem:$0x1FE90]  }
0x1d6: {  	v49 =	vld [tilespmem:$0x1FEA0]  }
0x1d7: {  	v50 =	vld [tilespmem:$0x1FEB0]  }
0x1d8: {  	v51 =	vld [tilespmem:$0x1FEC0]  }
0x1d9: {  	v52 =	vld [tilespmem:$0x1FED0]  }
0x1da: {  	v53 =	vld [tilespmem:$0x1FEE0]  }
0x1db: {  	v54 =	vld [tilespmem:$0x1FEF0]  }
0x1dc: {  	v55 =	vld [tilespmem:$0x1FF00]  }
0x1dd: {  	v56 =	vld [tilespmem:$0x1FF10]  }
0x1de: {  	v57 =	vld [tilespmem:$0x1FF20]  }
0x1df: {  	v58 =	vld [tilespmem:$0x1FF30]  }
0x1e0: {  	v21 =	vld [tilespmem:$0x1FF40]  }
0x1e1: {  	v22 =	vld [tilespmem:$0x1FF50]  }
0x1e2: {  	v23 =	vld [tilespmem:$0x1FF60]  }
0x1e3: {  	v24 =	vld [tilespmem:$0x1FF70]  }
0x1e4: {  	v25 =	vld [tilespmem:$0x1FF80]  }
0x1e5: {  	v26 =	vld [tilespmem:$0x1FF90]  }
0x1e6: {  	v27 =	vld [tilespmem:$0x1FFA0]  }
0x1e7: {  	s23 =	simm.s32 $0xFFFFFFFC;
	[sflag:s19] =	ssyncset.done @p0 $0x0;
	v28 =	vld [tilespmem:$0x1FFB0]  }
0x1e8: {  	s24 =	simm.s32 $0x0;
	s25 =	simm.s32 $0x460;
	v29 =	vld [tilespmem:$0x1FFC0];
	[sflag:s19] =	ssyncadd.s32 @p0 $0xFFFF8D40  }
.LBB2_5:
0x1e9: {  	v0 =	vld [tilespmem:s25+$0xFFFFFFE0]  }
0x1ea: {  	v2 =	vld [tilespmem:s25+$0xFFFFFFF0]  }
0x1eb: {  	v4 =	vld [tilespmem:s25+$0x0];
	_ =	sdelay $0x2  }
0x1ec: {  	v6 =	vld [tilespmem:s25+$0x10];
	v62 =	vmul.u32 $0x33, v0  }
0x1ed: {  	v61 =	vmul.u32 $0x33, v2  }
0x1ee: {  	v60 =	vmul.u32 $0x33, v4;
	_ =	sdelay $0x1  }
0x1ef: {  	s28 =	sadd.s32 $0x330, s24;
	v0 =	vadd.s32 s24, v14  }
0x1f0: {  	s29 =	sadd.s32 $0x660, s24;
	v20 =	vld [tilespmem:$0x1FFF0];
	v59 =	vmul.u32 $0x33, v6;
	v2 =	vadd.s32 s28, v14;
	v0 =	vand.u32 $0x1FFF8, v0  }
0x1f1: {  	v8 =	vadd.s32 s29, v14;
	v2 =	vand.u32 $0x1FFF8, v2;
	v0 =	vor.u32 v1, v0;
	v4 =	vld.idx.msk [tilespmem:v62+s3+$0x0], $0xffff  }
0x1f2: {  	v8 =	vand.u32 $0x1FFF8, v8;
	v6 =	vadd.s32 $0x1, v62;
	v2 =	vor.u32 v1, v2;
	v10 =	vld.idx.msk [tilespmem:v61+s3+$0x0], $0xffff  }
0x1f3: {  	s26 =	sadd.s32 $0x990, s24;
	v8 =	vor.u32 v1, v8;
	v16 =	vld.idx.msk [tilespmem:v60+s3+$0x0], $0xffff  }
0x1f4: {  	v12 =	vadd.s32 s26, v14;
	v14 =	vadd.s32 $0x1, v61  }
0x1f5: {  	v12 =	vand.u32 $0x1FFF8, v12;
	v17 =	vadd.s32 s24, v20;
	v18 =	vadd.s32 $0x1, v60  }
0x1f6: {  	v12 =	vor.u32 v1, v12;
	v17 =	vand.u32 $0x1FFF8, v17;
	v19 =	vld.idx.msk [tilespmem:v59+s3+$0x0], $0xffff;
	[tilespmem:v0+s17+$0x0] =	vst.idx.msk $0xffff, v4  }
0x1f7: {  	v0 =	vor.u32 v3, v17;
	v4 =	vadd.s32 s28, v20;
	[tilespmem:v2+s17+$0x0] =	vst.idx.msk $0xffff, v10;
	v6 =	vld.idx.msk [tilespmem:v6+s3+$0x0], $0xffff  }
0x1f8: {  	[tilespmem:v8+s17+$0x0] =	vst.idx.msk $0xffff, v16;
	v8 =	vadd.s32 s26, v20;
	v2 =	vand.u32 $0x1FFF8, v4;
	v4 =	vadd.s32 s29, v20;
	v20 =	vld [tilespmem:$0x1FCE0]  }
0x1f9: {  	v63 =	vadd.s32 $0x1, v59;
	v10 =	vld.idx.msk [tilespmem:v14+s3+$0x0], $0xffff;
	v2 =	vor.u32 v3, v2;
	v4 =	vand.u32 $0x1FFF8, v4  }
0x1fa: {  	v16 =	vld.idx.msk [tilespmem:v18+s3+$0x0], $0xffff;
	v4 =	vor.u32 v3, v4;
	_ =	sdelay $0x1  }
0x1fb: {  	v17 =	vadd.s32 $0x2, v62;
	[tilespmem:v12+s17+$0x0] =	vst.idx.msk $0xffff, v19;
	v14 =	vadd.s32 $0x2, v61  }
0x1fc: {  	v8 =	vand.u32 $0x1FFF8, v8;
	v18 =	vadd.s32 $0x2, v60;
	[tilespmem:v0+s17+$0x0] =	vst.idx.msk $0xffff, v6;
	v6 =	vadd.s32 s28, v20  }
0x1fd: {  	v19 =	vld.idx.msk [tilespmem:v63+s3+$0x0], $0xffff;
	v8 =	vor.u32 v3, v8;
	[tilespmem:v2+s17+$0x0] =	vst.idx.msk $0xffff, v10;
	v2 =	vand.u32 $0x1FFF8, v6;
	v6 =	vadd.s32 s29, v20  }
0x1fe: {  	v12 =	vadd.s32 s24, v20;
	[tilespmem:v4+s17+$0x0] =	vst.idx.msk $0xffff, v16;
	v4 =	vand.u32 $0x1FFF8, v6;
	v6 =	vadd.s32 s26, v20;
	v20 =	vld [tilespmem:$0x1FCF0]  }
0x1ff: {  	v12 =	vand.u32 $0x1FFF8, v12  }
0x200: {  	v0 =	vor.u32 v5, v12;
	v12 =	vld.idx.msk [tilespmem:v17+s3+$0x0], $0xffff  }
0x201: {  	v63 =	vadd.s32 $0x2, v59;
	v10 =	vld.idx.msk [tilespmem:v14+s3+$0x0], $0xffff;
	v2 =	vor.u32 v5, v2  }
0x202: {  	v16 =	vld.idx.msk [tilespmem:v18+s3+$0x0], $0xffff;
	v4 =	vor.u32 v5, v4  }
0x203: {  	[tilespmem:v8+s17+$0x0] =	vst.idx.msk $0xffff, v19;
	v8 =	vadd.s32 s24, v20  }
0x204: {  	v17 =	vadd.s32 $0x3, v62;
	v14 =	vadd.s32 $0x3, v61;
	v8 =	vand.u32 $0x1FFF8, v8  }
0x205: {  	v6 =	vand.u32 $0x1FFF8, v6;
	[tilespmem:v0+s17+$0x0] =	vst.idx.msk $0xffff, v12;
	v0 =	vor.u32 v7, v8;
	v8 =	vadd.s32 s28, v20  }
0x206: {  	v19 =	vld.idx.msk [tilespmem:v63+s3+$0x0], $0xffff;
	v18 =	vadd.s32 $0x3, v60;
	[tilespmem:v2+s17+$0x0] =	vst.idx.msk $0xffff, v10;
	v2 =	vand.u32 $0x1FFF8, v8;
	v8 =	vadd.s32 s29, v20  }
0x207: {  	v6 =	vor.u32 v5, v6;
	[tilespmem:v4+s17+$0x0] =	vst.idx.msk $0xffff, v16;
	v4 =	vand.u32 $0x1FFF8, v8;
	v8 =	vadd.s32 s26, v20;
	v20 =	vld [tilespmem:$0x1FD00];
	_ =	sdelay $0x1  }
0x208: {  	v12 =	vld.idx.msk [tilespmem:v17+s3+$0x0], $0xffff  }
0x209: {  	v63 =	vadd.s32 $0x3, v59;
	v10 =	vld.idx.msk [tilespmem:v14+s3+$0x0], $0xffff;
	v2 =	vor.u32 v7, v2  }
0x20a: {  	v16 =	vld.idx.msk [tilespmem:v18+s3+$0x0], $0xffff;
	v4 =	vor.u32 v7, v4  }
0x20b: {  	[tilespmem:v6+s17+$0x0] =	vst.idx.msk $0xffff, v19;
	v6 =	vand.u32 $0x1FFF8, v8;
	v8 =	vadd.s32 s24, v20  }
0x20c: {  	v17 =	vadd.s32 $0x4, v62;
	v8 =	vand.u32 $0x1FFF8, v8  }
0x20d: {  	v14 =	vadd.s32 $0x4, v61;
	[tilespmem:v0+s17+$0x0] =	vst.idx.msk $0xffff, v12;
	v0 =	vor.u32 v9, v8;
	v8 =	vadd.s32 s28, v20  }
0x20e: {  	v18 =	vadd.s32 $0x4, v60;
	v19 =	vld.idx.msk [tilespmem:v63+s3+$0x0], $0xffff;
	[tilespmem:v2+s17+$0x0] =	vst.idx.msk $0xffff, v10;
	v2 =	vand.u32 $0x1FFF8, v8;
	v8 =	vadd.s32 s29, v20  }
0x20f: {  	v6 =	vor.u32 v7, v6;
	[tilespmem:v4+s17+$0x0] =	vst.idx.msk $0xffff, v16;
	v4 =	vand.u32 $0x1FFF8, v8;
	v8 =	vadd.s32 s26, v20;
	v20 =	vld [tilespmem:$0x1FD10];
	_ =	sdelay $0x1  }
0x210: {  	v12 =	vld.idx.msk [tilespmem:v17+s3+$0x0], $0xffff  }
0x211: {  	v63 =	vadd.s32 $0x4, v59;
	v10 =	vld.idx.msk [tilespmem:v14+s3+$0x0], $0xffff;
	v2 =	vor.u32 v9, v2  }
0x212: {  	v16 =	vld.idx.msk [tilespmem:v18+s3+$0x0], $0xffff;
	v4 =	vor.u32 v9, v4  }
0x213: {  	[tilespmem:v6+s17+$0x0] =	vst.idx.msk $0xffff, v19;
	v6 =	vand.u32 $0x1FFF8, v8;
	v8 =	vadd.s32 s24, v20  }
0x214: {  	v17 =	vadd.s32 $0x5, v62;
	v8 =	vand.u32 $0x1FFF8, v8  }
0x215: {  	v14 =	vadd.s32 $0x5, v61;
	[tilespmem:v0+s17+$0x0] =	vst.idx.msk $0xffff, v12;
	v0 =	vor.u32 v11, v8;
	v8 =	vadd.s32 s28, v20  }
0x216: {  	v18 =	vadd.s32 $0x5, v60;
	v19 =	vld.idx.msk [tilespmem:v63+s3+$0x0], $0xffff;
	[tilespmem:v2+s17+$0x0] =	vst.idx.msk $0xffff, v10;
	v2 =	vand.u32 $0x1FFF8, v8;
	v8 =	vadd.s32 s29, v20  }
0x217: {  	v6 =	vor.u32 v9, v6;
	[tilespmem:v4+s17+$0x0] =	vst.idx.msk $0xffff, v16;
	v4 =	vand.u32 $0x1FFF8, v8;
	v8 =	vadd.s32 s26, v20;
	v20 =	vld [tilespmem:$0x1FD20];
	_ =	sdelay $0x1  }
0x218: {  	v12 =	vld.idx.msk [tilespmem:v17+s3+$0x0], $0xffff  }
0x219: {  	v63 =	vadd.s32 $0x5, v59;
	v10 =	vld.idx.msk [tilespmem:v14+s3+$0x0], $0xffff;
	v2 =	vor.u32 v11, v2  }
0x21a: {  	v16 =	vld.idx.msk [tilespmem:v18+s3+$0x0], $0xffff;
	v4 =	vor.u32 v11, v4  }
0x21b: {  	[tilespmem:v6+s17+$0x0] =	vst.idx.msk $0xffff, v19;
	v6 =	vand.u32 $0x1FFF8, v8;
	v8 =	vadd.s32 s24, v20  }
0x21c: {  	v17 =	vadd.s32 $0x6, v62;
	v8 =	vand.u32 $0x1FFF8, v8  }
0x21d: {  	v14 =	vadd.s32 $0x6, v61;
	[tilespmem:v0+s17+$0x0] =	vst.idx.msk $0xffff, v12;
	v0 =	vor.u32 v13, v8;
	v8 =	vadd.s32 s28, v20  }
0x21e: {  	v18 =	vadd.s32 $0x6, v60;
	v19 =	vld.idx.msk [tilespmem:v63+s3+$0x0], $0xffff;
	[tilespmem:v2+s17+$0x0] =	vst.idx.msk $0xffff, v10;
	v2 =	vand.u32 $0x1FFF8, v8;
	v8 =	vadd.s32 s29, v20  }
0x21f: {  	v6 =	vor.u32 v11, v6;
	[tilespmem:v4+s17+$0x0] =	vst.idx.msk $0xffff, v16;
	v4 =	vand.u32 $0x1FFF8, v8;
	v8 =	vadd.s32 s26, v20;
	v20 =	vld [tilespmem:$0x1FD30];
	_ =	sdelay $0x1  }
0x220: {  	v12 =	vld.idx.msk [tilespmem:v17+s3+$0x0], $0xffff  }
0x221: {  	v63 =	vadd.s32 $0x6, v59;
	v10 =	vld.idx.msk [tilespmem:v14+s3+$0x0], $0xffff;
	v2 =	vor.u32 v13, v2  }
0x222: {  	v16 =	vld.idx.msk [tilespmem:v18+s3+$0x0], $0xffff;
	v4 =	vor.u32 v13, v4  }
0x223: {  	[tilespmem:v6+s17+$0x0] =	vst.idx.msk $0xffff, v19;
	v6 =	vand.u32 $0x1FFF8, v8;
	v8 =	vadd.s32 s24, v20  }
0x224: {  	v17 =	vadd.s32 $0x7, v62;
	v8 =	vand.u32 $0x1FFF8, v8  }
0x225: {  	v14 =	vadd.s32 $0x7, v61;
	[tilespmem:v0+s17+$0x0] =	vst.idx.msk $0xffff, v12;
	v0 =	vor.u32 v15, v8;
	v8 =	vadd.s32 s28, v20  }
0x226: {  	v18 =	vadd.s32 $0x7, v60;
	v19 =	vld.idx.msk [tilespmem:v63+s3+$0x0], $0xffff;
	[tilespmem:v2+s17+$0x0] =	vst.idx.msk $0xffff, v10;
	v2 =	vand.u32 $0x1FFF8, v8;
	v8 =	vadd.s32 s29, v20  }
0x227: {  	v6 =	vor.u32 v13, v6;
	[tilespmem:v4+s17+$0x0] =	vst.idx.msk $0xffff, v16;
	v4 =	vand.u32 $0x1FFF8, v8;
	v8 =	vadd.s32 s26, v20;
	v20 =	vld [tilespmem:$0x1FD40];
	_ =	sdelay $0x1  }
0x228: {  	v12 =	vld.idx.msk [tilespmem:v17+s3+$0x0], $0xffff  }
0x229: {  	v63 =	vadd.s32 $0x7, v59;
	v10 =	vld.idx.msk [tilespmem:v14+s3+$0x0], $0xffff;
	v2 =	vor.u32 v15, v2  }
0x22a: {  	v16 =	vld.idx.msk [tilespmem:v18+s3+$0x0], $0xffff;
	v4 =	vor.u32 v15, v4  }
0x22b: {  	[tilespmem:v6+s17+$0x0] =	vst.idx.msk $0xffff, v19;
	v6 =	vand.u32 $0x1FFF8, v8;
	v8 =	vadd.s32 s24, v20  }
0x22c: {  	v17 =	vadd.s32 $0x8, v62;
	v8 =	vand.u32 $0x1FFF8, v8  }
0x22d: {  	v14 =	vadd.s32 $0x8, v61;
	[tilespmem:v0+s17+$0x0] =	vst.idx.msk $0xffff, v12;
	v0 =	vor.u32 v1, v8;
	v8 =	vadd.s32 s28, v20  }
0x22e: {  	v18 =	vadd.s32 $0x8, v60;
	v19 =	vld.idx.msk [tilespmem:v63+s3+$0x0], $0xffff;
	[tilespmem:v2+s17+$0x0] =	vst.idx.msk $0xffff, v10;
	v2 =	vand.u32 $0x1FFF8, v8;
	v8 =	vadd.s32 s29, v20  }
0x22f: {  	v6 =	vor.u32 v15, v6;
	[tilespmem:v4+s17+$0x0] =	vst.idx.msk $0xffff, v16;
	v4 =	vand.u32 $0x1FFF8, v8;
	v8 =	vadd.s32 s26, v20;
	v20 =	vld [tilespmem:$0x1FD50];
	_ =	sdelay $0x1  }
0x230: {  	v12 =	vld.idx.msk [tilespmem:v17+s3+$0x0], $0xffff  }
0x231: {  	v63 =	vadd.s32 $0x8, v59;
	v10 =	vld.idx.msk [tilespmem:v14+s3+$0x0], $0xffff;
	v2 =	vor.u32 v1, v2  }
0x232: {  	v16 =	vld.idx.msk [tilespmem:v18+s3+$0x0], $0xffff;
	v4 =	vor.u32 v1, v4  }
0x233: {  	[tilespmem:v6+s17+$0x0] =	vst.idx.msk $0xffff, v19;
	v6 =	vand.u32 $0x1FFF8, v8;
	v8 =	vadd.s32 s24, v20  }
0x234: {  	v17 =	vadd.s32 $0x9, v62;
	v8 =	vand.u32 $0x1FFF8, v8  }
0x235: {  	v14 =	vadd.s32 $0x9, v61;
	[tilespmem:v0+s17+$0x0] =	vst.idx.msk $0xffff, v12;
	v0 =	vor.u32 v3, v8;
	v8 =	vadd.s32 s28, v20  }
0x236: {  	v18 =	vadd.s32 $0x9, v60;
	v19 =	vld.idx.msk [tilespmem:v63+s3+$0x0], $0xffff;
	[tilespmem:v2+s17+$0x0] =	vst.idx.msk $0xffff, v10;
	v2 =	vand.u32 $0x1FFF8, v8;
	v8 =	vadd.s32 s29, v20  }
0x237: {  	v6 =	vor.u32 v1, v6;
	[tilespmem:v4+s17+$0x0] =	vst.idx.msk $0xffff, v16;
	v4 =	vand.u32 $0x1FFF8, v8;
	v8 =	vadd.s32 s26, v20;
	v20 =	vld [tilespmem:$0x1FD60];
	_ =	sdelay $0x1  }
0x238: {  	v12 =	vld.idx.msk [tilespmem:v17+s3+$0x0], $0xffff  }
0x239: {  	v63 =	vadd.s32 $0x9, v59;
	v10 =	vld.idx.msk [tilespmem:v14+s3+$0x0], $0xffff;
	v2 =	vor.u32 v3, v2  }
0x23a: {  	v16 =	vld.idx.msk [tilespmem:v18+s3+$0x0], $0xffff;
	v4 =	vor.u32 v3, v4  }
0x23b: {  	[tilespmem:v6+s17+$0x0] =	vst.idx.msk $0xffff, v19;
	v6 =	vand.u32 $0x1FFF8, v8;
	v8 =	vadd.s32 s24, v20  }
0x23c: {  	v17 =	vadd.s32 $0xA, v62;
	v8 =	vand.u32 $0x1FFF8, v8  }
0x23d: {  	v14 =	vadd.s32 $0xA, v61;
	[tilespmem:v0+s17+$0x0] =	vst.idx.msk $0xffff, v12;
	v0 =	vor.u32 v5, v8;
	v8 =	vadd.s32 s28, v20  }
0x23e: {  	v18 =	vadd.s32 $0xA, v60;
	v19 =	vld.idx.msk [tilespmem:v63+s3+$0x0], $0xffff;
	[tilespmem:v2+s17+$0x0] =	vst.idx.msk $0xffff, v10;
	v2 =	vand.u32 $0x1FFF8, v8;
	v8 =	vadd.s32 s29, v20  }
0x23f: {  	v6 =	vor.u32 v3, v6;
	[tilespmem:v4+s17+$0x0] =	vst.idx.msk $0xffff, v16;
	v4 =	vand.u32 $0x1FFF8, v8;
	v8 =	vadd.s32 s26, v20;
	v20 =	vld [tilespmem:$0x1FD70]  }
0x240: {  	v63 =	vadd.s32 $0xA, v59  }
0x241: {  	v12 =	vld.idx.msk [tilespmem:v17+s3+$0x0], $0xffff  }
0x242: {  	v17 =	vadd.s32 $0xB, v62;
	v10 =	vld.idx.msk [tilespmem:v14+s3+$0x0], $0xffff;
	v2 =	vor.u32 v5, v2  }
0x243: {  	v14 =	vadd.s32 $0xB, v61;
	v16 =	vld.idx.msk [tilespmem:v18+s3+$0x0], $0xffff;
	v4 =	vor.u32 v5, v4  }
0x244: {  	[tilespmem:v6+s17+$0x0] =	vst.idx.msk $0xffff, v19;
	v18 =	vadd.s32 $0xB, v60;
	v6 =	vand.u32 $0x1FFF8, v8;
	v8 =	vadd.s32 s24, v20  }
0x245: {  	v19 =	vld.idx.msk [tilespmem:v63+s3+$0x0], $0xffff;
	v6 =	vor.u32 v5, v6;
	v8 =	vand.u32 $0x1FFF8, v8  }
0x246: {  	v63 =	vadd.s32 $0xB, v59;
	[tilespmem:v0+s17+$0x0] =	vst.idx.msk $0xffff, v12;
	v0 =	vor.u32 v7, v8;
	v8 =	vadd.s32 s28, v20  }
0x247: {  	v12 =	vld.idx.msk [tilespmem:v17+s3+$0x0], $0xffff;
	[tilespmem:v2+s17+$0x0] =	vst.idx.msk $0xffff, v10;
	v2 =	vand.u32 $0x1FFF8, v8;
	v8 =	vadd.s32 s29, v20  }
0x248: {  	v17 =	vadd.s32 $0xC, v62;
	v10 =	vld.idx.msk [tilespmem:v14+s3+$0x0], $0xffff;
	[tilespmem:v4+s17+$0x0] =	vst.idx.msk $0xffff, v16;
	v2 =	vor.u32 v7, v2;
	v4 =	vand.u32 $0x1FFF8, v8  }
0x249: {  	v14 =	vadd.s32 $0xC, v61;
	v16 =	vld.idx.msk [tilespmem:v18+s3+$0x0], $0xffff;
	v8 =	vadd.s32 s26, v20;
	v4 =	vor.u32 v7, v4  }
0x24a: {  	[tilespmem:v6+s17+$0x0] =	vst.idx.msk $0xffff, v19;
	v18 =	vadd.s32 $0xC, v60;
	v6 =	vand.u32 $0x1FFF8, v8;
	v8 =	vadd.s32 s24, v31  }
0x24b: {  	v19 =	vld.idx.msk [tilespmem:v63+s3+$0x0], $0xffff;
	v6 =	vor.u32 v7, v6;
	v8 =	vand.u32 $0x1FFF8, v8  }
0x24c: {  	v63 =	vadd.s32 $0xC, v59;
	[tilespmem:v0+s17+$0x0] =	vst.idx.msk $0xffff, v12;
	v0 =	vor.u32 v9, v8;
	v8 =	vadd.s32 s28, v31  }
0x24d: {  	v12 =	vld.idx.msk [tilespmem:v17+s3+$0x0], $0xffff;
	[tilespmem:v2+s17+$0x0] =	vst.idx.msk $0xffff, v10;
	v2 =	vand.u32 $0x1FFF8, v8;
	v8 =	vadd.s32 s29, v31  }
0x24e: {  	v17 =	vadd.s32 $0xD, v62;
	v10 =	vld.idx.msk [tilespmem:v14+s3+$0x0], $0xffff;
	v2 =	vor.u32 v9, v2;
	[tilespmem:v4+s17+$0x0] =	vst.idx.msk $0xffff, v16;
	v4 =	vand.u32 $0x1FFF8, v8  }
0x24f: {  	v8 =	vadd.s32 s26, v31;
	v14 =	vadd.s32 $0xD, v61;
	v16 =	vld.idx.msk [tilespmem:v18+s3+$0x0], $0xffff;
	v4 =	vor.u32 v9, v4  }
0x250: {  	[tilespmem:v6+s17+$0x0] =	vst.idx.msk $0xffff, v19;
	v6 =	vand.u32 $0x1FFF8, v8;
	v8 =	vadd.s32 s24, v32;
	v18 =	vadd.s32 $0xD, v60  }
0x251: {  	v19 =	vld.idx.msk [tilespmem:v63+s3+$0x0], $0xffff;
	v6 =	vor.u32 v9, v6;
	v8 =	vand.u32 $0x1FFF8, v8  }
0x252: {  	v63 =	vadd.s32 $0xD, v59;
	[tilespmem:v0+s17+$0x0] =	vst.idx.msk $0xffff, v12;
	v0 =	vor.u32 v11, v8;
	v8 =	vadd.s32 s28, v32  }
0x253: {  	v12 =	vld.idx.msk [tilespmem:v17+s3+$0x0], $0xffff;
	[tilespmem:v2+s17+$0x0] =	vst.idx.msk $0xffff, v10;
	v2 =	vand.u32 $0x1FFF8, v8;
	v8 =	vadd.s32 s29, v32  }
0x254: {  	v17 =	vadd.s32 $0xE, v62;
	v10 =	vld.idx.msk [tilespmem:v14+s3+$0x0], $0xffff;
	v2 =	vor.u32 v11, v2;
	[tilespmem:v4+s17+$0x0] =	vst.idx.msk $0xffff, v16;
	v4 =	vand.u32 $0x1FFF8, v8  }
0x255: {  	v8 =	vadd.s32 s26, v32;
	v14 =	vadd.s32 $0xE, v61;
	v16 =	vld.idx.msk [tilespmem:v18+s3+$0x0], $0xffff;
	v4 =	vor.u32 v11, v4  }
0x256: {  	[tilespmem:v6+s17+$0x0] =	vst.idx.msk $0xffff, v19;
	v6 =	vand.u32 $0x1FFF8, v8;
	v8 =	vadd.s32 s24, v33;
	v18 =	vadd.s32 $0xE, v60  }
0x257: {  	v19 =	vld.idx.msk [tilespmem:v63+s3+$0x0], $0xffff;
	v6 =	vor.u32 v11, v6;
	v8 =	vand.u32 $0x1FFF8, v8  }
0x258: {  	v63 =	vadd.s32 $0xE, v59;
	[tilespmem:v0+s17+$0x0] =	vst.idx.msk $0xffff, v12;
	v0 =	vor.u32 v13, v8;
	v8 =	vadd.s32 s28, v33  }
0x259: {  	v12 =	vld.idx.msk [tilespmem:v17+s3+$0x0], $0xffff;
	[tilespmem:v2+s17+$0x0] =	vst.idx.msk $0xffff, v10;
	v2 =	vand.u32 $0x1FFF8, v8;
	v8 =	vadd.s32 s29, v33  }
0x25a: {  	v17 =	vadd.s32 $0xF, v62;
	v10 =	vld.idx.msk [tilespmem:v14+s3+$0x0], $0xffff;
	v2 =	vor.u32 v13, v2;
	[tilespmem:v4+s17+$0x0] =	vst.idx.msk $0xffff, v16;
	v4 =	vand.u32 $0x1FFF8, v8  }
0x25b: {  	v8 =	vadd.s32 s26, v33;
	v14 =	vadd.s32 $0xF, v61;
	v16 =	vld.idx.msk [tilespmem:v18+s3+$0x0], $0xffff;
	v4 =	vor.u32 v13, v4  }
0x25c: {  	[tilespmem:v6+s17+$0x0] =	vst.idx.msk $0xffff, v19;
	v6 =	vand.u32 $0x1FFF8, v8;
	v8 =	vadd.s32 s24, v34;
	v18 =	vadd.s32 $0xF, v60  }
0x25d: {  	v19 =	vld.idx.msk [tilespmem:v63+s3+$0x0], $0xffff;
	v6 =	vor.u32 v13, v6;
	v8 =	vand.u32 $0x1FFF8, v8  }
0x25e: {  	v63 =	vadd.s32 $0xF, v59;
	[tilespmem:v0+s17+$0x0] =	vst.idx.msk $0xffff, v12;
	v0 =	vor.u32 v15, v8;
	v8 =	vadd.s32 s28, v34  }
0x25f: {  	v12 =	vld.idx.msk [tilespmem:v17+s3+$0x0], $0xffff;
	[tilespmem:v2+s17+$0x0] =	vst.idx.msk $0xffff, v10;
	v2 =	vand.u32 $0x1FFF8, v8;
	v8 =	vadd.s32 s29, v34  }
0x260: {  	v17 =	vadd.s32 $0x10, v62;
	v10 =	vld.idx.msk [tilespmem:v14+s3+$0x0], $0xffff;
	v2 =	vor.u32 v15, v2;
	[tilespmem:v4+s17+$0x0] =	vst.idx.msk $0xffff, v16;
	v4 =	vand.u32 $0x1FFF8, v8  }
0x261: {  	v8 =	vadd.s32 s26, v34;
	v14 =	vadd.s32 $0x10, v61;
	v16 =	vld.idx.msk [tilespmem:v18+s3+$0x0], $0xffff;
	v4 =	vor.u32 v15, v4  }
0x262: {  	[tilespmem:v6+s17+$0x0] =	vst.idx.msk $0xffff, v19;
	v6 =	vand.u32 $0x1FFF8, v8;
	v8 =	vadd.s32 s24, v35;
	v18 =	vadd.s32 $0x10, v60  }
0x263: {  	v19 =	vld.idx.msk [tilespmem:v63+s3+$0x0], $0xffff;
	v6 =	vor.u32 v15, v6;
	v8 =	vand.u32 $0x1FFF8, v8  }
0x264: {  	v63 =	vadd.s32 $0x10, v59;
	[tilespmem:v0+s17+$0x0] =	vst.idx.msk $0xffff, v12;
	v0 =	vor.u32 v1, v8;
	v8 =	vadd.s32 s28, v35  }
0x265: {  	v12 =	vld.idx.msk [tilespmem:v17+s3+$0x0], $0xffff;
	[tilespmem:v2+s17+$0x0] =	vst.idx.msk $0xffff, v10;
	v2 =	vand.u32 $0x1FFF8, v8;
	v8 =	vadd.s32 s29, v35  }
0x266: {  	v17 =	vadd.s32 $0x11, v62;
	v10 =	vld.idx.msk [tilespmem:v14+s3+$0x0], $0xffff;
	v2 =	vor.u32 v1, v2;
	[tilespmem:v4+s17+$0x0] =	vst.idx.msk $0xffff, v16;
	v4 =	vand.u32 $0x1FFF8, v8  }
0x267: {  	v8 =	vadd.s32 s26, v35;
	v14 =	vadd.s32 $0x11, v61;
	v16 =	vld.idx.msk [tilespmem:v18+s3+$0x0], $0xffff;
	v4 =	vor.u32 v1, v4  }
0x268: {  	[tilespmem:v6+s17+$0x0] =	vst.idx.msk $0xffff, v19;
	v6 =	vand.u32 $0x1FFF8, v8;
	v8 =	vadd.s32 s24, v36;
	v18 =	vadd.s32 $0x11, v60  }
0x269: {  	v19 =	vld.idx.msk [tilespmem:v63+s3+$0x0], $0xffff;
	v6 =	vor.u32 v1, v6;
	v8 =	vand.u32 $0x1FFF8, v8  }
0x26a: {  	v63 =	vadd.s32 $0x11, v59;
	[tilespmem:v0+s17+$0x0] =	vst.idx.msk $0xffff, v12;
	v0 =	vor.u32 v3, v8;
	v8 =	vadd.s32 s28, v36  }
0x26b: {  	v12 =	vld.idx.msk [tilespmem:v17+s3+$0x0], $0xffff;
	[tilespmem:v2+s17+$0x0] =	vst.idx.msk $0xffff, v10;
	v2 =	vand.u32 $0x1FFF8, v8;
	v8 =	vadd.s32 s29, v36  }
0x26c: {  	v17 =	vadd.s32 $0x12, v62;
	v10 =	vld.idx.msk [tilespmem:v14+s3+$0x0], $0xffff;
	v2 =	vor.u32 v3, v2;
	[tilespmem:v4+s17+$0x0] =	vst.idx.msk $0xffff, v16;
	v4 =	vand.u32 $0x1FFF8, v8  }
0x26d: {  	v8 =	vadd.s32 s26, v36;
	v14 =	vadd.s32 $0x12, v61;
	v16 =	vld.idx.msk [tilespmem:v18+s3+$0x0], $0xffff;
	v4 =	vor.u32 v3, v4  }
0x26e: {  	[tilespmem:v6+s17+$0x0] =	vst.idx.msk $0xffff, v19;
	v6 =	vand.u32 $0x1FFF8, v8;
	v8 =	vadd.s32 s24, v37;
	v18 =	vadd.s32 $0x12, v60  }
0x26f: {  	v19 =	vld.idx.msk [tilespmem:v63+s3+$0x0], $0xffff;
	v6 =	vor.u32 v3, v6;
	v8 =	vand.u32 $0x1FFF8, v8  }
0x270: {  	v63 =	vadd.s32 $0x12, v59;
	[tilespmem:v0+s17+$0x0] =	vst.idx.msk $0xffff, v12;
	v0 =	vor.u32 v5, v8;
	v8 =	vadd.s32 s28, v37  }
0x271: {  	v12 =	vld.idx.msk [tilespmem:v17+s3+$0x0], $0xffff;
	[tilespmem:v2+s17+$0x0] =	vst.idx.msk $0xffff, v10;
	v2 =	vand.u32 $0x1FFF8, v8;
	v8 =	vadd.s32 s29, v37  }
0x272: {  	v17 =	vadd.s32 $0x13, v62;
	v10 =	vld.idx.msk [tilespmem:v14+s3+$0x0], $0xffff;
	v2 =	vor.u32 v5, v2;
	[tilespmem:v4+s17+$0x0] =	vst.idx.msk $0xffff, v16;
	v4 =	vand.u32 $0x1FFF8, v8  }
0x273: {  	v8 =	vadd.s32 s26, v37;
	v14 =	vadd.s32 $0x13, v61;
	v16 =	vld.idx.msk [tilespmem:v18+s3+$0x0], $0xffff;
	v4 =	vor.u32 v5, v4  }
0x274: {  	[tilespmem:v6+s17+$0x0] =	vst.idx.msk $0xffff, v19;
	v6 =	vand.u32 $0x1FFF8, v8;
	v8 =	vadd.s32 s24, v38;
	v18 =	vadd.s32 $0x13, v60  }
0x275: {  	v19 =	vld.idx.msk [tilespmem:v63+s3+$0x0], $0xffff;
	v6 =	vor.u32 v5, v6;
	v8 =	vand.u32 $0x1FFF8, v8  }
0x276: {  	v63 =	vadd.s32 $0x13, v59;
	[tilespmem:v0+s17+$0x0] =	vst.idx.msk $0xffff, v12;
	v0 =	vor.u32 v7, v8;
	v8 =	vadd.s32 s28, v38  }
0x277: {  	v12 =	vld.idx.msk [tilespmem:v17+s3+$0x0], $0xffff;
	[tilespmem:v2+s17+$0x0] =	vst.idx.msk $0xffff, v10;
	v2 =	vand.u32 $0x1FFF8, v8;
	v8 =	vadd.s32 s29, v38  }
0x278: {  	v17 =	vadd.s32 $0x14, v62;
	v10 =	vld.idx.msk [tilespmem:v14+s3+$0x0], $0xffff;
	v2 =	vor.u32 v7, v2;
	[tilespmem:v4+s17+$0x0] =	vst.idx.msk $0xffff, v16;
	v4 =	vand.u32 $0x1FFF8, v8  }
0x279: {  	v8 =	vadd.s32 s26, v38;
	v14 =	vadd.s32 $0x14, v61;
	v16 =	vld.idx.msk [tilespmem:v18+s3+$0x0], $0xffff;
	v4 =	vor.u32 v7, v4  }
0x27a: {  	[tilespmem:v6+s17+$0x0] =	vst.idx.msk $0xffff, v19;
	v6 =	vand.u32 $0x1FFF8, v8;
	v8 =	vadd.s32 s24, v39;
	v18 =	vadd.s32 $0x14, v60  }
0x27b: {  	v19 =	vld.idx.msk [tilespmem:v63+s3+$0x0], $0xffff;
	v6 =	vor.u32 v7, v6;
	v8 =	vand.u32 $0x1FFF8, v8  }
0x27c: {  	v63 =	vadd.s32 $0x14, v59;
	[tilespmem:v0+s17+$0x0] =	vst.idx.msk $0xffff, v12;
	v0 =	vor.u32 v9, v8;
	v8 =	vadd.s32 s28, v39  }
0x27d: {  	v12 =	vld.idx.msk [tilespmem:v17+s3+$0x0], $0xffff;
	[tilespmem:v2+s17+$0x0] =	vst.idx.msk $0xffff, v10;
	v2 =	vand.u32 $0x1FFF8, v8;
	v8 =	vadd.s32 s29, v39  }
0x27e: {  	v17 =	vadd.s32 $0x15, v62;
	v10 =	vld.idx.msk [tilespmem:v14+s3+$0x0], $0xffff;
	v2 =	vor.u32 v9, v2;
	[tilespmem:v4+s17+$0x0] =	vst.idx.msk $0xffff, v16;
	v4 =	vand.u32 $0x1FFF8, v8  }
0x27f: {  	v8 =	vadd.s32 s26, v39;
	v14 =	vadd.s32 $0x15, v61;
	v16 =	vld.idx.msk [tilespmem:v18+s3+$0x0], $0xffff;
	v4 =	vor.u32 v9, v4  }
0x280: {  	[tilespmem:v6+s17+$0x0] =	vst.idx.msk $0xffff, v19;
	v6 =	vand.u32 $0x1FFF8, v8;
	v8 =	vadd.s32 s24, v40;
	v18 =	vadd.s32 $0x15, v60  }
0x281: {  	v19 =	vld.idx.msk [tilespmem:v63+s3+$0x0], $0xffff;
	v6 =	vor.u32 v9, v6;
	v8 =	vand.u32 $0x1FFF8, v8  }
0x282: {  	v63 =	vadd.s32 $0x15, v59;
	[tilespmem:v0+s17+$0x0] =	vst.idx.msk $0xffff, v12;
	v0 =	vor.u32 v11, v8;
	v8 =	vadd.s32 s28, v40  }
0x283: {  	v12 =	vld.idx.msk [tilespmem:v17+s3+$0x0], $0xffff;
	[tilespmem:v2+s17+$0x0] =	vst.idx.msk $0xffff, v10;
	v2 =	vand.u32 $0x1FFF8, v8;
	v8 =	vadd.s32 s29, v40  }
0x284: {  	v17 =	vadd.s32 $0x16, v62;
	v10 =	vld.idx.msk [tilespmem:v14+s3+$0x0], $0xffff;
	v2 =	vor.u32 v11, v2;
	[tilespmem:v4+s17+$0x0] =	vst.idx.msk $0xffff, v16;
	v4 =	vand.u32 $0x1FFF8, v8  }
0x285: {  	v8 =	vadd.s32 s26, v40;
	v14 =	vadd.s32 $0x16, v61;
	v16 =	vld.idx.msk [tilespmem:v18+s3+$0x0], $0xffff;
	v4 =	vor.u32 v11, v4  }
0x286: {  	[tilespmem:v6+s17+$0x0] =	vst.idx.msk $0xffff, v19;
	v6 =	vand.u32 $0x1FFF8, v8;
	v8 =	vadd.s32 s24, v41;
	v18 =	vadd.s32 $0x16, v60  }
0x287: {  	v19 =	vld.idx.msk [tilespmem:v63+s3+$0x0], $0xffff;
	v6 =	vor.u32 v11, v6;
	v8 =	vand.u32 $0x1FFF8, v8  }
0x288: {  	v63 =	vadd.s32 $0x16, v59;
	[tilespmem:v0+s17+$0x0] =	vst.idx.msk $0xffff, v12;
	v0 =	vor.u32 v13, v8;
	v8 =	vadd.s32 s28, v41  }
0x289: {  	v12 =	vld.idx.msk [tilespmem:v17+s3+$0x0], $0xffff;
	[tilespmem:v2+s17+$0x0] =	vst.idx.msk $0xffff, v10;
	v2 =	vand.u32 $0x1FFF8, v8;
	v8 =	vadd.s32 s29, v41  }
0x28a: {  	v17 =	vadd.s32 $0x17, v62;
	v10 =	vld.idx.msk [tilespmem:v14+s3+$0x0], $0xffff;
	v2 =	vor.u32 v13, v2;
	[tilespmem:v4+s17+$0x0] =	vst.idx.msk $0xffff, v16;
	v4 =	vand.u32 $0x1FFF8, v8  }
0x28b: {  	v8 =	vadd.s32 s26, v41;
	v14 =	vadd.s32 $0x17, v61;
	v16 =	vld.idx.msk [tilespmem:v18+s3+$0x0], $0xffff;
	v4 =	vor.u32 v13, v4  }
0x28c: {  	[tilespmem:v6+s17+$0x0] =	vst.idx.msk $0xffff, v19;
	v6 =	vand.u32 $0x1FFF8, v8;
	v8 =	vadd.s32 s24, v42;
	v18 =	vadd.s32 $0x17, v60  }
0x28d: {  	v19 =	vld.idx.msk [tilespmem:v63+s3+$0x0], $0xffff;
	v6 =	vor.u32 v13, v6;
	v8 =	vand.u32 $0x1FFF8, v8  }
0x28e: {  	v63 =	vadd.s32 $0x17, v59;
	[tilespmem:v0+s17+$0x0] =	vst.idx.msk $0xffff, v12;
	v0 =	vor.u32 v15, v8;
	v8 =	vadd.s32 s28, v42  }
0x28f: {  	v12 =	vld.idx.msk [tilespmem:v17+s3+$0x0], $0xffff;
	[tilespmem:v2+s17+$0x0] =	vst.idx.msk $0xffff, v10;
	v2 =	vand.u32 $0x1FFF8, v8;
	v8 =	vadd.s32 s29, v42  }
0x290: {  	v17 =	vadd.s32 $0x18, v62;
	v10 =	vld.idx.msk [tilespmem:v14+s3+$0x0], $0xffff;
	v2 =	vor.u32 v15, v2;
	[tilespmem:v4+s17+$0x0] =	vst.idx.msk $0xffff, v16;
	v4 =	vand.u32 $0x1FFF8, v8  }
0x291: {  	v8 =	vadd.s32 s26, v42;
	v14 =	vadd.s32 $0x18, v61;
	v16 =	vld.idx.msk [tilespmem:v18+s3+$0x0], $0xffff;
	v4 =	vor.u32 v15, v4  }
0x292: {  	[tilespmem:v6+s17+$0x0] =	vst.idx.msk $0xffff, v19;
	v6 =	vand.u32 $0x1FFF8, v8;
	v8 =	vadd.s32 s24, v43;
	v18 =	vadd.s32 $0x18, v60  }
0x293: {  	v19 =	vld.idx.msk [tilespmem:v63+s3+$0x0], $0xffff;
	v6 =	vor.u32 v15, v6;
	v8 =	vand.u32 $0x1FFF8, v8  }
0x294: {  	v63 =	vadd.s32 $0x18, v59;
	[tilespmem:v0+s17+$0x0] =	vst.idx.msk $0xffff, v12;
	v0 =	vor.u32 v1, v8;
	v8 =	vadd.s32 s28, v43  }
0x295: {  	v12 =	vld.idx.msk [tilespmem:v17+s3+$0x0], $0xffff;
	[tilespmem:v2+s17+$0x0] =	vst.idx.msk $0xffff, v10;
	v2 =	vand.u32 $0x1FFF8, v8;
	v8 =	vadd.s32 s29, v43  }
0x296: {  	v17 =	vadd.s32 $0x19, v62;
	v10 =	vld.idx.msk [tilespmem:v14+s3+$0x0], $0xffff;
	v2 =	vor.u32 v1, v2;
	[tilespmem:v4+s17+$0x0] =	vst.idx.msk $0xffff, v16;
	v4 =	vand.u32 $0x1FFF8, v8  }
0x297: {  	v8 =	vadd.s32 s26, v43;
	v14 =	vadd.s32 $0x19, v61;
	v16 =	vld.idx.msk [tilespmem:v18+s3+$0x0], $0xffff;
	v4 =	vor.u32 v1, v4  }
0x298: {  	[tilespmem:v6+s17+$0x0] =	vst.idx.msk $0xffff, v19;
	v6 =	vand.u32 $0x1FFF8, v8;
	v8 =	vadd.s32 s24, v44;
	v18 =	vadd.s32 $0x19, v60  }
0x299: {  	v19 =	vld.idx.msk [tilespmem:v63+s3+$0x0], $0xffff;
	v6 =	vor.u32 v1, v6;
	v8 =	vand.u32 $0x1FFF8, v8  }
0x29a: {  	v63 =	vadd.s32 $0x19, v59;
	[tilespmem:v0+s17+$0x0] =	vst.idx.msk $0xffff, v12;
	v0 =	vor.u32 v3, v8;
	v8 =	vadd.s32 s28, v44  }
0x29b: {  	v12 =	vld.idx.msk [tilespmem:v17+s3+$0x0], $0xffff;
	[tilespmem:v2+s17+$0x0] =	vst.idx.msk $0xffff, v10;
	v2 =	vand.u32 $0x1FFF8, v8;
	v8 =	vadd.s32 s29, v44  }
0x29c: {  	v17 =	vadd.s32 $0x1A, v62;
	v10 =	vld.idx.msk [tilespmem:v14+s3+$0x0], $0xffff;
	v2 =	vor.u32 v3, v2;
	[tilespmem:v4+s17+$0x0] =	vst.idx.msk $0xffff, v16;
	v4 =	vand.u32 $0x1FFF8, v8  }
0x29d: {  	v8 =	vadd.s32 s26, v44;
	v14 =	vadd.s32 $0x1A, v61;
	v16 =	vld.idx.msk [tilespmem:v18+s3+$0x0], $0xffff;
	v4 =	vor.u32 v3, v4  }
0x29e: {  	[tilespmem:v6+s17+$0x0] =	vst.idx.msk $0xffff, v19;
	v6 =	vand.u32 $0x1FFF8, v8;
	v8 =	vadd.s32 s24, v45;
	v18 =	vadd.s32 $0x1A, v60  }
0x29f: {  	v19 =	vld.idx.msk [tilespmem:v63+s3+$0x0], $0xffff;
	v6 =	vor.u32 v3, v6;
	v8 =	vand.u32 $0x1FFF8, v8  }
0x2a0: {  	v63 =	vadd.s32 $0x1A, v59;
	[tilespmem:v0+s17+$0x0] =	vst.idx.msk $0xffff, v12;
	v0 =	vor.u32 v5, v8;
	v8 =	vadd.s32 s28, v45  }
0x2a1: {  	v12 =	vld.idx.msk [tilespmem:v17+s3+$0x0], $0xffff;
	[tilespmem:v2+s17+$0x0] =	vst.idx.msk $0xffff, v10;
	v2 =	vand.u32 $0x1FFF8, v8;
	v8 =	vadd.s32 s29, v45  }
0x2a2: {  	v17 =	vadd.s32 $0x1B, v62;
	v10 =	vld.idx.msk [tilespmem:v14+s3+$0x0], $0xffff;
	v2 =	vor.u32 v5, v2;
	[tilespmem:v4+s17+$0x0] =	vst.idx.msk $0xffff, v16;
	v4 =	vand.u32 $0x1FFF8, v8  }
0x2a3: {  	v8 =	vadd.s32 s26, v45;
	v14 =	vadd.s32 $0x1B, v61;
	v16 =	vld.idx.msk [tilespmem:v18+s3+$0x0], $0xffff;
	v4 =	vor.u32 v5, v4  }
0x2a4: {  	[tilespmem:v6+s17+$0x0] =	vst.idx.msk $0xffff, v19;
	v6 =	vand.u32 $0x1FFF8, v8;
	v8 =	vadd.s32 s24, v46;
	v18 =	vadd.s32 $0x1B, v60  }
0x2a5: {  	v19 =	vld.idx.msk [tilespmem:v63+s3+$0x0], $0xffff;
	v6 =	vor.u32 v5, v6;
	v8 =	vand.u32 $0x1FFF8, v8  }
0x2a6: {  	v63 =	vadd.s32 $0x1B, v59;
	[tilespmem:v0+s17+$0x0] =	vst.idx.msk $0xffff, v12;
	v0 =	vor.u32 v7, v8;
	v8 =	vadd.s32 s28, v46  }
0x2a7: {  	v12 =	vld.idx.msk [tilespmem:v17+s3+$0x0], $0xffff;
	[tilespmem:v2+s17+$0x0] =	vst.idx.msk $0xffff, v10;
	v2 =	vand.u32 $0x1FFF8, v8;
	v8 =	vadd.s32 s29, v46  }
0x2a8: {  	v17 =	vadd.s32 $0x1C, v62;
	v10 =	vld.idx.msk [tilespmem:v14+s3+$0x0], $0xffff;
	v2 =	vor.u32 v7, v2;
	[tilespmem:v4+s17+$0x0] =	vst.idx.msk $0xffff, v16;
	v4 =	vand.u32 $0x1FFF8, v8  }
0x2a9: {  	v8 =	vadd.s32 s26, v46;
	v14 =	vadd.s32 $0x1C, v61;
	v16 =	vld.idx.msk [tilespmem:v18+s3+$0x0], $0xffff;
	v4 =	vor.u32 v7, v4  }
0x2aa: {  	[tilespmem:v6+s17+$0x0] =	vst.idx.msk $0xffff, v19;
	v6 =	vand.u32 $0x1FFF8, v8;
	v8 =	vadd.s32 s24, v47;
	v18 =	vadd.s32 $0x1C, v60  }
0x2ab: {  	v19 =	vld.idx.msk [tilespmem:v63+s3+$0x0], $0xffff;
	v6 =	vor.u32 v7, v6;
	v8 =	vand.u32 $0x1FFF8, v8  }
0x2ac: {  	v63 =	vadd.s32 $0x1C, v59;
	[tilespmem:v0+s17+$0x0] =	vst.idx.msk $0xffff, v12;
	v0 =	vor.u32 v9, v8;
	v8 =	vadd.s32 s28, v47  }
0x2ad: {  	v12 =	vld.idx.msk [tilespmem:v17+s3+$0x0], $0xffff;
	[tilespmem:v2+s17+$0x0] =	vst.idx.msk $0xffff, v10;
	v2 =	vand.u32 $0x1FFF8, v8;
	v8 =	vadd.s32 s29, v47  }
0x2ae: {  	v17 =	vadd.s32 $0x1D, v62;
	v10 =	vld.idx.msk [tilespmem:v14+s3+$0x0], $0xffff;
	v2 =	vor.u32 v9, v2;
	[tilespmem:v4+s17+$0x0] =	vst.idx.msk $0xffff, v16;
	v4 =	vand.u32 $0x1FFF8, v8  }
0x2af: {  	v8 =	vadd.s32 s26, v47;
	v14 =	vadd.s32 $0x1D, v61;
	v16 =	vld.idx.msk [tilespmem:v18+s3+$0x0], $0xffff;
	v4 =	vor.u32 v9, v4  }
0x2b0: {  	[tilespmem:v6+s17+$0x0] =	vst.idx.msk $0xffff, v19;
	v6 =	vand.u32 $0x1FFF8, v8;
	v8 =	vadd.s32 s24, v48;
	v18 =	vadd.s32 $0x1D, v60  }
0x2b1: {  	v19 =	vld.idx.msk [tilespmem:v63+s3+$0x0], $0xffff;
	v6 =	vor.u32 v9, v6;
	v8 =	vand.u32 $0x1FFF8, v8  }
0x2b2: {  	v63 =	vadd.s32 $0x1D, v59;
	[tilespmem:v0+s17+$0x0] =	vst.idx.msk $0xffff, v12;
	v0 =	vor.u32 v11, v8;
	v8 =	vadd.s32 s28, v48  }
0x2b3: {  	v12 =	vld.idx.msk [tilespmem:v17+s3+$0x0], $0xffff;
	[tilespmem:v2+s17+$0x0] =	vst.idx.msk $0xffff, v10;
	v2 =	vand.u32 $0x1FFF8, v8;
	v8 =	vadd.s32 s29, v48  }
0x2b4: {  	v17 =	vadd.s32 $0x1E, v62;
	v10 =	vld.idx.msk [tilespmem:v14+s3+$0x0], $0xffff;
	v2 =	vor.u32 v11, v2;
	[tilespmem:v4+s17+$0x0] =	vst.idx.msk $0xffff, v16;
	v4 =	vand.u32 $0x1FFF8, v8  }
0x2b5: {  	v8 =	vadd.s32 s26, v48;
	v14 =	vadd.s32 $0x1E, v61;
	v16 =	vld.idx.msk [tilespmem:v18+s3+$0x0], $0xffff;
	v4 =	vor.u32 v11, v4  }
0x2b6: {  	[tilespmem:v6+s17+$0x0] =	vst.idx.msk $0xffff, v19;
	v6 =	vand.u32 $0x1FFF8, v8;
	v8 =	vadd.s32 s24, v49;
	v18 =	vadd.s32 $0x1E, v60  }
0x2b7: {  	v19 =	vld.idx.msk [tilespmem:v63+s3+$0x0], $0xffff;
	v6 =	vor.u32 v11, v6;
	v8 =	vand.u32 $0x1FFF8, v8  }
0x2b8: {  	v63 =	vadd.s32 $0x1E, v59;
	[tilespmem:v0+s17+$0x0] =	vst.idx.msk $0xffff, v12;
	v0 =	vor.u32 v13, v8;
	v8 =	vadd.s32 s28, v49  }
0x2b9: {  	v12 =	vld.idx.msk [tilespmem:v17+s3+$0x0], $0xffff;
	[tilespmem:v2+s17+$0x0] =	vst.idx.msk $0xffff, v10;
	v2 =	vand.u32 $0x1FFF8, v8;
	v8 =	vadd.s32 s29, v49  }
0x2ba: {  	v17 =	vadd.s32 $0x1F, v62;
	v10 =	vld.idx.msk [tilespmem:v14+s3+$0x0], $0xffff;
	v2 =	vor.u32 v13, v2;
	[tilespmem:v4+s17+$0x0] =	vst.idx.msk $0xffff, v16;
	v4 =	vand.u32 $0x1FFF8, v8  }
0x2bb: {  	v8 =	vadd.s32 s26, v49;
	v14 =	vadd.s32 $0x1F, v61;
	v16 =	vld.idx.msk [tilespmem:v18+s3+$0x0], $0xffff;
	v4 =	vor.u32 v13, v4  }
0x2bc: {  	[tilespmem:v6+s17+$0x0] =	vst.idx.msk $0xffff, v19;
	v6 =	vand.u32 $0x1FFF8, v8;
	v8 =	vadd.s32 s24, v50;
	v18 =	vadd.s32 $0x1F, v60  }
0x2bd: {  	v19 =	vld.idx.msk [tilespmem:v63+s3+$0x0], $0xffff;
	v6 =	vor.u32 v13, v6;
	v8 =	vand.u32 $0x1FFF8, v8  }
0x2be: {  	v63 =	vadd.s32 $0x1F, v59;
	[tilespmem:v0+s17+$0x0] =	vst.idx.msk $0xffff, v12;
	v0 =	vor.u32 v15, v8;
	v8 =	vadd.s32 s28, v50  }
0x2bf: {  	v12 =	vld.idx.msk [tilespmem:v17+s3+$0x0], $0xffff;
	[tilespmem:v2+s17+$0x0] =	vst.idx.msk $0xffff, v10;
	v2 =	vand.u32 $0x1FFF8, v8;
	v8 =	vadd.s32 s29, v50  }
0x2c0: {  	v17 =	vadd.s32 $0x20, v62;
	v10 =	vld.idx.msk [tilespmem:v14+s3+$0x0], $0xffff;
	v2 =	vor.u32 v15, v2;
	[tilespmem:v4+s17+$0x0] =	vst.idx.msk $0xffff, v16;
	v4 =	vand.u32 $0x1FFF8, v8  }
0x2c1: {  	v8 =	vadd.s32 s26, v50;
	v14 =	vadd.s32 $0x20, v61;
	v16 =	vld.idx.msk [tilespmem:v18+s3+$0x0], $0xffff;
	v4 =	vor.u32 v15, v4  }
0x2c2: {  	[tilespmem:v6+s17+$0x0] =	vst.idx.msk $0xffff, v19;
	v6 =	vand.u32 $0x1FFF8, v8;
	v8 =	vadd.s32 s24, v51;
	v18 =	vadd.s32 $0x20, v60  }
0x2c3: {  	v19 =	vld.idx.msk [tilespmem:v63+s3+$0x0], $0xffff;
	v6 =	vor.u32 v15, v6;
	v8 =	vand.u32 $0x1FFF8, v8  }
0x2c4: {  	v63 =	vadd.s32 $0x20, v59;
	[tilespmem:v0+s17+$0x0] =	vst.idx.msk $0xffff, v12;
	v0 =	vor.u32 v1, v8;
	v8 =	vadd.s32 s28, v51  }
0x2c5: {  	v12 =	vld.idx.msk [tilespmem:v17+s3+$0x0], $0xffff;
	[tilespmem:v2+s17+$0x0] =	vst.idx.msk $0xffff, v10;
	v2 =	vand.u32 $0x1FFF8, v8;
	v8 =	vadd.s32 s29, v51  }
0x2c6: {  	v17 =	vadd.s32 $0x21, v62;
	v10 =	vld.idx.msk [tilespmem:v14+s3+$0x0], $0xffff;
	v2 =	vor.u32 v1, v2;
	[tilespmem:v4+s17+$0x0] =	vst.idx.msk $0xffff, v16;
	v4 =	vand.u32 $0x1FFF8, v8  }
0x2c7: {  	v8 =	vadd.s32 s26, v51;
	v14 =	vadd.s32 $0x21, v61;
	v16 =	vld.idx.msk [tilespmem:v18+s3+$0x0], $0xffff;
	v4 =	vor.u32 v1, v4  }
0x2c8: {  	[tilespmem:v6+s17+$0x0] =	vst.idx.msk $0xffff, v19;
	v6 =	vand.u32 $0x1FFF8, v8;
	v8 =	vadd.s32 s24, v52;
	v18 =	vadd.s32 $0x21, v60  }
0x2c9: {  	v19 =	vld.idx.msk [tilespmem:v63+s3+$0x0], $0xffff;
	v6 =	vor.u32 v1, v6;
	v8 =	vand.u32 $0x1FFF8, v8  }
0x2ca: {  	v63 =	vadd.s32 $0x21, v59;
	[tilespmem:v0+s17+$0x0] =	vst.idx.msk $0xffff, v12;
	v0 =	vor.u32 v3, v8;
	v8 =	vadd.s32 s28, v52  }
0x2cb: {  	v12 =	vld.idx.msk [tilespmem:v17+s3+$0x0], $0xffff;
	[tilespmem:v2+s17+$0x0] =	vst.idx.msk $0xffff, v10;
	v2 =	vand.u32 $0x1FFF8, v8;
	v8 =	vadd.s32 s29, v52  }
0x2cc: {  	v17 =	vadd.s32 $0x22, v62;
	v10 =	vld.idx.msk [tilespmem:v14+s3+$0x0], $0xffff;
	v2 =	vor.u32 v3, v2;
	[tilespmem:v4+s17+$0x0] =	vst.idx.msk $0xffff, v16;
	v4 =	vand.u32 $0x1FFF8, v8  }
0x2cd: {  	v8 =	vadd.s32 s26, v52;
	v14 =	vadd.s32 $0x22, v61;
	v16 =	vld.idx.msk [tilespmem:v18+s3+$0x0], $0xffff;
	v4 =	vor.u32 v3, v4  }
0x2ce: {  	[tilespmem:v6+s17+$0x0] =	vst.idx.msk $0xffff, v19;
	v6 =	vand.u32 $0x1FFF8, v8;
	v8 =	vadd.s32 s24, v53;
	v18 =	vadd.s32 $0x22, v60  }
0x2cf: {  	v19 =	vld.idx.msk [tilespmem:v63+s3+$0x0], $0xffff;
	v6 =	vor.u32 v3, v6;
	v8 =	vand.u32 $0x1FFF8, v8  }
0x2d0: {  	v63 =	vadd.s32 $0x22, v59;
	[tilespmem:v0+s17+$0x0] =	vst.idx.msk $0xffff, v12;
	v0 =	vor.u32 v5, v8;
	v8 =	vadd.s32 s28, v53  }
0x2d1: {  	v12 =	vld.idx.msk [tilespmem:v17+s3+$0x0], $0xffff;
	[tilespmem:v2+s17+$0x0] =	vst.idx.msk $0xffff, v10;
	v2 =	vand.u32 $0x1FFF8, v8;
	v8 =	vadd.s32 s29, v53  }
0x2d2: {  	v17 =	vadd.s32 $0x23, v62;
	v10 =	vld.idx.msk [tilespmem:v14+s3+$0x0], $0xffff;
	v2 =	vor.u32 v5, v2;
	[tilespmem:v4+s17+$0x0] =	vst.idx.msk $0xffff, v16;
	v4 =	vand.u32 $0x1FFF8, v8  }
0x2d3: {  	v8 =	vadd.s32 s26, v53;
	v14 =	vadd.s32 $0x23, v61;
	v16 =	vld.idx.msk [tilespmem:v18+s3+$0x0], $0xffff;
	v4 =	vor.u32 v5, v4  }
0x2d4: {  	[tilespmem:v6+s17+$0x0] =	vst.idx.msk $0xffff, v19;
	v6 =	vand.u32 $0x1FFF8, v8;
	v8 =	vadd.s32 s24, v54;
	v18 =	vadd.s32 $0x23, v60  }
0x2d5: {  	v19 =	vld.idx.msk [tilespmem:v63+s3+$0x0], $0xffff;
	v6 =	vor.u32 v5, v6;
	v8 =	vand.u32 $0x1FFF8, v8  }
0x2d6: {  	v63 =	vadd.s32 $0x23, v59;
	[tilespmem:v0+s17+$0x0] =	vst.idx.msk $0xffff, v12;
	v0 =	vor.u32 v7, v8;
	v8 =	vadd.s32 s28, v54  }
0x2d7: {  	v12 =	vld.idx.msk [tilespmem:v17+s3+$0x0], $0xffff;
	[tilespmem:v2+s17+$0x0] =	vst.idx.msk $0xffff, v10;
	v2 =	vand.u32 $0x1FFF8, v8;
	v8 =	vadd.s32 s29, v54  }
0x2d8: {  	v17 =	vadd.s32 $0x24, v62;
	v10 =	vld.idx.msk [tilespmem:v14+s3+$0x0], $0xffff;
	v2 =	vor.u32 v7, v2;
	[tilespmem:v4+s17+$0x0] =	vst.idx.msk $0xffff, v16;
	v4 =	vand.u32 $0x1FFF8, v8  }
0x2d9: {  	v8 =	vadd.s32 s26, v54;
	v14 =	vadd.s32 $0x24, v61;
	v16 =	vld.idx.msk [tilespmem:v18+s3+$0x0], $0xffff;
	v4 =	vor.u32 v7, v4  }
0x2da: {  	[tilespmem:v6+s17+$0x0] =	vst.idx.msk $0xffff, v19;
	v6 =	vand.u32 $0x1FFF8, v8;
	v8 =	vadd.s32 s24, v55;
	v18 =	vadd.s32 $0x24, v60  }
0x2db: {  	v19 =	vld.idx.msk [tilespmem:v63+s3+$0x0], $0xffff;
	v6 =	vor.u32 v7, v6;
	v8 =	vand.u32 $0x1FFF8, v8  }
0x2dc: {  	v63 =	vadd.s32 $0x24, v59;
	[tilespmem:v0+s17+$0x0] =	vst.idx.msk $0xffff, v12;
	v0 =	vor.u32 v9, v8;
	v8 =	vadd.s32 s28, v55  }
0x2dd: {  	v12 =	vld.idx.msk [tilespmem:v17+s3+$0x0], $0xffff;
	[tilespmem:v2+s17+$0x0] =	vst.idx.msk $0xffff, v10;
	v2 =	vand.u32 $0x1FFF8, v8;
	v8 =	vadd.s32 s29, v55  }
0x2de: {  	v17 =	vadd.s32 $0x25, v62;
	v10 =	vld.idx.msk [tilespmem:v14+s3+$0x0], $0xffff;
	v2 =	vor.u32 v9, v2;
	[tilespmem:v4+s17+$0x0] =	vst.idx.msk $0xffff, v16;
	v4 =	vand.u32 $0x1FFF8, v8  }
0x2df: {  	v8 =	vadd.s32 s26, v55;
	v14 =	vadd.s32 $0x25, v61;
	v16 =	vld.idx.msk [tilespmem:v18+s3+$0x0], $0xffff;
	v4 =	vor.u32 v9, v4  }
0x2e0: {  	[tilespmem:v6+s17+$0x0] =	vst.idx.msk $0xffff, v19;
	v6 =	vand.u32 $0x1FFF8, v8;
	v8 =	vadd.s32 s24, v56;
	v18 =	vadd.s32 $0x25, v60  }
0x2e1: {  	v19 =	vld.idx.msk [tilespmem:v63+s3+$0x0], $0xffff;
	v6 =	vor.u32 v9, v6;
	v8 =	vand.u32 $0x1FFF8, v8  }
0x2e2: {  	v63 =	vadd.s32 $0x25, v59;
	[tilespmem:v0+s17+$0x0] =	vst.idx.msk $0xffff, v12;
	v0 =	vor.u32 v11, v8;
	v8 =	vadd.s32 s28, v56  }
0x2e3: {  	v12 =	vld.idx.msk [tilespmem:v17+s3+$0x0], $0xffff;
	[tilespmem:v2+s17+$0x0] =	vst.idx.msk $0xffff, v10;
	v2 =	vand.u32 $0x1FFF8, v8;
	v8 =	vadd.s32 s29, v56  }
0x2e4: {  	v17 =	vadd.s32 $0x26, v62;
	v10 =	vld.idx.msk [tilespmem:v14+s3+$0x0], $0xffff;
	v2 =	vor.u32 v11, v2;
	[tilespmem:v4+s17+$0x0] =	vst.idx.msk $0xffff, v16;
	v4 =	vand.u32 $0x1FFF8, v8  }
0x2e5: {  	v8 =	vadd.s32 s26, v56;
	v14 =	vadd.s32 $0x26, v61;
	v16 =	vld.idx.msk [tilespmem:v18+s3+$0x0], $0xffff;
	v4 =	vor.u32 v11, v4  }
0x2e6: {  	[tilespmem:v6+s17+$0x0] =	vst.idx.msk $0xffff, v19;
	v6 =	vand.u32 $0x1FFF8, v8;
	v8 =	vadd.s32 s24, v57;
	v18 =	vadd.s32 $0x26, v60  }
0x2e7: {  	v19 =	vld.idx.msk [tilespmem:v63+s3+$0x0], $0xffff;
	v6 =	vor.u32 v11, v6;
	v8 =	vand.u32 $0x1FFF8, v8  }
0x2e8: {  	v63 =	vadd.s32 $0x26, v59;
	[tilespmem:v0+s17+$0x0] =	vst.idx.msk $0xffff, v12;
	v0 =	vor.u32 v13, v8;
	v8 =	vadd.s32 s28, v57  }
0x2e9: {  	v12 =	vld.idx.msk [tilespmem:v17+s3+$0x0], $0xffff;
	[tilespmem:v2+s17+$0x0] =	vst.idx.msk $0xffff, v10;
	v2 =	vand.u32 $0x1FFF8, v8;
	v8 =	vadd.s32 s29, v57  }
0x2ea: {  	v17 =	vadd.s32 $0x27, v62;
	v10 =	vld.idx.msk [tilespmem:v14+s3+$0x0], $0xffff;
	v2 =	vor.u32 v13, v2;
	[tilespmem:v4+s17+$0x0] =	vst.idx.msk $0xffff, v16;
	v4 =	vand.u32 $0x1FFF8, v8  }
0x2eb: {  	v8 =	vadd.s32 s26, v57;
	v14 =	vadd.s32 $0x27, v61;
	v16 =	vld.idx.msk [tilespmem:v18+s3+$0x0], $0xffff;
	v4 =	vor.u32 v13, v4  }
0x2ec: {  	[tilespmem:v6+s17+$0x0] =	vst.idx.msk $0xffff, v19;
	v6 =	vand.u32 $0x1FFF8, v8;
	v8 =	vadd.s32 s24, v58;
	v18 =	vadd.s32 $0x27, v60  }
0x2ed: {  	v19 =	vld.idx.msk [tilespmem:v63+s3+$0x0], $0xffff;
	v6 =	vor.u32 v13, v6;
	v8 =	vand.u32 $0x1FFF8, v8  }
0x2ee: {  	v63 =	vadd.s32 $0x27, v59;
	[tilespmem:v0+s17+$0x0] =	vst.idx.msk $0xffff, v12;
	v0 =	vor.u32 v15, v8;
	v8 =	vadd.s32 s28, v58  }
0x2ef: {  	v12 =	vld.idx.msk [tilespmem:v17+s3+$0x0], $0xffff;
	[tilespmem:v2+s17+$0x0] =	vst.idx.msk $0xffff, v10;
	v2 =	vand.u32 $0x1FFF8, v8;
	v8 =	vadd.s32 s29, v58  }
0x2f0: {  	v17 =	vadd.s32 $0x28, v62;
	v10 =	vld.idx.msk [tilespmem:v14+s3+$0x0], $0xffff;
	v2 =	vor.u32 v15, v2;
	[tilespmem:v4+s17+$0x0] =	vst.idx.msk $0xffff, v16;
	v4 =	vand.u32 $0x1FFF8, v8  }
0x2f1: {  	v8 =	vadd.s32 s26, v58;
	v14 =	vadd.s32 $0x28, v61;
	v16 =	vld.idx.msk [tilespmem:v18+s3+$0x0], $0xffff;
	v4 =	vor.u32 v15, v4  }
0x2f2: {  	[tilespmem:v6+s17+$0x0] =	vst.idx.msk $0xffff, v19;
	v6 =	vand.u32 $0x1FFF8, v8;
	v8 =	vadd.s32 s24, v21;
	v18 =	vadd.s32 $0x28, v60  }
0x2f3: {  	v19 =	vld.idx.msk [tilespmem:v63+s3+$0x0], $0xffff;
	v6 =	vor.u32 v15, v6;
	v8 =	vand.u32 $0x1FFF8, v8  }
0x2f4: {  	v63 =	vadd.s32 $0x28, v59;
	[tilespmem:v0+s17+$0x0] =	vst.idx.msk $0xffff, v12;
	v0 =	vor.u32 v1, v8;
	v8 =	vadd.s32 s28, v21  }
0x2f5: {  	v12 =	vld.idx.msk [tilespmem:v17+s3+$0x0], $0xffff;
	[tilespmem:v2+s17+$0x0] =	vst.idx.msk $0xffff, v10;
	v2 =	vand.u32 $0x1FFF8, v8;
	v8 =	vadd.s32 s29, v21  }
0x2f6: {  	v17 =	vadd.s32 $0x29, v62;
	v10 =	vld.idx.msk [tilespmem:v14+s3+$0x0], $0xffff;
	v2 =	vor.u32 v1, v2;
	[tilespmem:v4+s17+$0x0] =	vst.idx.msk $0xffff, v16;
	v4 =	vand.u32 $0x1FFF8, v8  }
0x2f7: {  	v8 =	vadd.s32 s26, v21;
	v14 =	vadd.s32 $0x29, v61;
	v16 =	vld.idx.msk [tilespmem:v18+s3+$0x0], $0xffff;
	v4 =	vor.u32 v1, v4  }
0x2f8: {  	[tilespmem:v6+s17+$0x0] =	vst.idx.msk $0xffff, v19;
	v6 =	vand.u32 $0x1FFF8, v8;
	v8 =	vadd.s32 s24, v22;
	v18 =	vadd.s32 $0x29, v60  }
0x2f9: {  	v19 =	vld.idx.msk [tilespmem:v63+s3+$0x0], $0xffff;
	v6 =	vor.u32 v1, v6;
	v8 =	vand.u32 $0x1FFF8, v8  }
0x2fa: {  	v63 =	vadd.s32 $0x29, v59;
	[tilespmem:v0+s17+$0x0] =	vst.idx.msk $0xffff, v12;
	v0 =	vor.u32 v3, v8;
	v8 =	vadd.s32 s28, v22  }
0x2fb: {  	v12 =	vld.idx.msk [tilespmem:v17+s3+$0x0], $0xffff;
	[tilespmem:v2+s17+$0x0] =	vst.idx.msk $0xffff, v10;
	v2 =	vand.u32 $0x1FFF8, v8;
	v8 =	vadd.s32 s29, v22  }
0x2fc: {  	v17 =	vadd.s32 $0x2A, v62;
	v10 =	vld.idx.msk [tilespmem:v14+s3+$0x0], $0xffff;
	v2 =	vor.u32 v3, v2;
	[tilespmem:v4+s17+$0x0] =	vst.idx.msk $0xffff, v16;
	v4 =	vand.u32 $0x1FFF8, v8  }
0x2fd: {  	v8 =	vadd.s32 s26, v22;
	v14 =	vadd.s32 $0x2A, v61;
	v16 =	vld.idx.msk [tilespmem:v18+s3+$0x0], $0xffff;
	v4 =	vor.u32 v3, v4  }
0x2fe: {  	[tilespmem:v6+s17+$0x0] =	vst.idx.msk $0xffff, v19;
	v6 =	vand.u32 $0x1FFF8, v8;
	v8 =	vadd.s32 s24, v23;
	v18 =	vadd.s32 $0x2A, v60  }
0x2ff: {  	v19 =	vld.idx.msk [tilespmem:v63+s3+$0x0], $0xffff;
	v6 =	vor.u32 v3, v6;
	v8 =	vand.u32 $0x1FFF8, v8  }
0x300: {  	v63 =	vadd.s32 $0x2A, v59;
	[tilespmem:v0+s17+$0x0] =	vst.idx.msk $0xffff, v12;
	v0 =	vor.u32 v5, v8;
	v8 =	vadd.s32 s28, v23  }
0x301: {  	v12 =	vld.idx.msk [tilespmem:v17+s3+$0x0], $0xffff;
	[tilespmem:v2+s17+$0x0] =	vst.idx.msk $0xffff, v10;
	v2 =	vand.u32 $0x1FFF8, v8;
	v8 =	vadd.s32 s29, v23  }
0x302: {  	v17 =	vadd.s32 $0x2B, v62;
	v10 =	vld.idx.msk [tilespmem:v14+s3+$0x0], $0xffff;
	v2 =	vor.u32 v5, v2;
	[tilespmem:v4+s17+$0x0] =	vst.idx.msk $0xffff, v16;
	v4 =	vand.u32 $0x1FFF8, v8  }
0x303: {  	v8 =	vadd.s32 s26, v23;
	v14 =	vadd.s32 $0x2B, v61;
	v16 =	vld.idx.msk [tilespmem:v18+s3+$0x0], $0xffff;
	v4 =	vor.u32 v5, v4  }
0x304: {  	[tilespmem:v6+s17+$0x0] =	vst.idx.msk $0xffff, v19;
	v6 =	vand.u32 $0x1FFF8, v8;
	v8 =	vadd.s32 s24, v24;
	v18 =	vadd.s32 $0x2B, v60  }
0x305: {  	v19 =	vld.idx.msk [tilespmem:v63+s3+$0x0], $0xffff;
	v6 =	vor.u32 v5, v6;
	v8 =	vand.u32 $0x1FFF8, v8  }
0x306: {  	v63 =	vadd.s32 $0x2B, v59;
	[tilespmem:v0+s17+$0x0] =	vst.idx.msk $0xffff, v12;
	v0 =	vor.u32 v7, v8;
	v8 =	vadd.s32 s28, v24  }
0x307: {  	v12 =	vld.idx.msk [tilespmem:v17+s3+$0x0], $0xffff;
	[tilespmem:v2+s17+$0x0] =	vst.idx.msk $0xffff, v10;
	v2 =	vand.u32 $0x1FFF8, v8;
	v8 =	vadd.s32 s29, v24  }
0x308: {  	v17 =	vadd.s32 $0x2C, v62;
	v10 =	vld.idx.msk [tilespmem:v14+s3+$0x0], $0xffff;
	v2 =	vor.u32 v7, v2;
	[tilespmem:v4+s17+$0x0] =	vst.idx.msk $0xffff, v16;
	v4 =	vand.u32 $0x1FFF8, v8  }
0x309: {  	v8 =	vadd.s32 s26, v24;
	v14 =	vadd.s32 $0x2C, v61;
	v16 =	vld.idx.msk [tilespmem:v18+s3+$0x0], $0xffff;
	v4 =	vor.u32 v7, v4  }
0x30a: {  	[tilespmem:v6+s17+$0x0] =	vst.idx.msk $0xffff, v19;
	v6 =	vand.u32 $0x1FFF8, v8;
	v8 =	vadd.s32 s24, v25;
	v18 =	vadd.s32 $0x2C, v60  }
0x30b: {  	v19 =	vld.idx.msk [tilespmem:v63+s3+$0x0], $0xffff;
	v6 =	vor.u32 v7, v6;
	v8 =	vand.u32 $0x1FFF8, v8  }
0x30c: {  	v63 =	vadd.s32 $0x2C, v59;
	[tilespmem:v0+s17+$0x0] =	vst.idx.msk $0xffff, v12;
	v0 =	vor.u32 v9, v8;
	v8 =	vadd.s32 s28, v25  }
0x30d: {  	v12 =	vld.idx.msk [tilespmem:v17+s3+$0x0], $0xffff;
	[tilespmem:v2+s17+$0x0] =	vst.idx.msk $0xffff, v10;
	v2 =	vand.u32 $0x1FFF8, v8;
	v8 =	vadd.s32 s29, v25  }
0x30e: {  	v17 =	vadd.s32 $0x2D, v62;
	v10 =	vld.idx.msk [tilespmem:v14+s3+$0x0], $0xffff;
	v2 =	vor.u32 v9, v2;
	[tilespmem:v4+s17+$0x0] =	vst.idx.msk $0xffff, v16;
	v4 =	vand.u32 $0x1FFF8, v8  }
0x30f: {  	v8 =	vadd.s32 s26, v25;
	v14 =	vadd.s32 $0x2D, v61;
	v16 =	vld.idx.msk [tilespmem:v18+s3+$0x0], $0xffff;
	v4 =	vor.u32 v9, v4  }
0x310: {  	[tilespmem:v6+s17+$0x0] =	vst.idx.msk $0xffff, v19;
	v6 =	vand.u32 $0x1FFF8, v8;
	v8 =	vadd.s32 s24, v26;
	v18 =	vadd.s32 $0x2D, v60  }
0x311: {  	v19 =	vld.idx.msk [tilespmem:v63+s3+$0x0], $0xffff;
	v6 =	vor.u32 v9, v6;
	v8 =	vand.u32 $0x1FFF8, v8  }
0x312: {  	v63 =	vadd.s32 $0x2D, v59;
	[tilespmem:v0+s17+$0x0] =	vst.idx.msk $0xffff, v12;
	v0 =	vor.u32 v11, v8;
	v8 =	vadd.s32 s28, v26  }
0x313: {  	v12 =	vld.idx.msk [tilespmem:v17+s3+$0x0], $0xffff;
	[tilespmem:v2+s17+$0x0] =	vst.idx.msk $0xffff, v10;
	v2 =	vand.u32 $0x1FFF8, v8;
	v8 =	vadd.s32 s29, v26  }
0x314: {  	v17 =	vadd.s32 $0x2E, v62;
	v10 =	vld.idx.msk [tilespmem:v14+s3+$0x0], $0xffff;
	v2 =	vor.u32 v11, v2;
	[tilespmem:v4+s17+$0x0] =	vst.idx.msk $0xffff, v16;
	v4 =	vand.u32 $0x1FFF8, v8  }
0x315: {  	v8 =	vadd.s32 s26, v26;
	v14 =	vadd.s32 $0x2E, v61;
	v16 =	vld.idx.msk [tilespmem:v18+s3+$0x0], $0xffff;
	v4 =	vor.u32 v11, v4  }
0x316: {  	[tilespmem:v6+s17+$0x0] =	vst.idx.msk $0xffff, v19;
	v6 =	vand.u32 $0x1FFF8, v8;
	v8 =	vadd.s32 s24, v27;
	v18 =	vadd.s32 $0x2E, v60  }
0x317: {  	v19 =	vld.idx.msk [tilespmem:v63+s3+$0x0], $0xffff;
	v6 =	vor.u32 v11, v6;
	v8 =	vand.u32 $0x1FFF8, v8  }
0x318: {  	v63 =	vadd.s32 $0x2E, v59;
	[tilespmem:v0+s17+$0x0] =	vst.idx.msk $0xffff, v12;
	v0 =	vor.u32 v13, v8;
	v8 =	vadd.s32 s28, v27  }
0x319: {  	v12 =	vld.idx.msk [tilespmem:v17+s3+$0x0], $0xffff;
	[tilespmem:v2+s17+$0x0] =	vst.idx.msk $0xffff, v10;
	v2 =	vand.u32 $0x1FFF8, v8;
	v8 =	vadd.s32 s29, v27  }
0x31a: {  	v17 =	vadd.s32 $0x2F, v62;
	v10 =	vld.idx.msk [tilespmem:v14+s3+$0x0], $0xffff;
	v2 =	vor.u32 v13, v2;
	[tilespmem:v4+s17+$0x0] =	vst.idx.msk $0xffff, v16;
	v4 =	vand.u32 $0x1FFF8, v8  }
0x31b: {  	v8 =	vadd.s32 s26, v27;
	v14 =	vadd.s32 $0x2F, v61;
	v16 =	vld.idx.msk [tilespmem:v18+s3+$0x0], $0xffff;
	v4 =	vor.u32 v13, v4  }
0x31c: {  	[tilespmem:v6+s17+$0x0] =	vst.idx.msk $0xffff, v19;
	v6 =	vand.u32 $0x1FFF8, v8;
	v8 =	vadd.s32 s24, v28;
	v18 =	vadd.s32 $0x2F, v60  }
0x31d: {  	v19 =	vld.idx.msk [tilespmem:v63+s3+$0x0], $0xffff;
	v6 =	vor.u32 v13, v6;
	v8 =	vand.u32 $0x1FFF8, v8  }
0x31e: {  	v63 =	vadd.s32 $0x2F, v59;
	[tilespmem:v0+s17+$0x0] =	vst.idx.msk $0xffff, v12;
	v0 =	vor.u32 v15, v8;
	v8 =	vadd.s32 s28, v28  }
0x31f: {  	v12 =	vld.idx.msk [tilespmem:v17+s3+$0x0], $0xffff;
	[tilespmem:v2+s17+$0x0] =	vst.idx.msk $0xffff, v10;
	v2 =	vand.u32 $0x1FFF8, v8;
	v8 =	vadd.s32 s29, v28  }
0x320: {  	v10 =	vld.idx.msk [tilespmem:v14+s3+$0x0], $0xffff;
	v2 =	vor.u32 v15, v2;
	[tilespmem:v4+s17+$0x0] =	vst.idx.msk $0xffff, v16;
	v4 =	vand.u32 $0x1FFF8, v8  }
0x321: {  	v17 =	vadd.s32 $0x30, v62;
	v8 =	vadd.s32 s26, v28;
	v16 =	vld.idx.msk [tilespmem:v18+s3+$0x0], $0xffff;
	v4 =	vor.u32 v15, v4  }
0x322: {  	[tilespmem:v6+s17+$0x0] =	vst.idx.msk $0xffff, v19;
	v6 =	vand.u32 $0x1FFF8, v8;
	v8 =	vadd.s32 s24, v29;
	v18 =	vadd.s32 $0x30, v60  }
0x323: {  	v14 =	vadd.s32 $0x30, v61;
	v19 =	vld.idx.msk [tilespmem:v63+s3+$0x0], $0xffff;
	v8 =	vand.u32 $0x1FFF8, v8  }
0x324: {  	v6 =	vor.u32 v15, v6;
	[tilespmem:v0+s17+$0x0] =	vst.idx.msk $0xffff, v12;
	v0 =	vor.u32 v1, v8;
	v8 =	vadd.s32 s28, v29  }
0x325: {  	v63 =	vadd.s32 $0x30, v59;
	[tilespmem:v2+s17+$0x0] =	vst.idx.msk $0xffff, v10;
	v2 =	vand.u32 $0x1FFF8, v8;
	v8 =	vadd.s32 s29, v29  }
0x326: {  	v12 =	vld.idx.msk [tilespmem:v17+s3+$0x0], $0xffff;
	[tilespmem:v4+s17+$0x0] =	vst.idx.msk $0xffff, v16;
	v4 =	vand.u32 $0x1FFF8, v8  }
0x327: {  	v16 =	vld.idx.msk [tilespmem:v18+s3+$0x0], $0xffff;
	v4 =	vor.u32 v1, v4  }
0x328: {  	v17 =	vadd.s32 $0x31, v62;
	v10 =	vld.idx.msk [tilespmem:v14+s3+$0x0], $0xffff;
	v2 =	vor.u32 v1, v2;
	v8 =	vadd.s32 s26, v29  }
0x329: {  	v14 =	vadd.s32 $0x31, v61;
	[tilespmem:v6+s17+$0x0] =	vst.idx.msk $0xffff, v19;
	v6 =	vand.u32 $0x1FFF8, v8;
	v8 =	vadd.s32 s24, v30  }
0x32a: {  	v18 =	vadd.s32 $0x31, v60;
	v19 =	vld.idx.msk [tilespmem:v63+s3+$0x0], $0xffff;
	v6 =	vor.u32 v1, v6;
	v8 =	vand.u32 $0x1FFF8, v8  }
0x32b: {  	v63 =	vadd.s32 $0x31, v59;
	[tilespmem:v0+s17+$0x0] =	vst.idx.msk $0xffff, v12;
	v0 =	vor.u32 v3, v8  }
0x32c: {  	v8 =	vadd.s32 s28, v30;
	v12 =	vadd.s32 s29, v30;
	[tilespmem:v4+s17+$0x0] =	vst.idx.msk $0xffff, v16;
	v16 =	vadd.s32 $0x32, v61;
	v61 =	vld [tilespmem:$0x1FFE0]  }
0x32d: {  	v8 =	vand.u32 $0x1FFF8, v8;
	v12 =	vand.u32 $0x1FFF8, v12;
	[tilespmem:v2+s17+$0x0] =	vst.idx.msk $0xffff, v10;
	v2 =	vld.idx.msk [tilespmem:v17+s3+$0x0], $0xffff  }
0x32e: {  	v10 =	vadd.s32 $0x32, v62;
	v8 =	vor.u32 v3, v8;
	v4 =	vld.idx.msk [tilespmem:v14+s3+$0x0], $0xffff;
	v14 =	vadd.s32 s26, v30  }
0x32f: {  	v12 =	vor.u32 v3, v12;
	v17 =	vld.idx.msk [tilespmem:v18+s3+$0x0], $0xffff;
	[tilespmem:v6+s17+$0x0] =	vst.idx.msk $0xffff, v19;
	v6 =	vand.u32 $0x1FFF8, v14  }
0x330: {  	v14 =	vadd.s32 $0x32, v60;
	v18 =	vld.idx.msk [tilespmem:v63+s3+$0x0], $0xffff;
	v6 =	vor.u32 v3, v6  }
0x331: {  	v59 =	vadd.s32 $0x32, v59;
	v19 =	vadd.s32 s24, v61  }
0x332: {  	[tilespmem:v0+s17+$0x0] =	vst.idx.msk $0xffff, v2;
	v60 =	vadd.s32 s28, v61;
	v0 =	vand.u32 $0x1FFF8, v19  }
0x333: {  	v2 =	vadd.s32 s29, v61;
	[tilespmem:v8+s17+$0x0] =	vst.idx.msk $0xffff, v4;
	v4 =	vld.idx.msk [tilespmem:v10+s3+$0x0], $0xffff;
	v8 =	vand.u32 $0x1FFF8, v60;
	v0 =	vor.u32 v5, v0  }
0x334: {  	[tilespmem:v12+s17+$0x0] =	vst.idx.msk $0xffff, v17;
	v10 =	vld.idx.msk [tilespmem:v16+s3+$0x0], $0xffff;
	v2 =	vand.u32 $0x1FFF8, v2;
	v12 =	vadd.s32 s26, v61;
	v8 =	vor.u32 v5, v8  }
0x335: {  	s23 =	sadd.s32 $0x4, s23;
	[tilespmem:v6+s17+$0x0] =	vst.idx.msk $0xffff, v18;
	v6 =	vld.idx.msk [tilespmem:v14+s3+$0x0], $0xffff;
	v2 =	vor.u32 v5, v2;
	v12 =	vand.u32 $0x1FFF8, v12  }
0x336: {  	p0 =	slt.u32 s23, $0x20;
	v14 =	vld.idx.msk [tilespmem:v59+s3+$0x0], $0xffff;
	v12 =	vor.u32 v5, v12  }
.Ltmp1:
0x337: {  	_ = 	snop;
	(pc) =	sbr.rel @p0 .LBB2_5-.Ltmp1, $4  }
0x338: {  	[tilespmem:v0+s17+$0x0] =	vst.idx.msk $0xffff, v4  }
0x339: {  	[tilespmem:v8+s17+$0x0] =	vst.idx.msk $0xffff, v10  }
0x33a: {  	[tilespmem:v2+s17+$0x0] =	vst.idx.msk $0xffff, v6  }
0x33b: {  	s25 =	sadd.s32 $0x40, s25;
	s24 =	sadd.s32 $0xCC0, s24;
	[tilespmem:v12+s17+$0x0] =	vst.idx.msk $0xffff, v14;
	v14 =	vld [tilespmem:$0x1FFD0]  }
0x33c: {  	s21 =	sadd.s32 $0x1, s21  }
0x33d: {  	s22 =	smul.u32 $0x33, s22;
	p0 =	sne.s32 s21, $0x32  }
.Ltmp2:
0x33e: {  	_ = 	snop;
	(pc) =	sbr.rel @p0 .LBB2_2-.Ltmp2, $4  }
0x33f: {  	_ = 	snop  }
0x340: {  	s22 =	sshrl.u32 s22, $0x3  }
0x341: {  	s22 =	sadd.s32 s2, s22  }
0x342: {  	v62 =	vmov v30;
	v16 =	vld [tilespmem:$0x1FFF0];
	[hbm4b:s22+s3] =	stream.linear.scatter [tilespmem:s17], [sflag:$0x4], $0x72C0, $0x38  }
0x343: {  	s20 =	sadd.s32 $0x1, s20  }
0x344: {  	_ =	swait.ge [sflag:s18], $0x72C0;
	p0 =	sne.s32 s20, s10  }
.Ltmp3:
0x345: {  	[sflag:s18] =	ssyncset.done $0x0;
	(pc) =	sbr.rel @p0 .LBB2_1-.Ltmp3, $4  }
0x346: {  	[sflag:s18] =	ssyncadd.s32 $0xFFFF8D40  }
0x347: {  	_ =	swait.ge [sflag:s19], $0x72C0  }
0x348: {  	[sflag:s19] =	ssyncset.done $0x0  }
0x349: {  	[sflag:s19] =	ssyncadd.s32 $0xFFFF8D40  }
0x34a: {  	_ =	sfence.sel $0x180000  }
0x34b: {  	[bflag:$0x0] =	sbarrier.arrive $0xFFFF  }
0x34c: {  	p0 =	sne.s32 s0, $0x0;
	_ =	strace $0x90000047  }
0x34d: {  	s0 =	sadd.s32 @!p0 $0x100000, s1;
	[bflag:$0x2] =	sbarrier.arrive $0xFFFF  }
0x34e: {  	[sflag:s0] =	ssyncadd.tile.s32 @!p0 $0x1;
	_ =	shalt  }
.Lfunc_end2:
_tile_overlayer_lowered:
.L_overlay_start_2:
0x34f: {  	(tag) =	ssettag $0x2  }
0x350: {  	s0 =	rddreg [dreg:$0x0];
	s2 =	stileid.u32  }
0x351: {  	s1 =	rddreg [dreg:$0x1];
	p0 =	sne.s32 s2, $0x0  }
0x352: {  	s3 =	rddreg [dreg:$0x2];
	[bflag:$0x3] =	sbarrier.arrive $0xFFFF;
	s2 =	simm.s32 @!p0 $0x1C05  }
0x353: {  	[timem:s3], [sflag:s2] =	dma.local @!p0 [hbm:s0], s1  }
0x354: {  	s0 =	simm.s32 @!p0 $0x5  }
0x355: {  	_ =	swait.ge @!p0 [sflag:s0], s1  }
0x356: {  	s1 =	ssub.s32 @!p0 $0x0, s1;
	[sflag:s0] =	ssyncset.done @!p0 $0x0  }
0x357: {  	[sflag:s0] =	ssyncadd.s32 @!p0 s1  }
0x358: {  	[bflag:$0x3] =	sbarrier.arrive $0xFFFF  }
0x359: {  	_ =	shalt  }

// kernel: sparse-core-data-format-call.cloned.1.call-start
scs
called_computation_lowered:
.L_overlay_start_0:
0x0: {  	s2 =	sld [smem:$0x3FD9]  }
0x1: {  	s3 =	sld [smem:$0x3FFE];
	_ =	sdelay $0x1  }
0x2: {  	s1 =	srdreg.scid  }
0x3: {  	s0 =	sand.u32 $0x1, s1  }
0x4: {  	s18 =	sshll.u32 s0, $0xA;
	s2 =	sadd.s32 s3, s2  }
0x5: {  	s2 =	sadd.s32 s2, s18  }
0x6: {  	[smem:$0x3FC4] =	sst s2  }
0x7: {  	_ = 	snop  }
0x8: {  	s2 =	sld [smem:$0x3FD0];
	(tm) =	ssettm $0x1  }
0x9: {  	s19 =	sld [smem:$0x3FFB];
	_ =	sdelay $0x3  }
0xa: {  	_ =	strace s19  }
0xb: {  	s3 =	sld [smem:$0x3FFC];
	_ =	sdelay $0x3  }
0xc: {  	_ =	strace s3  }
0xd: {  	s3 =	sld [smem:$0x3FFD];
	_ =	sdelay $0x3  }
0xe: {  	_ =	strace s3  }
0xf: {  	_ =	strace $0x8FFFFFFF  }
0x10: {  	s20 =	sld [smem:$0x3FDB];
	_ =	sdelay $0x1  }
0x11: {  	s4 =	simm.s32 $_scs_section_size  }
0x12: {  	s5 =	simm.s32 $_size__tile_overlayer_lowered;
	s6 =	simm.s32 $_tile_overlayer_lowered  }
0x13: {  	s23 =	simm.s32 $0x1BFF;
	s22 =	sshll.u32 s6, $0x1;
	s3 =	sadd.s32 s4, s20  }
0x14: {  	s7 =	simm.s32 $0x0;
	s21 =	sshll.u32 s5, $0x1;
	s5 =	sadd.s32 s22, s3  }
0x15: {  	[timem:s7], [sflag:s23] =	dma.local [hbm:s5], s21  }
0x16: {  	_ =	swait.ge [sflag:s23], s21  }
0x17: {  	s4 =	ssub.s32 $0x0, s21;
	[sflag:s23] =	ssyncset.done $0x0  }
0x18: {  	[sflag:s23] =	ssyncadd.s32 s4;
	_ =	sdelay $0x1  }
0x19: {  	s24 =	simm.s32 $0x1B8B  }
0x1a: {  	_ =	swait.ge [sflag:s24], $0x1  }
0x1b: {  	[sflag:s24] =	ssyncset.done $0x0  }
0x1c: {  	s26 =	simm.s32 $0x1B8E;
	s25 =	sld [smem:$0x3FFE];
	[sflag:s24] =	ssyncadd.s32 $0xFFFFFFFF  }
0x1d: {  	s27 =	simm.s32 $execute0_lowered;
	[smem:$0x3FD2] =	sst s26  }
0x1e: {  	s5 =	sshll.u32 s27, $0x1;
	_ =	strace $0x80000049;
	[dreg:$0x1] =	wrdreg $0xFFFFFFFF  }
0x1f: {  	s28 =	simm.s32 $_size_execute0_lowered;
	s3 =	sadd.s32 s3, s5;
	[dreg:$0x0] =	wrdreg $0x0  }
0x20: {  	s5 =	sshll.u32 s28, $0x1;
	[dreg:$0x2] =	wrdreg s3  }
0x21: {  	[dreg:$0x3] =	wrdreg s5  }
0x22: {  	[dreg:$0x4] =	wrdreg $0xC0  }
0x23: {  	_ =	task [dreg:s7], $0x5FFFF  }
0x24: {  	[dreg:$0x1] =	wrdreg $0xFFFFFFFF  }
0x25: {  	[dreg:$0x0] =	wrdreg $0x60  }
0x26: {  	[dreg:$0x2] =	wrdreg s25  }
0x27: {  	[dreg:$0x3] =	wrdreg s2  }
0x28: {  	[dreg:$0x4] =	wrdreg $0x9  }
0x29: {  	_ =	task.clear_ibuf [dreg:s7], $0x5FFFF;
	_ =	strace $0x90000049  }
0x2a: {  	s29 =	simm.s32 $0x9;
	_ =	strace $0x8000004B  }
0x2b: {  	_ =	swait.ge [sflag:s29], $0x1  }
0x2c: {  	[sflag:s29] =	ssyncadd.s32 $0xFFFFFFFF  }
0x2d: {  	_ =	strace $0x9000004B  }
0x2e: {  	_ =	sfence  }
0x2f: {  	s30 =	sld [smem:$0x0];
	_ =	sdelay $0x2  }
0x30: {  	s31 =	sshll.u32 s1, $0xD;
	s1 =	sshrl.u32 s1, $0x2  }
0x31: {  	s3 =	sand.u32 $0x4000, s31;
	s1 =	sadd.s32 s1, s30  }
0x32: {  	s0 =	sor.u32 s3, s0;
	s1 =	sshll.u32 s1, $0x11  }
0x33: {  	s0 =	sor.u32 s1, s0  }
0x34: {  	s0 =	sadd.s32 $0x8F2B, s0  }
0x35: {  	[sflag:s0] =	ssyncadd.remote.s32 $0x1  }
0x36: {  	_ =	sfence.sel $0xFFFF  }
0x37: {  	[dreg:$0x0] =	wrdreg $0xFFFFFFFF;
	(pc) =	sbr.abs _section_cstart, $3  }
0x38: {  	[dreg:$0x1] =	wrdreg $0xFFFFFFFF  }
0x39: {  	_ =	task.clear_ibuf [dreg:s7], $0x2FFFF;
	_ =	strace $0x9FFFFFFF  }
0x3a: {  	(tm) =	ssettm $0x7FFFFFFF  }
0x3b: {  	_ =	shalt  }
tec
execute0_lowered:
.L_overlay_start_1:
0x0: {  	(tag) =	ssettag $0x1  }
0x1: {  	s0 =	stileid.u32  }
0x2: {  	s2 =	srdreg.scid;
	s7 =	rddreg [dreg:$0x0]  }
0x3: {  	s8 =	simm.s32 $0x2;
	s17 =	simm.s32 $0x0;
	s1 =	sshll.u32 s0, $0x7  }
0x4: {  	s9 =	simm.s32 $0x10000;
	s19 =	simm.s32 $0x0;
	s3 =	ssub.s32 $0x800, s1  }
0x5: {  	s18 =	simm.s32 $0x0;
	s2 =	sand.u32 $0x1, s2;
	s4 =	sand.u32 $0x780, s3  }
0x6: {  	s5 =	ssub.s32 $0x1E, s2;
	p0 =	sne.s32 s4, $0x0;
	s4 =	simm.s32 $0x1  }
0x7: {  	s3 =	sshrl.u32 s3, $0xB;
	s6 =	sshrl.u32 s5, $0x1;
	s4 =	simm.s32 @!p0 $0x0  }
0x8: {  	s10 =	simm.s32 $0x0;
	s5 =	ssub.s32 s5, s6;
	s3 =	sadd.s32 s4, s3  }
0x9: {  	s11 =	simm.s32 $0x0;
	s12 =	simm.s32 $0x0;
	s6 =	smul.u32 s3, s5  }
.Ltmp0:
0xa: {  	s13 =	simm.s32 $0x0;
	s4 =	rddreg [dreg:$0x1];
	(pc) =	sbr.rel .LBB1_1-.Ltmp0, $4  }
0xb: {  	s16 =	simm.s32 $0x0;
	s7 =	sadd.s32 $0x800, s7;
	s3 =	rddreg [dreg:$0x2]  }
0xc: {  	_ =	strace $0x8000004A;
	s5 =	simm.s32 $0x1;
	s6 =	smul.u32 $0x1E, s6  }
0xd: {  	s14 =	smov.u32 s2;
	s15 =	smov.u32 s1;
	[sflag:s5] =	ssyncpa.u1 $0x0  }
0xe: {  	p0 =	por $0x0, $0x0;
	[sflag:s8] =	ssyncpa.u1 $0x0;
	s8 =	sor.u32 $0x1, s6  }
.LBB1_4:
0xf: {  	s22 =	sshll.u32 s10, $0xB  }
0x10: {  	s23 =	sshll.u32 s12, $0x3;
	p1 =	sgt.s32 s10, $0x1F;
	s25 =	sshra.s32 s10, $0x1F  }
0x11: {  	p2 =	sgt.s32 s11, $0x1D;
	s26 =	sshra.s32 s12, $0x1F;
	s30 =	sshra.s32 s11, $0x1F  }
0x12: {  	s29 =	sshll.u32 s10, $0x7;
	s22 =	sand.u32 $0xC000, s22;
	s24 =	sand.u32 $0xFC00, s23  }
0x13: {  	s25 =	sand.u32 s25, s10;
	s22 =	sadd.s32 s24, s22;
	s24 =	smov.u32 s10  }
0x14: {  	s26 =	sand.u32 s26, s12;
	s23 =	sand.u32 $0x400, s23;
	s24 =	simm.s32 @!p1 $0x1F  }
0x15: {  	p1 =	sgt.s32 s12, $0x780;
	s22 =	sshrl.u32 s22, $0x3;
	s24 =	ssub.s32 s24, s25  }
0x16: {  	s25 =	smov.u32 s12;
	s22 =	sand.u32 $0x1F00, s22;
	s27 =	sadd.s32 $0xFFFFFFE1, s24  }
0x17: {  	s25 =	simm.s32 @!p1 $0x780;
	s24 =	ssub.s32 $0x20, s24;
	p1 =	sgt.s32 s27, $0x0  }
0x18: {  	s27 =	smov.u32 s11;
	s25 =	ssub.s32 s25, s26;
	s26 =	sand.u32 s30, s11  }
0x19: {  	s30 =	sand.u32 $0x78, s12;
	s27 =	simm.s32 @!p2 $0x1D;
	s24 =	simm.s32 @p1 $0x0  }
0x1a: {  	s31 =	sadd.s32 $0xFFFFF880, s25;
	s25 =	ssub.s32 $0x800, s25;
	s26 =	ssub.s32 s27, s26  }
0x1b: {  	p1 =	sgt.s32 s31, $0x7F;
	s31 =	smul.u32 $0x66000, s11;
	s28 =	ssub.s32 $0x1E, s26  }
0x1c: {  	s26 =	sadd.s32 $0xFFFFFFE3, s26;
	s25 =	simm.s32 @p1 $0x0;
	s27 =	smul.u32 $0x33, s28  }
0x1d: {  	s23 =	sor.u32 s30, s23;
	p1 =	sgt.s32 s26, $0x0;
	s24 =	smul.u32 s25, s24  }
0x1e: {  	s26 =	sand.u32 $0x380, s29;
	s25 =	sadd.s32 s4, s31;
	s27 =	simm.s32 @p1 $0x0  }
0x1f: {  	[tilespmem:s21+$0x810 ss:$0x81] =	vst.msk $0xffff, v2;
	s28 =	sand.u32 $0x7, s12;
	s23 =	sor.u32 s26, s23;
	s24 =	smul.u32 s27, s24  }
0x20: {  	[tilespmem:s21+$0x1020 ss:$0x81] =	vst.msk $0xffff, v0;
	s22 =	sadd.s32 s22, s25;
	s29 =	sshll.u32 s28, $0x12;
	s23 =	sshrl.u32 s23, $0x3  }
0x21: {  	[tilespmem:s21+$0x0 ss:$0x81] =	vst.msk $0xffff, v1;
	s31 =	sor.u32 $0x80, s29;
	s22 =	sadd.s32 s23, s22;
	s30 =	sand.u32 $0x3FFFFFFF, s24  }
0x22: {  	[hbm4b:s22+s31] =	stream.strided.scatter [tilespmem:s20], [sflag:$0x2], s30, s9, s31, $0x20;
	[tilespmem:$0x8080] =	vst v63  }
.LBB1_5:
0x23: {  	p1 =	slt.u32 s16, $0x2  }
0x24: {  	s20 =	smov.u32 s19;
	p2 =	sgt.s32 @!p1 s19, $0x1D;
	s21 =	sshra.s32 @!p1 s19, $0x1F  }
0x25: {  	s22 =	sshra.s32 @!p1 s18, $0x1F;
	p2 =	por !p2, p1;
	s19 =	sand.u32 @!p1 s21, s19  }
0x26: {  	s21 =	sshra.s32 @!p1 s17, $0x1F;
	s20 =	simm.s32 @p2 $0x1D;
	p2 =	sgt.s32 @!p1 s17, $0x1F  }
0x27: {  	s19 =	ssub.s32 @!p1 s20, s19;
	p2 =	por !p2, p1;
	s20 =	smov.u32 s17  }
0x28: {  	s17 =	sand.u32 @!p1 s21, s17;
	s20 =	simm.s32 @p2 $0x1F;
	p2 =	sgt.s32 @!p1 s18, $0x780  }
0x29: {  	s21 =	smov.u32 s18;
	s18 =	sand.u32 @!p1 s22, s18;
	p2 =	por !p2, p1  }
0x2a: {  	s17 =	ssub.s32 @!p1 s20, s17;
	s20 =	sadd.s32 @!p1 $0xFFFFFFE3, s19;
	s21 =	simm.s32 @p2 $0x780  }
0x2b: {  	s19 =	ssub.s32 @!p1 $0x1E, s19;
	s18 =	ssub.s32 @!p1 s21, s18;
	s21 =	sadd.s32 @!p1 $0xFFFFFFE1, s17  }
0x2c: {  	s19 =	smul.u32 @!p1 $0x33, s19;
	p2 =	sgt.s32 @!p1 s21, $0x0;
	s21 =	sadd.s32 @!p1 $0xFFFFF880, s18  }
0x2d: {  	s17 =	ssub.s32 @!p1 $0x20, s17;
	p2 =	por !p2, p1;
	p3 =	sgt.s32 @!p1 s21, $0x7F  }
0x2e: {  	s18 =	ssub.s32 @!p1 $0x800, s18;
	s17 =	simm.s32 @!p2 $0x0;
	p2 =	por !p3, p1  }
0x2f: {  	s21 =	smov.u32 s14;
	p3 =	sgt.s32 @!p1 s20, $0x0;
	s18 =	simm.s32 @!p2 $0x0  }
0x30: {  	s20 =	sadd.s32 $0x1, s13;
	p2 =	por !p3, p1;
	s17 =	smul.u32 @!p1 s18, s17  }
0x31: {  	s19 =	simm.s32 @!p2 $0x0;
	p2 =	sgt.s32 s20, $0x1D;
	s18 =	sadd.s32 $0x2, s14  }
0x32: {  	p0 =	por !p0, !p0;
	s21 =	smov.u32 @p2 s18  }
0x33: {  	s22 =	smov.u32 s15;
	s18 =	sadd.s32 $0x800, s15;
	p3 =	sgt.s32 s21, $0x1D  }
0x34: {  	s23 =	simm.s32 @!p1 $0x2;
	s20 =	simm.s32 @p2 $0x0;
	s22 =	smov.u32 @p3 s18  }
0x35: {  	s17 =	smul.u32 @!p1 s19, s17;
	s19 =	smov.u32 s11;
	p2 =	sgt.s32 s22, $0x7FF  }
0x36: {  	s11 =	smov.u32 s14;
	s22 =	smov.u32 @p2 s1;
	p2 =	sne.s32 s16, s8  }
.Ltmp1:
0x37: {  	s21 =	smov.u32 @p3 s2;
	s18 =	smov.u32 s12;
	(pc) =	sbr.rel @!p2 .LBB1_6-.Ltmp1, $4  }
0x38: {  	s12 =	smov.u32 s15;
	s17 =	sand.u32 @!p1 $0x3FFFFFFF, s17;
	s14 =	smov.u32 s21  }
0x39: {  	_ =	swait.ge @!p1 [sflag:s23], s17;
	s24 =	ssub.s32 @!p1 $0x0, s17;
	s17 =	smov.u32 s10  }
0x3a: {  	s16 =	sadd.s32 $0x1, s16;
	s10 =	smov.u32 s13;
	[sflag:s23] =	ssyncset.done @!p1 $0x0  }
0x3b: {  	s13 =	smov.u32 s20;
	s15 =	smov.u32 s22;
	[sflag:s23] =	ssyncadd.s32 @!p1 s24  }
.LBB1_1:
0x3c: {  	p1 =	sge.u32 s16, s6  }
0x3d: {  	s21 =	smul.u32 @!p1 $0x3C00, s15  }
0x3e: {  	s31 =	sadd.s32 $0xFFFFFFFF, s16;
	s20 =	sxor.u32 @!p1 $0xFFFFFFFF, s16;
	s22 =	sshll.u32 @!p1 s14, $0x9  }
0x3f: {  	s23 =	sshll.u32 @!p1 s13, $0x4;
	s20 =	sshll.u32 @!p1 s20, $0xD;
	s21 =	sadd.s32 @!p1 s7, s21  }
0x40: {  	s23 =	sand.u32 @!p1 $0x1F0, s23;
	s20 =	sand.u32 @!p1 $0x2000, s20;
	s21 =	sadd.s32 @!p1 s22, s21  }
0x41: {  	s22 =	simm.s32 @!p1 $0x40;
	s21 =	sadd.s32 @!p1 s23, s21;
	s23 =	simm.s32 @!p1 $0x1E000  }
0x42: {  	[tilespmem:s20], [sflag:$0x1] =	stream.strided.gather @!p1 [hbm4b:s21+s22], $0x2000, s23, s22, $0x38;
	[tilespmem:$0x8080] =	vst v63  }
0x43: {  	p1 =	sge.u32 s31, s6  }
.Ltmp2:
0x44: {  	_ = 	snop;
	(pc) =	sbr.rel @p1 .LBB1_5-.Ltmp2, $1  }
0x45: {  	_ =	sdelay $0x3  }
0x46: {  	s20 =	simm.s32 $0x1  }
0x47: {  	_ =	swait.ge [sflag:s5], $0x2000;
	s20 =	simm.s32 @!p0 $0x0  }
0x48: {  	[sflag:s5] =	ssyncset.done $0x0;
	s21 =	sshll.u32 s20, $0xD  }
0x49: {  	[sflag:s5] =	ssyncadd.s32 $0xFFFFE000;
	s24 =	sor.u32 $0x20, s21  }
0x4a: {  	s20 =	smul.u32 $0x8100, s20;
	v3 =	vld [tilespmem:s24+$0x10]  }
0x4b: {  	s30 =	sand.u32 $0x1, s16;
	v2 =	vld [tilespmem:s24+$0xFFFFFFF0]  }
0x4c: {  	s21 =	smul.u32 $0x8100, s30;
	s20 =	sshrl.u32 s20, $0x2;
	v0 =	vld [tilespmem:s24+$0x0]  }
0x4d: {  	v1 =	vld [tilespmem:s24+$0xFFFFFFE0];
	s22 =	sor.u32 $0x4000, s20  }
0x4e: {  	s31 =	sshrl.u32 s21, $0x2;
	s21 =	sadd.s32 $0x0, s22  }
0x4f: {  	s23 =	simm.s32 $0x4;
	s24 =	sadd.s32 $0x40, s24;
	s20 =	sor.u32 $0x4000, s31;
	[tilespmem:s21+$0x1830 ss:$0x81] =	vst.msk $0xffff, v3  }
.LBB1_3:
0x50: {  	v3 =	vld [tilespmem:s24+$0x10];
	p1 =	sne.s32 s23, $0x1FC;
	[tilespmem:s21+$0x810 ss:$0x81] =	vst.msk $0xffff, v2;
	s25 =	smov.u32 s23;
	s23 =	sadd.s32 $0x4, s23  }
.Ltmp3:
0x51: {  	v2 =	vld [tilespmem:s24+$0xFFFFFFF0];
	[tilespmem:s21+$0x1020 ss:$0x81] =	vst.msk $0xffff, v0;
	(pc) =	sbr.rel @p1 .LBB1_3-.Ltmp3, $4  }
0x52: {  	v0 =	vld [tilespmem:s24+$0x0];
	[tilespmem:s21+$0x0 ss:$0x81] =	vst.msk $0xffff, v1  }
0x53: {  	s21 =	sshra.s32 s25, $0x2;
	v1 =	vld [tilespmem:s24+$0xFFFFFFE0]  }
0x54: {  	s21 =	sadd.s32 s21, s22  }
0x55: {  	s24 =	sadd.s32 $0x40, s24;
	[tilespmem:s21+$0x1830 ss:$0x81] =	vst.msk $0xffff, v3  }
.Ltmp4:
0x56: {  	_ = 	snop;
	(pc) =	sbr.rel .LBB1_4-.Ltmp4, $1  }
0x57: {  	_ =	sdelay $0x3  }
.LBB1_6:
0x58: {  	_ =	sfence.sel $0x180000  }
0x59: {  	s1 =	simm.s32 $0x1;
	[bflag:$0x0] =	sbarrier.arrive $0xFFFF  }
0x5a: {  	s31 =	simm.s32 $0x2;
	[sflag:s1] =	ssyncpa.u1 $0x1  }
0x5b: {  	[sflag:s31] =	ssyncpa.u1 $0x1  }
0x5c: {  	p0 =	sne.s32 s0, $0x0;
	_ =	strace $0x9000004A  }
0x5d: {  	s0 =	sadd.s32 @!p0 $0x100000, s3;
	[bflag:$0x2] =	sbarrier.arrive $0xFFFF  }
0x5e: {  	[sflag:s0] =	ssyncadd.tile.s32 @!p0 $0x1;
	_ =	shalt  }
.Lfunc_end1:
_tile_overlayer_lowered:
.L_overlay_start_2:
0x5f: {  	(tag) =	ssettag $0x2  }
0x60: {  	s0 =	rddreg [dreg:$0x0];
	s2 =	stileid.u32  }
0x61: {  	s1 =	rddreg [dreg:$0x1];
	p0 =	sne.s32 s2, $0x0  }
0x62: {  	s3 =	rddreg [dreg:$0x2];
	[bflag:$0x3] =	sbarrier.arrive $0xFFFF;
	s2 =	simm.s32 @!p0 $0x1C01  }
0x63: {  	[timem:s3], [sflag:s2] =	dma.local @!p0 [hbm:s0], s1  }
0x64: {  	s0 =	simm.s32 @!p0 $0x1  }
0x65: {  	_ =	swait.ge @!p0 [sflag:s0], s1  }
0x66: {  	s1 =	ssub.s32 @!p0 $0x0, s1;
	[sflag:s0] =	ssyncset.done @!p0 $0x0  }
0x67: {  	[sflag:s0] =	ssyncadd.s32 @!p0 s1  }
0x68: {  	[bflag:$0x3] =	sbarrier.arrive $0xFFFF  }
0x69: {  	_ =	shalt  }

</sc_bundles>
